<compile_context>
chip_gen: v7x
topology: tpu7x:2x2x1
jax: 0.10.2.dev20260603
libtpu: 0.0.44.dev20260713+nightly
codegen_flags: <defaults>
</compile_context>

<pallas_src>
import functools

import jax
import jax.numpy as jnp
from jax import lax
from jax.experimental import pallas as pl
from jax.experimental.pallas import tpu as pltpu
from jax.experimental.pallas import tpu_sc as plsc

VOCAB = 100000
HIDDEN = 768
S_LEN = 512
TT_VOCAB = 2
B_SZ = 64
N_TOK = B_SZ * S_LEN
LN_EPS = 1e-12

NW = 32
SP_W = S_LEN // NW
CHUNK = 16
NCH = B_SZ
HS = HIDDEN // 16
NBROWS = TT_VOCAB * SP_W

_mesh = plsc.VectorSubcoreMesh(core_axis_name="c", subcore_axis_name="s")
_cparams = pltpu.CompilerParams(needs_layout_passes=False)


@functools.partial(
    pl.kernel,
    mesh=_mesh,
    out_type=jax.ShapeDtypeStruct((N_TOK, HIDDEN), jnp.float32),
    compiler_params=_cparams,
    scratch_types=[
        pltpu.VMEM((NCH, CHUNK), jnp.int32),
        pltpu.VMEM((NCH, CHUNK), jnp.int32),
        pltpu.VMEM((CHUNK, HIDDEN), jnp.float32),
        pltpu.VMEM((CHUNK, HIDDEN), jnp.float32),
        pltpu.VMEM((CHUNK, HIDDEN), jnp.float32),
        pltpu.VMEM((CHUNK, HIDDEN), jnp.float32),
        pltpu.VMEM((NBROWS, HIDDEN), jnp.float32),
        pltpu.VMEM((TT_VOCAB, HIDDEN), jnp.float32),
        pltpu.VMEM((HIDDEN,), jnp.float32),
        pltpu.VMEM((HIDDEN,), jnp.float32),
        pltpu.VMEM((CHUNK * 16,), jnp.float32),
        pltpu.VMEM((CHUNK * 16,), jnp.float32),
        pltpu.VMEM((CHUNK,), jnp.float32),
        pltpu.VMEM((CHUNK,), jnp.float32),
        pltpu.SemaphoreType.DMA,
        pltpu.SemaphoreType.DMA,
        pltpu.SemaphoreType.DMA,
        pltpu.SemaphoreType.DMA,
    ],
)
def _emb_layernorm(ids_hbm, brow_hbm, word_hbm, tt_hbm, pos_hbm, gam_hbm,
                   bet_hbm, out_hbm, widx_v, brow_v, rows0_v, rows1_v,
                   outb0_v, outb1_v, ttb_v, ttbuf_v, gam_v, bet_v,
                   sums_v, sq_v, a_v, b_v, sem_w0, sem_w1, sem_o0, sem_o1):
    wid = lax.axis_index("s") * 2 + lax.axis_index("c")
    pltpu.sync_copy(ids_hbm.at[wid], widx_v)
    pltpu.sync_copy(brow_hbm.at[wid], brow_v)
    pltpu.sync_copy(gam_hbm, gam_v)
    pltpu.sync_copy(bet_hbm, bet_v)
    pltpu.sync_copy(tt_hbm, ttbuf_v)
    pltpu.sync_copy(pos_hbm.at[pl.ds(wid * SP_W, SP_W)],
                    ttb_v.at[pl.ds(0, SP_W)])
    pltpu.sync_copy(pos_hbm.at[pl.ds(wid * SP_W, SP_W)],
                    ttb_v.at[pl.ds(SP_W, SP_W)])

    @plsc.parallel_loop(0, NBROWS * HS, unroll=8)
    def build(i):
        r = i // HS
        hs = pl.ds((i % HS) * 16, 16)
        ttb_v[r, hs] = ttb_v[r, hs] + ttbuf_v[r // SP_W, hs]

    lane = lax.iota(jnp.int32, 16)
    bufs = ((rows0_v, outb0_v, sem_w0, sem_o0),
            (rows1_v, outb1_v, sem_w1, sem_o1))

    def issue(ci, rows, sw):
        pltpu.async_copy(word_hbm.at[widx_v.at[ci]], rows, sw)

    def compute(ci, rows, outb):
        @plsc.parallel_loop(0, CHUNK)
        def p1(t):
            br = plsc.load_gather(brow_v, [jnp.full((16,), ci, jnp.int32),
                                           jnp.full((16,), t, jnp.int32)])
            z = jnp.zeros((16,), jnp.float32)

            @plsc.parallel_loop(0, HS, unroll=8, carry=(z, z))
            def accs(h, acc):
                acc_s, acc_q = acc
                hs = pl.ds(h * 16, 16)
                bslice = plsc.load_gather(ttb_v, [br, h * 16 + lane])
                v = rows[t, hs] + bslice
                rows[t, hs] = v
                return (acc_s + v, acc_q + v * v)

            acc_s, acc_q = accs
            sums_v[pl.ds(t * 16, 16)] = acc_s
            sq_v[pl.ds(t * 16, 16)] = acc_q

        col = lane * 16
        s_tot = jnp.zeros((16,), jnp.float32)
        q_tot = jnp.zeros((16,), jnp.float32)
        for l in range(16):
            s_tot = s_tot + plsc.load_gather(sums_v, [col + l])
            q_tot = q_tot + plsc.load_gather(sq_v, [col + l])
        mean = s_tot * (1.0 / HIDDEN)
        x = q_tot * (1.0 / HIDDEN) - mean * mean + LN_EPS
        iv = plsc.bitcast(x, jnp.int32)
        iv = 0x5F3759DF - lax.shift_right_logical(iv, 1)
        y = plsc.bitcast(iv, jnp.float32)
        xh = x * 0.5
        y = y * (1.5 - xh * y * y)
        y = y * (1.5 - xh * y * y)
        y = y * (1.5 - xh * y * y)
        a_v[pl.ds(0, CHUNK)] = y
        b_v[pl.ds(0, CHUNK)] = mean * y

        @plsc.parallel_loop(0, CHUNK // 8)
        def p3(g):
            t0 = g * 8
            ab = []
            for j in range(8):
                ti = jnp.full((16,), t0 + j, jnp.int32)
                ab.append((plsc.load_gather(a_v, [ti]),
                           plsc.load_gather(b_v, [ti])))

            @plsc.parallel_loop(0, HS, unroll=2)
            def apply(h):
                hs = pl.ds(h * 16, 16)
                gm = gam_v[hs]
                bt = bet_v[hs]
                for j in range(8):
                    a, b = ab[j]
                    outb[t0 + j, hs] = (rows[t0 + j, hs] * a - b) * gm + bt

    issue(0, rows0_v, sem_w0)
    issue(1, rows1_v, sem_w1)

    def pair(c, _):
        for k in (0, 1):
            rows, outb, sw, so = bufs[k]
            ci = 2 * c + k
            pltpu.make_async_copy(word_hbm.at[widx_v.at[ci]], rows, sw).wait()

            @pl.when(ci >= 2)
            def _():
                pltpu.make_async_copy(
                    outb, out_hbm.at[pl.ds(wid * SP_W, CHUNK)], so).wait()

            compute(ci, rows, outb)
            pltpu.async_copy(
                outb, out_hbm.at[pl.ds(ci * S_LEN + wid * SP_W, CHUNK)], so)

            @pl.when(ci + 2 < NCH)
            def _():
                issue(ci + 2, rows, sw)
        return 0

    lax.fori_loop(0, NCH // 2, pair, 0)

    pltpu.make_async_copy(outb0_v, out_hbm.at[pl.ds(0, CHUNK)], sem_o0).wait()
    pltpu.make_async_copy(outb1_v, out_hbm.at[pl.ds(0, CHUNK)], sem_o1).wait()


def kernel(input_ids, token_type_ids, word_emb, token_type_emb, pos_emb,
           ln_gamma, ln_beta):
    ids = input_ids.reshape(B_SZ, NW, SP_W).transpose(1, 0, 2)
    brow = (token_type_ids.reshape(B_SZ, NW, SP_W).transpose(1, 0, 2) * SP_W
            + jnp.arange(SP_W, dtype=jnp.int32)[None, None, :])
    out = _emb_layernorm(ids, brow, word_emb, token_type_emb,
                         pos_emb[:S_LEN], ln_gamma, ln_beta)
    return out.reshape(B_SZ, S_LEN, HIDDEN)

# --- scband reference (transcript-rebuilt; emitter-appended) ---
"""Pipeline reference for scband-bert-embeddings-layer-41497974013954 (READ-ONLY COPY).

The authoritative reference and input builder live on the scoring server;
editing this copy changes nothing except your own understanding.
"""

import jax, jax.numpy as jnp
import numpy as np

VOCAB = 100000
HIDDEN = 768
MAX_POS = 512
TT_VOCAB = 2
B, S = 64, 512
LN_EPS = 1e-12


def setup_inputs(seed: int = 0) -> dict:
    key = jax.random.key(seed)
    k1, k2, k3, k4, k5 = jax.random.split(key, 5)
    input_ids = jax.random.randint(k1, (B, S), 0, VOCAB, dtype=jnp.int32)
    token_type_ids = jax.random.randint(k2, (B, S), 0, TT_VOCAB, dtype=jnp.int32)
    word_emb = jax.random.normal(k3, (VOCAB, HIDDEN), dtype=jnp.float32) * 0.02
    token_type_emb = jax.random.normal(k4, (TT_VOCAB, HIDDEN), dtype=jnp.float32) * 0.02
    pos_emb = jax.random.normal(k5, (MAX_POS, HIDDEN), dtype=jnp.float32) * 0.02
    ln_gamma = jnp.ones((HIDDEN,), dtype=jnp.float32)
    ln_beta = jnp.zeros((HIDDEN,), dtype=jnp.float32)
    return {
        'input_ids': input_ids,
        'token_type_ids': token_type_ids,
        'word_emb': word_emb,
        'token_type_emb': token_type_emb,
        'pos_emb': pos_emb,
        'ln_gamma': ln_gamma,
        'ln_beta': ln_beta,
    }


def _layer_norm(x, gamma, beta, eps=LN_EPS):
    mean = jnp.mean(x, axis=-1, keepdims=True)
    var = jnp.mean(jnp.square(x - mean), axis=-1, keepdims=True)
    normed = (x - mean) / jnp.sqrt(var + eps)
    return normed * gamma + beta


def reference(input_ids, token_type_ids, word_emb, token_type_emb, pos_emb, ln_gamma, ln_beta):
    # word embeddings: gather rows of the table
    emb = jnp.take(word_emb, input_ids, axis=0)  # [B, S, H]
    # token type embeddings
    emb = emb + jnp.take(token_type_emb, token_type_ids, axis=0)
    # position embeddings: slice [0:S] and broadcast over batch
    seq_len = input_ids.shape[1]
    pos = jax.lax.dynamic_slice(pos_emb, (0, 0), (seq_len, pos_emb.shape[1]))
    emb = emb + pos.reshape((1, seq_len, HIDDEN))
    # LayerNorm (dropout is identity at inference)
    out = _layer_norm(emb, ln_gamma, ln_beta)
    return out

if __name__ == "__main__":
    import jax
    _d = setup_inputs()
    print(jax.jit(kernel)(*tuple(_d.values())))

</pallas_src>

<mosaic_0001>
#map = affine_map<(d0, d1) -> (0, 0, 0)>
#map1 = affine_map<(d0, d1) -> (0, 0)>
#map2 = affine_map<(d0, d1) -> (0)>
module attributes {stable_mosaic.version = 14 : i64} {
  func.func @_emb_layernorm(%arg0: i32, %arg1: i32, %arg2: memref<32x64x16xi32, #tpu.memory_space<hbm>>, %arg3: memref<32x64x16xi32, #tpu.memory_space<hbm>>, %arg4: memref<100000x768xf32, #tpu.memory_space<hbm>>, %arg5: memref<2x768xf32, #tpu.memory_space<hbm>>, %arg6: memref<512x768xf32, #tpu.memory_space<hbm>>, %arg7: memref<768xf32, #tpu.memory_space<hbm>>, %arg8: memref<768xf32, #tpu.memory_space<hbm>>, %arg9: memref<32768x768xf32, #tpu.memory_space<hbm>>, %arg10: memref<64x16xi32, #tpu.memory_space<vmem>>, %arg11: memref<64x16xi32, #tpu.memory_space<vmem>>, %arg12: memref<16x768xf32, #tpu.memory_space<vmem>>, %arg13: memref<16x768xf32, #tpu.memory_space<vmem>>, %arg14: memref<16x768xf32, #tpu.memory_space<vmem>>, %arg15: memref<16x768xf32, #tpu.memory_space<vmem>>, %arg16: memref<32x768xf32, #tpu.memory_space<vmem>>, %arg17: memref<2x768xf32, #tpu.memory_space<vmem>>, %arg18: memref<768xf32, #tpu.memory_space<vmem>>, %arg19: memref<768xf32, #tpu.memory_space<vmem>>, %arg20: memref<256xf32, #tpu.memory_space<vmem>>, %arg21: memref<256xf32, #tpu.memory_space<vmem>>, %arg22: memref<16xf32, #tpu.memory_space<vmem>>, %arg23: memref<16xf32, #tpu.memory_space<vmem>>, %arg24: memref<!tpu.dma_semaphore, #tpu.memory_space<semaphore_mem>>, %arg25: memref<!tpu.dma_semaphore, #tpu.memory_space<semaphore_mem>>, %arg26: memref<!tpu.dma_semaphore, #tpu.memory_space<semaphore_mem>>, %arg27: memref<!tpu.dma_semaphore, #tpu.memory_space<semaphore_mem>>) attributes {dimension_semantics = [#tpu.dimension_semantics<core_parallel>, #tpu.dimension_semantics<subcore_parallel>], iteration_bounds = array<i64: 2, 16>, scalar_prefetch = 0 : i64, scratch_operands = 18 : i64, tpu.core_type = #tpu.core_type<sc_vector_subcore>, window_params = [{transform_indices = #map}, {transform_indices = #map}, {transform_indices = #map1}, {transform_indices = #map1}, {transform_indices = #map1}, {transform_indices = #map2}, {transform_indices = #map2}, {transform_indices = #map1}]} {
    %mul3A = arith.constant 2 : i32
    %mul3A_0 = arith.muli %arg1, %mul3A : i32
    %add3A = arith.addi %mul3A_0, %arg0 : i32
    "tpu.region"() ({
      %run_scoped3A = tpu.sem_alloc : memref<!tpu.dma_semaphore, #tpu.memory_space<semaphore_mem>>
      %dma_start3A_37 = arith.constant 0 : i32
      %dma_start3A_38 = arith.constant 0 : i32
      %dma_start3A_39 = tpu.memref_slice %arg2[%add3A, %dma_start3A_37, %dma_start3A_38] : memref<32x64x16xi32, #tpu.memory_space<hbm>> -> memref<1x64x16xi32, #tpu.memory_space<hbm>>
      %dma_start3A_40 = tpu.memref_squeeze %dma_start3A_39 : memref<1x64x16xi32, #tpu.memory_space<hbm>> -> memref<64x16xi32, #tpu.memory_space<hbm>>
      %dma_start3A_41 = arith.constant 0 : i32
      %dma_start3A_42 = arith.constant 0 : i32
      %dma_start3A_43 = tpu.memref_slice %arg2[%add3A, %dma_start3A_41, %dma_start3A_42] : memref<32x64x16xi32, #tpu.memory_space<hbm>> -> memref<1x64x16xi32, #tpu.memory_space<hbm>>
      %dma_start3A_44 = tpu.memref_squeeze %dma_start3A_43 : memref<1x64x16xi32, #tpu.memory_space<hbm>> -> memref<64x16xi32, #tpu.memory_space<hbm>>
      tpu.enqueue_dma source(%dma_start3A_44 : memref<64x16xi32, #tpu.memory_space<hbm>>) target(%arg10 : memref<64x16xi32, #tpu.memory_space<vmem>>) target_semaphore(%run_scoped3A : memref<!tpu.dma_semaphore, #tpu.memory_space<semaphore_mem>>)
      %dma_wait3A_45 = arith.constant 0 : i32
      %dma_wait3A_46 = arith.constant 0 : i32
      %dma_wait3A_47 = tpu.memref_slice %arg2[%add3A, %dma_wait3A_45, %dma_wait3A_46] : memref<32x64x16xi32, #tpu.memory_space<hbm>> -> memref<1x64x16xi32, #tpu.memory_space<hbm>>
      %dma_wait3A_48 = tpu.memref_squeeze %dma_wait3A_47 : memref<1x64x16xi32, #tpu.memory_space<hbm>> -> memref<64x16xi32, #tpu.memory_space<hbm>>
      %dma_wait3A_49 = arith.constant 0 : i32
      %dma_wait3A_50 = arith.constant 0 : i32
      %dma_wait3A_51 = tpu.memref_slice %arg2[%add3A, %dma_wait3A_49, %dma_wait3A_50] : memref<32x64x16xi32, #tpu.memory_space<hbm>> -> memref<1x64x16xi32, #tpu.memory_space<hbm>>
      %dma_wait3A_52 = tpu.memref_squeeze %dma_wait3A_51 : memref<1x64x16xi32, #tpu.memory_space<hbm>> -> memref<64x16xi32, #tpu.memory_space<hbm>>
      tpu.wait_dma2 semaphore(%run_scoped3A : memref<!tpu.dma_semaphore, #tpu.memory_space<semaphore_mem>>) src(%dma_wait3A_52 : memref<64x16xi32, #tpu.memory_space<hbm>>) dst(%arg10 : memref<64x16xi32, #tpu.memory_space<vmem>>)
      tpu.yield
    }) : () -> ()
    "tpu.region"() ({
      %run_scoped3A = tpu.sem_alloc : memref<!tpu.dma_semaphore, #tpu.memory_space<semaphore_mem>>
      %dma_start3A_37 = arith.constant 0 : i32
      %dma_start3A_38 = arith.constant 0 : i32
      %dma_start3A_39 = tpu.memref_slice %arg3[%add3A, %dma_start3A_37, %dma_start3A_38] : memref<32x64x16xi32, #tpu.memory_space<hbm>> -> memref<1x64x16xi32, #tpu.memory_space<hbm>>
      %dma_start3A_40 = tpu.memref_squeeze %dma_start3A_39 : memref<1x64x16xi32, #tpu.memory_space<hbm>> -> memref<64x16xi32, #tpu.memory_space<hbm>>
      %dma_start3A_41 = arith.constant 0 : i32
      %dma_start3A_42 = arith.constant 0 : i32
      %dma_start3A_43 = tpu.memref_slice %arg3[%add3A, %dma_start3A_41, %dma_start3A_42] : memref<32x64x16xi32, #tpu.memory_space<hbm>> -> memref<1x64x16xi32, #tpu.memory_space<hbm>>
      %dma_start3A_44 = tpu.memref_squeeze %dma_start3A_43 : memref<1x64x16xi32, #tpu.memory_space<hbm>> -> memref<64x16xi32, #tpu.memory_space<hbm>>
      tpu.enqueue_dma source(%dma_start3A_44 : memref<64x16xi32, #tpu.memory_space<hbm>>) target(%arg11 : memref<64x16xi32, #tpu.memory_space<vmem>>) target_semaphore(%run_scoped3A : memref<!tpu.dma_semaphore, #tpu.memory_space<semaphore_mem>>)
      %dma_wait3A_45 = arith.constant 0 : i32
      %dma_wait3A_46 = arith.constant 0 : i32
      %dma_wait3A_47 = tpu.memref_slice %arg3[%add3A, %dma_wait3A_45, %dma_wait3A_46] : memref<32x64x16xi32, #tpu.memory_space<hbm>> -> memref<1x64x16xi32, #tpu.memory_space<hbm>>
      %dma_wait3A_48 = tpu.memref_squeeze %dma_wait3A_47 : memref<1x64x16xi32, #tpu.memory_space<hbm>> -> memref<64x16xi32, #tpu.memory_space<hbm>>
      %dma_wait3A_49 = arith.constant 0 : i32
      %dma_wait3A_50 = arith.constant 0 : i32
      %dma_wait3A_51 = tpu.memref_slice %arg3[%add3A, %dma_wait3A_49, %dma_wait3A_50] : memref<32x64x16xi32, #tpu.memory_space<hbm>> -> memref<1x64x16xi32, #tpu.memory_space<hbm>>
      %dma_wait3A_52 = tpu.memref_squeeze %dma_wait3A_51 : memref<1x64x16xi32, #tpu.memory_space<hbm>> -> memref<64x16xi32, #tpu.memory_space<hbm>>
      tpu.wait_dma2 semaphore(%run_scoped3A : memref<!tpu.dma_semaphore, #tpu.memory_space<semaphore_mem>>) src(%dma_wait3A_52 : memref<64x16xi32, #tpu.memory_space<hbm>>) dst(%arg11 : memref<64x16xi32, #tpu.memory_space<vmem>>)
      tpu.yield
    }) : () -> ()
    "tpu.region"() ({
      %run_scoped3A = tpu.sem_alloc : memref<!tpu.dma_semaphore, #tpu.memory_space<semaphore_mem>>
      tpu.enqueue_dma source(%arg7 : memref<768xf32, #tpu.memory_space<hbm>>) target(%arg18 : memref<768xf32, #tpu.memory_space<vmem>>) target_semaphore(%run_scoped3A : memref<!tpu.dma_semaphore, #tpu.memory_space<semaphore_mem>>)
      tpu.wait_dma2 semaphore(%run_scoped3A : memref<!tpu.dma_semaphore, #tpu.memory_space<semaphore_mem>>) src(%arg7 : memref<768xf32, #tpu.memory_space<hbm>>) dst(%arg18 : memref<768xf32, #tpu.memory_space<vmem>>)
      tpu.yield
    }) : () -> ()
    "tpu.region"() ({
      %run_scoped3A = tpu.sem_alloc : memref<!tpu.dma_semaphore, #tpu.memory_space<semaphore_mem>>
      tpu.enqueue_dma source(%arg8 : memref<768xf32, #tpu.memory_space<hbm>>) target(%arg19 : memref<768xf32, #tpu.memory_space<vmem>>) target_semaphore(%run_scoped3A : memref<!tpu.dma_semaphore, #tpu.memory_space<semaphore_mem>>)
      tpu.wait_dma2 semaphore(%run_scoped3A : memref<!tpu.dma_semaphore, #tpu.memory_space<semaphore_mem>>) src(%arg8 : memref<768xf32, #tpu.memory_space<hbm>>) dst(%arg19 : memref<768xf32, #tpu.memory_space<vmem>>)
      tpu.yield
    }) : () -> ()
    "tpu.region"() ({
      %run_scoped3A = tpu.sem_alloc : memref<!tpu.dma_semaphore, #tpu.memory_space<semaphore_mem>>
      tpu.enqueue_dma source(%arg5 : memref<2x768xf32, #tpu.memory_space<hbm>>) target(%arg17 : memref<2x768xf32, #tpu.memory_space<vmem>>) target_semaphore(%run_scoped3A : memref<!tpu.dma_semaphore, #tpu.memory_space<semaphore_mem>>)
      tpu.wait_dma2 semaphore(%run_scoped3A : memref<!tpu.dma_semaphore, #tpu.memory_space<semaphore_mem>>) src(%arg5 : memref<2x768xf32, #tpu.memory_space<hbm>>) dst(%arg17 : memref<2x768xf32, #tpu.memory_space<vmem>>)
      tpu.yield
    }) : () -> ()
    %mul3A_1 = arith.constant 16 : i32
    %mul3A_2 = arith.muli %add3A, %mul3A_1 : i32
    "tpu.region"() ({
      %run_scoped3A = tpu.sem_alloc : memref<!tpu.dma_semaphore, #tpu.memory_space<semaphore_mem>>
      %dma_start3A_37 = arith.constant 0 : i32
      %dma_start3A_38 = arith.constant 0 : i32
      %dma_start3A_39 = tpu.memref_slice %arg16[%dma_start3A_37, %dma_start3A_38] : memref<32x768xf32, #tpu.memory_space<vmem>> -> memref<16x768xf32, #tpu.memory_space<vmem>>
      %dma_start3A_40 = arith.constant 0 : i32
      %dma_start3A_41 = tpu.memref_slice %arg6[%mul3A_2, %dma_start3A_40] : memref<512x768xf32, #tpu.memory_space<hbm>> -> memref<16x768xf32, #tpu.memory_space<hbm>>
      %dma_start3A_42 = arith.constant 0 : i32
      %dma_start3A_43 = arith.constant 0 : i32
      %dma_start3A_44 = tpu.memref_slice %arg16[%dma_start3A_42, %dma_start3A_43] : memref<32x768xf32, #tpu.memory_space<vmem>> -> memref<16x768xf32, #tpu.memory_space<vmem>>
      %dma_start3A_45 = arith.constant 0 : i32
      %dma_start3A_46 = tpu.memref_slice %arg6[%mul3A_2, %dma_start3A_45] : memref<512x768xf32, #tpu.memory_space<hbm>> -> memref<16x768xf32, #tpu.memory_space<hbm>>
      tpu.enqueue_dma source(%dma_start3A_46 : memref<16x768xf32, #tpu.memory_space<hbm>>) target(%dma_start3A_44 : memref<16x768xf32, #tpu.memory_space<vmem>>) target_semaphore(%run_scoped3A : memref<!tpu.dma_semaphore, #tpu.memory_space<semaphore_mem>>)
      %dma_wait3A_47 = arith.constant 0 : i32
      %dma_wait3A_48 = arith.constant 0 : i32
      %dma_wait3A_49 = tpu.memref_slice %arg16[%dma_wait3A_47, %dma_wait3A_48] : memref<32x768xf32, #tpu.memory_space<vmem>> -> memref<16x768xf32, #tpu.memory_space<vmem>>
      %dma_wait3A_50 = arith.constant 0 : i32
      %dma_wait3A_51 = tpu.memref_slice %arg6[%mul3A_2, %dma_wait3A_50] : memref<512x768xf32, #tpu.memory_space<hbm>> -> memref<16x768xf32, #tpu.memory_space<hbm>>
      %dma_wait3A_52 = arith.constant 0 : i32
      %dma_wait3A_53 = arith.constant 0 : i32
      %dma_wait3A_54 = tpu.memref_slice %arg16[%dma_wait3A_52, %dma_wait3A_53] : memref<32x768xf32, #tpu.memory_space<vmem>> -> memref<16x768xf32, #tpu.memory_space<vmem>>
      %dma_wait3A_55 = arith.constant 0 : i32
      %dma_wait3A_56 = tpu.memref_slice %arg6[%mul3A_2, %dma_wait3A_55] : memref<512x768xf32, #tpu.memory_space<hbm>> -> memref<16x768xf32, #tpu.memory_space<hbm>>
      tpu.wait_dma2 semaphore(%run_scoped3A : memref<!tpu.dma_semaphore, #tpu.memory_space<semaphore_mem>>) src(%dma_wait3A_56 : memref<16x768xf32, #tpu.memory_space<hbm>>) dst(%dma_wait3A_54 : memref<16x768xf32, #tpu.memory_space<vmem>>)
      tpu.yield
    }) : () -> ()
    %mul3A_3 = arith.constant 16 : i32
    %mul3A_4 = arith.muli %add3A, %mul3A_3 : i32
    "tpu.region"() ({
      %run_scoped3A = tpu.sem_alloc : memref<!tpu.dma_semaphore, #tpu.memory_space<semaphore_mem>>
      %dma_start3A_37 = arith.constant 16 : i32
      %dma_start3A_38 = arith.constant 0 : i32
      %dma_start3A_39 = tpu.memref_slice %arg16[%dma_start3A_37, %dma_start3A_38] : memref<32x768xf32, #tpu.memory_space<vmem>> -> memref<16x768xf32, #tpu.memory_space<vmem>>
      %dma_start3A_40 = arith.constant 0 : i32
      %dma_start3A_41 = tpu.memref_slice %arg6[%mul3A_4, %dma_start3A_40] : memref<512x768xf32, #tpu.memory_space<hbm>> -> memref<16x768xf32, #tpu.memory_space<hbm>>
      %dma_start3A_42 = arith.constant 16 : i32
      %dma_start3A_43 = arith.constant 0 : i32
      %dma_start3A_44 = tpu.memref_slice %arg16[%dma_start3A_42, %dma_start3A_43] : memref<32x768xf32, #tpu.memory_space<vmem>> -> memref<16x768xf32, #tpu.memory_space<vmem>>
      %dma_start3A_45 = arith.constant 0 : i32
      %dma_start3A_46 = tpu.memref_slice %arg6[%mul3A_4, %dma_start3A_45] : memref<512x768xf32, #tpu.memory_space<hbm>> -> memref<16x768xf32, #tpu.memory_space<hbm>>
      tpu.enqueue_dma source(%dma_start3A_46 : memref<16x768xf32, #tpu.memory_space<hbm>>) target(%dma_start3A_44 : memref<16x768xf32, #tpu.memory_space<vmem>>) target_semaphore(%run_scoped3A : memref<!tpu.dma_semaphore, #tpu.memory_space<semaphore_mem>>)
      %dma_wait3A_47 = arith.constant 16 : i32
      %dma_wait3A_48 = arith.constant 0 : i32
      %dma_wait3A_49 = tpu.memref_slice %arg16[%dma_wait3A_47, %dma_wait3A_48] : memref<32x768xf32, #tpu.memory_space<vmem>> -> memref<16x768xf32, #tpu.memory_space<vmem>>
      %dma_wait3A_50 = arith.constant 0 : i32
      %dma_wait3A_51 = tpu.memref_slice %arg6[%mul3A_4, %dma_wait3A_50] : memref<512x768xf32, #tpu.memory_space<hbm>> -> memref<16x768xf32, #tpu.memory_space<hbm>>
      %dma_wait3A_52 = arith.constant 16 : i32
      %dma_wait3A_53 = arith.constant 0 : i32
      %dma_wait3A_54 = tpu.memref_slice %arg16[%dma_wait3A_52, %dma_wait3A_53] : memref<32x768xf32, #tpu.memory_space<vmem>> -> memref<16x768xf32, #tpu.memory_space<vmem>>
      %dma_wait3A_55 = arith.constant 0 : i32
      %dma_wait3A_56 = tpu.memref_slice %arg6[%mul3A_4, %dma_wait3A_55] : memref<512x768xf32, #tpu.memory_space<hbm>> -> memref<16x768xf32, #tpu.memory_space<hbm>>
      tpu.wait_dma2 semaphore(%run_scoped3A : memref<!tpu.dma_semaphore, #tpu.memory_space<semaphore_mem>>) src(%dma_wait3A_56 : memref<16x768xf32, #tpu.memory_space<hbm>>) dst(%dma_wait3A_54 : memref<16x768xf32, #tpu.memory_space<vmem>>)
      tpu.yield
    }) : () -> ()
    %parallel_loop3A = arith.constant 0 : i32
    %parallel_loop3A_5 = arith.constant 1536 : i32
    %parallel_loop3A_6 = arith.constant 1 : i32
    scf.for %parallel_loop3A_37 = %parallel_loop3A to %parallel_loop3A_5 step %parallel_loop3A_6  : i32 {
      %parallel_loop3A_38 = arith.constant 48 : i32
      %parallel_loop3A_39 = arith.divsi %parallel_loop3A_37, %parallel_loop3A_38 : i32
      %parallel_loop3A_40 = arith.constant 0 : i32
      %parallel_loop3A_41 = arith.cmpi sgt, %parallel_loop3A_37, %parallel_loop3A_40 : i32
      %parallel_loop3A_42 = arith.extui %parallel_loop3A_41 : i1 to i32
      %parallel_loop3A_43 = arith.constant 0 : i32
      %parallel_loop3A_44 = arith.cmpi slt, %parallel_loop3A_37, %parallel_loop3A_43 : i32
      %parallel_loop3A_45 = arith.extui %parallel_loop3A_44 : i1 to i32
      %parallel_loop3A_46 = arith.subi %parallel_loop3A_42, %parallel_loop3A_45 : i32
      %parallel_loop3A_47 = arith.constant 0 : i32
      %parallel_loop3A_48 = arith.cmpi sgt, %parallel_loop3A_38, %parallel_loop3A_47 : i32
      %parallel_loop3A_49 = arith.extui %parallel_loop3A_48 : i1 to i32
      %parallel_loop3A_50 = arith.constant 0 : i32
      %parallel_loop3A_51 = arith.cmpi slt, %parallel_loop3A_38, %parallel_loop3A_50 : i32
      %parallel_loop3A_52 = arith.extui %parallel_loop3A_51 : i1 to i32
      %parallel_loop3A_53 = arith.subi %parallel_loop3A_49, %parallel_loop3A_52 : i32
      %parallel_loop3A_54 = arith.cmpi ne, %parallel_loop3A_46, %parallel_loop3A_53 : i32
      %parallel_loop3A_55 = arith.remsi %parallel_loop3A_37, %parallel_loop3A_38 : i32
      %parallel_loop3A_56 = arith.constant 0 : i32
      %parallel_loop3A_57 = arith.cmpi ne, %parallel_loop3A_55, %parallel_loop3A_56 : i32
      %parallel_loop3A_58 = arith.andi %parallel_loop3A_54, %parallel_loop3A_57 : i1
      %parallel_loop3A_59 = arith.constant 1 : i32
      %parallel_loop3A_60 = arith.subi %parallel_loop3A_39, %parallel_loop3A_59 : i32
      %parallel_loop3A_61 = arith.select %parallel_loop3A_58, %parallel_loop3A_60, %parallel_loop3A_39 : i32
      %parallel_loop3A_62 = arith.constant 48 : i32
      %parallel_loop3A_63 = arith.constant 0 : i32
      %parallel_loop3A_64 = arith.cmpi eq, %parallel_loop3A_62, %parallel_loop3A_63 : i32
      %parallel_loop3A_65 = arith.constant 1 : i32
      %parallel_loop3A_66 = arith.select %parallel_loop3A_64, %parallel_loop3A_65, %parallel_loop3A_62 : i32
      %parallel_loop3A_67 = arith.remsi %parallel_loop3A_37, %parallel_loop3A_66 : i32
      %parallel_loop3A_68 = arith.constant 0 : i32
      %parallel_loop3A_69 = arith.cmpi ne, %parallel_loop3A_67, %parallel_loop3A_68 : i32
      %parallel_loop3A_70 = arith.constant 0 : i32
      %parallel_loop3A_71 = arith.cmpi slt, %parallel_loop3A_67, %parallel_loop3A_70 : i32
      %parallel_loop3A_72 = arith.constant 0 : i32
      %parallel_loop3A_73 = arith.cmpi slt, %parallel_loop3A_66, %parallel_loop3A_72 : i32
      %parallel_loop3A_74 = arith.xori %parallel_loop3A_71, %parallel_loop3A_73 : i1
      %parallel_loop3A_75 = arith.andi %parallel_loop3A_74, %parallel_loop3A_69 : i1
      %parallel_loop3A_76 = arith.addi %parallel_loop3A_67, %parallel_loop3A_66 : i32
      %parallel_loop3A_77 = arith.select %parallel_loop3A_75, %parallel_loop3A_76, %parallel_loop3A_67 : i32
      %parallel_loop3A_78 = arith.constant 16 : i32
      %parallel_loop3A_79 = arith.muli %parallel_loop3A_77, %parallel_loop3A_78 : i32
      %parallel_loop3A_80 = arith.index_cast %parallel_loop3A_61 : i32 to index
      %parallel_loop3A_81 = arith.index_cast %parallel_loop3A_79 : i32 to index
      %parallel_loop3A_82 = tpu.vector_load %arg16[%parallel_loop3A_80, %parallel_loop3A_81] {strides = array<i32>} : memref<32x768xf32, #tpu.memory_space<vmem>>, vector<16xf32>,
      %parallel_loop3A_83 = arith.constant 16 : i32
      %parallel_loop3A_84 = arith.divsi %parallel_loop3A_61, %parallel_loop3A_83 : i32
      %parallel_loop3A_85 = arith.constant 0 : i32
      %parallel_loop3A_86 = arith.cmpi sgt, %parallel_loop3A_61, %parallel_loop3A_85 : i32
      %parallel_loop3A_87 = arith.extui %parallel_loop3A_86 : i1 to i32
      %parallel_loop3A_88 = arith.constant 0 : i32
      %parallel_loop3A_89 = arith.cmpi slt, %parallel_loop3A_61, %parallel_loop3A_88 : i32
      %parallel_loop3A_90 = arith.extui %parallel_loop3A_89 : i1 to i32
      %parallel_loop3A_91 = arith.subi %parallel_loop3A_87, %parallel_loop3A_90 : i32
      %parallel_loop3A_92 = arith.constant 0 : i32
      %parallel_loop3A_93 = arith.cmpi sgt, %parallel_loop3A_83, %parallel_loop3A_92 : i32
      %parallel_loop3A_94 = arith.extui %parallel_loop3A_93 : i1 to i32
      %parallel_loop3A_95 = arith.constant 0 : i32
      %parallel_loop3A_96 = arith.cmpi slt, %parallel_loop3A_83, %parallel_loop3A_95 : i32
      %parallel_loop3A_97 = arith.extui %parallel_loop3A_96 : i1 to i32
      %parallel_loop3A_98 = arith.subi %parallel_loop3A_94, %parallel_loop3A_97 : i32
      %parallel_loop3A_99 = arith.cmpi ne, %parallel_loop3A_91, %parallel_loop3A_98 : i32
      %parallel_loop3A_100 = arith.remsi %parallel_loop3A_61, %parallel_loop3A_83 : i32
      %parallel_loop3A_101 = arith.constant 0 : i32
      %parallel_loop3A_102 = arith.cmpi ne, %parallel_loop3A_100, %parallel_loop3A_101 : i32
      %parallel_loop3A_103 = arith.andi %parallel_loop3A_99, %parallel_loop3A_102 : i1
      %parallel_loop3A_104 = arith.constant 1 : i32
      %parallel_loop3A_105 = arith.subi %parallel_loop3A_84, %parallel_loop3A_104 : i32
      %parallel_loop3A_106 = arith.select %parallel_loop3A_103, %parallel_loop3A_105, %parallel_loop3A_84 : i32
      %parallel_loop3A_107 = arith.index_cast %parallel_loop3A_106 : i32 to index
      %parallel_loop3A_108 = arith.index_cast %parallel_loop3A_79 : i32 to index
      %parallel_loop3A_109 = tpu.vector_load %arg17[%parallel_loop3A_107, %parallel_loop3A_108] {strides = array<i32>} : memref<2x768xf32, #tpu.memory_space<vmem>>, vector<16xf32>,
      %parallel_loop3A_110 = arith.addf %parallel_loop3A_82, %parallel_loop3A_109 : vector<16xf32>
      %parallel_loop3A_111 = arith.index_cast %parallel_loop3A_61 : i32 to index
      %parallel_loop3A_112 = arith.index_cast %parallel_loop3A_79 : i32 to index
      %parallel_loop3A_113 = tpu.vector_load %arg16[%parallel_loop3A_111, %parallel_loop3A_112] {strides = array<i32>} : memref<32x768xf32, #tpu.memory_space<vmem>>, vector<16xf32>,
      tpu.vector_store %arg16[%parallel_loop3A_111, %parallel_loop3A_112], %parallel_loop3A_110 {strides = array<i32>} : memref<32x768xf32, #tpu.memory_space<vmem>>, vector<16xf32>,
    } {sc.loop_unroll_factor = 8 : i64, sc.parallel_access}
    %iota3A = tpu.iota {dimensions = array<i32: 0>} : vector<16xi32>
    %dma_start3A = arith.constant 0 : i32
    %dma_start3A_7 = arith.constant 0 : i32
    %dma_start3A_8 = tpu.memref_slice %arg10[%dma_start3A, %dma_start3A_7] : memref<64x16xi32, #tpu.memory_space<vmem>> -> memref<1x16xi32, #tpu.memory_space<vmem>>
    %dma_start3A_9 = tpu.memref_squeeze %dma_start3A_8 : memref<1x16xi32, #tpu.memory_space<vmem>> -> memref<16xi32, #tpu.memory_space<vmem>>
    %dma_start3A_10 = arith.constant 0 : i32
    %dma_start3A_11 = arith.constant 0 : i32
    %dma_start3A_12 = tpu.memref_slice %arg4[%dma_start3A_10, %dma_start3A_11] : memref<100000x768xf32, #tpu.memory_space<hbm>> -> memref<100000x768xf32, #tpu.memory_space<hbm>>
    tpu.enqueue_indirect_dma source(%dma_start3A_12 : memref<100000x768xf32, #tpu.memory_space<hbm>>) target(%arg12 : memref<16x768xf32, #tpu.memory_space<vmem>>) offsets(%dma_start3A_9 : memref<16xi32, #tpu.memory_space<vmem>>) semaphore(%arg24 : memref<!tpu.dma_semaphore, #tpu.memory_space<semaphore_mem>>)
    %dma_start3A_13 = arith.constant 1 : i32
    %dma_start3A_14 = arith.constant 0 : i32
    %dma_start3A_15 = tpu.memref_slice %arg10[%dma_start3A_13, %dma_start3A_14] : memref<64x16xi32, #tpu.memory_space<vmem>> -> memref<1x16xi32, #tpu.memory_space<vmem>>
    %dma_start3A_16 = tpu.memref_squeeze %dma_start3A_15 : memref<1x16xi32, #tpu.memory_space<vmem>> -> memref<16xi32, #tpu.memory_space<vmem>>
    %dma_start3A_17 = arith.constant 0 : i32
    %dma_start3A_18 = arith.constant 0 : i32
    %dma_start3A_19 = tpu.memref_slice %arg4[%dma_start3A_17, %dma_start3A_18] : memref<100000x768xf32, #tpu.memory_space<hbm>> -> memref<100000x768xf32, #tpu.memory_space<hbm>>
    tpu.enqueue_indirect_dma source(%dma_start3A_19 : memref<100000x768xf32, #tpu.memory_space<hbm>>) target(%arg13 : memref<16x768xf32, #tpu.memory_space<vmem>>) offsets(%dma_start3A_16 : memref<16xi32, #tpu.memory_space<vmem>>) semaphore(%arg25 : memref<!tpu.dma_semaphore, #tpu.memory_space<semaphore_mem>>)
    %scan3A = arith.constant 0 : i32
    %scan3A_20 = arith.constant 0 : i32
    %scan3A_21 = arith.constant 32 : i32
    %scan3A_22 = arith.addi %scan3A_20, %scan3A_21 : i32
    %scan3A_23 = arith.constant 1 : i32
    %scan3A_24 = scf.for %scan3A_37 = %scan3A_20 to %scan3A_22 step %scan3A_23 iter_args(%scan3A_38 = %scan3A) -> (i32)  : i32 {
      %mul3A_39 = arith.constant 2 : i32
      %mul3A_40 = arith.muli %mul3A_39, %scan3A_37 : i32
      %add3A_41 = arith.constant 0 : i32
      %add3A_42 = arith.addi %mul3A_40, %add3A_41 : i32
      %dma_wait3A_43 = arith.constant 0 : i32
      %dma_wait3A_44 = tpu.memref_slice %arg10[%add3A_42, %dma_wait3A_43] : memref<64x16xi32, #tpu.memory_space<vmem>> -> memref<1x16xi32, #tpu.memory_space<vmem>>
      %dma_wait3A_45 = tpu.memref_squeeze %dma_wait3A_44 : memref<1x16xi32, #tpu.memory_space<vmem>> -> memref<16xi32, #tpu.memory_space<vmem>>
      %dma_wait3A_46 = arith.constant 0 : i32
      %dma_wait3A_47 = arith.constant 0 : i32
      %dma_wait3A_48 = tpu.memref_slice %arg4[%dma_wait3A_46, %dma_wait3A_47] : memref<100000x768xf32, #tpu.memory_space<hbm>> -> memref<100000x768xf32, #tpu.memory_space<hbm>>
      tpu.wait_indirect_dma semaphore(%arg24 : memref<!tpu.dma_semaphore, #tpu.memory_space<semaphore_mem>>) src(%dma_wait3A_48 : memref<100000x768xf32, #tpu.memory_space<hbm>>) dst(%arg12 : memref<16x768xf32, #tpu.memory_space<vmem>>)
      %ge3A = arith.constant 2 : i32
      %ge3A_49 = arith.cmpi sge, %add3A_42, %ge3A : i32
      %convert_element_type3A = arith.extui %ge3A_49 : i1 to i32
      %cond3A = arith.constant 0 : i32
      %cond3A_50 = arith.cmpi ne, %convert_element_type3A, %cond3A : i32
      scf.if %cond3A_50 {
        %mul3A_528 = arith.constant 16 : i32
        %mul3A_529 = arith.muli %add3A, %mul3A_528 : i32
        %dma_wait3A_530 = arith.constant 0 : i32
        %dma_wait3A_531 = tpu.memref_slice %arg9[%mul3A_529, %dma_wait3A_530] : memref<32768x768xf32, #tpu.memory_space<hbm>> -> memref<16x768xf32, #tpu.memory_space<hbm>>
        %dma_wait3A_532 = arith.constant 0 : i32
        %dma_wait3A_533 = tpu.memref_slice %arg9[%mul3A_529, %dma_wait3A_532] : memref<32768x768xf32, #tpu.memory_space<hbm>> -> memref<16x768xf32, #tpu.memory_space<hbm>>
        tpu.wait_dma2 semaphore(%arg26 : memref<!tpu.dma_semaphore, #tpu.memory_space<semaphore_mem>>) src(%arg14 : memref<16x768xf32, #tpu.memory_space<vmem>>) dst(%dma_wait3A_533 : memref<16x768xf32, #tpu.memory_space<hbm>>)
      } else {
      }
      %parallel_loop3A_51 = arith.constant 0 : i32
      %parallel_loop3A_52 = arith.constant 16 : i32
      %parallel_loop3A_53 = arith.constant 1 : i32
      scf.for %parallel_loop3A_528 = %parallel_loop3A_51 to %parallel_loop3A_52 step %parallel_loop3A_53  : i32 {
        %parallel_loop3A_529 = vector.broadcast %add3A_42 : i32 to vector<16xi32>
        %parallel_loop3A_530 = vector.broadcast %parallel_loop3A_528 : i32 to vector<16xi32>
        %parallel_loop3A_531 = tpu.vector_load_idx %arg11[%parallel_loop3A_529, %parallel_loop3A_530] : memref<64x16xi32, #tpu.memory_space<vmem>>[vector<16xi32>, vector<16xi32>], vector<16xi32>,
        %parallel_loop3A_532 = arith.constant 0.000000e+00 : f32
        %parallel_loop3A_533 = vector.broadcast %parallel_loop3A_532 : f32 to vector<16xf32>
        %parallel_loop3A_534 = arith.constant 0 : i32
        %parallel_loop3A_535 = arith.constant 48 : i32
        %parallel_loop3A_536 = arith.constant 1 : i32
        %parallel_loop3A_537:2 = scf.for %parallel_loop3A_546 = %parallel_loop3A_534 to %parallel_loop3A_535 step %parallel_loop3A_536 iter_args(%parallel_loop3A_547 = %parallel_loop3A_533, %parallel_loop3A_548 = %parallel_loop3A_533) -> (vector<16xf32>, vector<16xf32>)  : i32 {
          %parallel_loop3A_549 = arith.constant 16 : i32
          %parallel_loop3A_550 = arith.muli %parallel_loop3A_546, %parallel_loop3A_549 : i32
          %parallel_loop3A_551 = arith.constant 16 : i32
          %parallel_loop3A_552 = arith.muli %parallel_loop3A_546, %parallel_loop3A_551 : i32
          %parallel_loop3A_553 = vector.broadcast %parallel_loop3A_552 : i32 to vector<16xi32>
          %parallel_loop3A_554 = arith.addi %parallel_loop3A_553, %iota3A : vector<16xi32>
          %parallel_loop3A_555 = tpu.vector_load_idx %arg16[%parallel_loop3A_531, %parallel_loop3A_554] : memref<32x768xf32, #tpu.memory_space<vmem>>[vector<16xi32>, vector<16xi32>], vector<16xf32>,
          %parallel_loop3A_556 = arith.index_cast %parallel_loop3A_528 : i32 to index
          %parallel_loop3A_557 = arith.index_cast %parallel_loop3A_550 : i32 to index
          %parallel_loop3A_558 = tpu.vector_load %arg12[%parallel_loop3A_556, %parallel_loop3A_557] {strides = array<i32>} : memref<16x768xf32, #tpu.memory_space<vmem>>, vector<16xf32>,
          %parallel_loop3A_559 = arith.addf %parallel_loop3A_558, %parallel_loop3A_555 : vector<16xf32>
          %parallel_loop3A_560 = arith.index_cast %parallel_loop3A_528 : i32 to index
          %parallel_loop3A_561 = arith.index_cast %parallel_loop3A_550 : i32 to index
          %parallel_loop3A_562 = tpu.vector_load %arg12[%parallel_loop3A_560, %parallel_loop3A_561] {strides = array<i32>} : memref<16x768xf32, #tpu.memory_space<vmem>>, vector<16xf32>,
          tpu.vector_store %arg12[%parallel_loop3A_560, %parallel_loop3A_561], %parallel_loop3A_559 {strides = array<i32>} : memref<16x768xf32, #tpu.memory_space<vmem>>, vector<16xf32>,
          %parallel_loop3A_563 = arith.addf %parallel_loop3A_547, %parallel_loop3A_559 : vector<16xf32>
          %parallel_loop3A_564 = arith.mulf %parallel_loop3A_559, %parallel_loop3A_559 : vector<16xf32>
          %parallel_loop3A_565 = arith.addf %parallel_loop3A_548, %parallel_loop3A_564 : vector<16xf32>
          scf.yield %parallel_loop3A_563, %parallel_loop3A_565 : vector<16xf32>, vector<16xf32>
        } {sc.loop_unroll_factor = 8 : i64, sc.parallel_access}
        %parallel_loop3A_538 = arith.constant 16 : i32
        %parallel_loop3A_539 = arith.muli %parallel_loop3A_528, %parallel_loop3A_538 : i32
        %parallel_loop3A_540 = arith.index_cast %parallel_loop3A_539 : i32 to index
        %parallel_loop3A_541 = tpu.vector_load %arg20[%parallel_loop3A_540] {strides = array<i32>} : memref<256xf32, #tpu.memory_space<vmem>>, vector<16xf32>,
        tpu.vector_store %arg20[%parallel_loop3A_540], %parallel_loop3A_537#0 {strides = array<i32>} : memref<256xf32, #tpu.memory_space<vmem>>, vector<16xf32>,
        %parallel_loop3A_542 = arith.constant 16 : i32
        %parallel_loop3A_543 = arith.muli %parallel_loop3A_528, %parallel_loop3A_542 : i32
        %parallel_loop3A_544 = arith.index_cast %parallel_loop3A_543 : i32 to index
        %parallel_loop3A_545 = tpu.vector_load %arg21[%parallel_loop3A_544] {strides = array<i32>} : memref<256xf32, #tpu.memory_space<vmem>>, vector<16xf32>,
        tpu.vector_store %arg21[%parallel_loop3A_544], %parallel_loop3A_537#1 {strides = array<i32>} : memref<256xf32, #tpu.memory_space<vmem>>, vector<16xf32>,
      } {sc.loop_unroll_factor = 1 : i64, sc.parallel_access}
      %mul3A_54 = arith.constant 16 : i32
      %mul3A_55 = vector.broadcast %mul3A_54 : i32 to vector<16xi32>
      %mul3A_56 = arith.muli %iota3A, %mul3A_55 : vector<16xi32>
      %broadcast_in_dim3A = arith.constant 0.000000e+00 : f32
      %broadcast_in_dim3A_57 = vector.broadcast %broadcast_in_dim3A : f32 to vector<16xf32>
      %broadcast_in_dim3A_58 = arith.constant 0.000000e+00 : f32
      %broadcast_in_dim3A_59 = vector.broadcast %broadcast_in_dim3A_58 : f32 to vector<16xf32>
      %add3A_60 = arith.constant 0 : i32
      %add3A_61 = vector.broadcast %add3A_60 : i32 to vector<16xi32>
      %add3A_62 = arith.addi %mul3A_56, %add3A_61 : vector<16xi32>
      %gather3A = tpu.vector_load_idx %arg20[%add3A_62] : memref<256xf32, #tpu.memory_space<vmem>>[vector<16xi32>], vector<16xf32>,
      %add3A_63 = arith.addf %broadcast_in_dim3A_57, %gather3A : vector<16xf32>
      %add3A_64 = arith.constant 0 : i32
      %add3A_65 = vector.broadcast %add3A_64 : i32 to vector<16xi32>
      %add3A_66 = arith.addi %mul3A_56, %add3A_65 : vector<16xi32>
      %gather3A_67 = tpu.vector_load_idx %arg21[%add3A_66] : memref<256xf32, #tpu.memory_space<vmem>>[vector<16xi32>], vector<16xf32>,
      %add3A_68 = arith.addf %broadcast_in_dim3A_59, %gather3A_67 : vector<16xf32>
      %add3A_69 = arith.constant 1 : i32
      %add3A_70 = vector.broadcast %add3A_69 : i32 to vector<16xi32>
      %add3A_71 = arith.addi %mul3A_56, %add3A_70 : vector<16xi32>
      %gather3A_72 = tpu.vector_load_idx %arg20[%add3A_71] : memref<256xf32, #tpu.memory_space<vmem>>[vector<16xi32>], vector<16xf32>,
      %add3A_73 = arith.addf %add3A_63, %gather3A_72 : vector<16xf32>
      %add3A_74 = arith.constant 1 : i32
      %add3A_75 = vector.broadcast %add3A_74 : i32 to vector<16xi32>
      %add3A_76 = arith.addi %mul3A_56, %add3A_75 : vector<16xi32>
      %gather3A_77 = tpu.vector_load_idx %arg21[%add3A_76] : memref<256xf32, #tpu.memory_space<vmem>>[vector<16xi32>], vector<16xf32>,
      %add3A_78 = arith.addf %add3A_68, %gather3A_77 : vector<16xf32>
      %add3A_79 = arith.constant 2 : i32
      %add3A_80 = vector.broadcast %add3A_79 : i32 to vector<16xi32>
      %add3A_81 = arith.addi %mul3A_56, %add3A_80 : vector<16xi32>
      %gather3A_82 = tpu.vector_load_idx %arg20[%add3A_81] : memref<256xf32, #tpu.memory_space<vmem>>[vector<16xi32>], vector<16xf32>,
      %add3A_83 = arith.addf %add3A_73, %gather3A_82 : vector<16xf32>
      %add3A_84 = arith.constant 2 : i32
      %add3A_85 = vector.broadcast %add3A_84 : i32 to vector<16xi32>
      %add3A_86 = arith.addi %mul3A_56, %add3A_85 : vector<16xi32>
      %gather3A_87 = tpu.vector_load_idx %arg21[%add3A_86] : memref<256xf32, #tpu.memory_space<vmem>>[vector<16xi32>], vector<16xf32>,
      %add3A_88 = arith.addf %add3A_78, %gather3A_87 : vector<16xf32>
      %add3A_89 = arith.constant 3 : i32
      %add3A_90 = vector.broadcast %add3A_89 : i32 to vector<16xi32>
      %add3A_91 = arith.addi %mul3A_56, %add3A_90 : vector<16xi32>
      %gather3A_92 = tpu.vector_load_idx %arg20[%add3A_91] : memref<256xf32, #tpu.memory_space<vmem>>[vector<16xi32>], vector<16xf32>,
      %add3A_93 = arith.addf %add3A_83, %gather3A_92 : vector<16xf32>
      %add3A_94 = arith.constant 3 : i32
      %add3A_95 = vector.broadcast %add3A_94 : i32 to vector<16xi32>
      %add3A_96 = arith.addi %mul3A_56, %add3A_95 : vector<16xi32>
      %gather3A_97 = tpu.vector_load_idx %arg21[%add3A_96] : memref<256xf32, #tpu.memory_space<vmem>>[vector<16xi32>], vector<16xf32>,
      %add3A_98 = arith.addf %add3A_88, %gather3A_97 : vector<16xf32>
      %add3A_99 = arith.constant 4 : i32
      %add3A_100 = vector.broadcast %add3A_99 : i32 to vector<16xi32>
      %add3A_101 = arith.addi %mul3A_56, %add3A_100 : vector<16xi32>
      %gather3A_102 = tpu.vector_load_idx %arg20[%add3A_101] : memref<256xf32, #tpu.memory_space<vmem>>[vector<16xi32>], vector<16xf32>,
      %add3A_103 = arith.addf %add3A_93, %gather3A_102 : vector<16xf32>
      %add3A_104 = arith.constant 4 : i32
      %add3A_105 = vector.broadcast %add3A_104 : i32 to vector<16xi32>
      %add3A_106 = arith.addi %mul3A_56, %add3A_105 : vector<16xi32>
      %gather3A_107 = tpu.vector_load_idx %arg21[%add3A_106] : memref<256xf32, #tpu.memory_space<vmem>>[vector<16xi32>], vector<16xf32>,
      %add3A_108 = arith.addf %add3A_98, %gather3A_107 : vector<16xf32>
      %add3A_109 = arith.constant 5 : i32
      %add3A_110 = vector.broadcast %add3A_109 : i32 to vector<16xi32>
      %add3A_111 = arith.addi %mul3A_56, %add3A_110 : vector<16xi32>
      %gather3A_112 = tpu.vector_load_idx %arg20[%add3A_111] : memref<256xf32, #tpu.memory_space<vmem>>[vector<16xi32>], vector<16xf32>,
      %add3A_113 = arith.addf %add3A_103, %gather3A_112 : vector<16xf32>
      %add3A_114 = arith.constant 5 : i32
      %add3A_115 = vector.broadcast %add3A_114 : i32 to vector<16xi32>
      %add3A_116 = arith.addi %mul3A_56, %add3A_115 : vector<16xi32>
      %gather3A_117 = tpu.vector_load_idx %arg21[%add3A_116] : memref<256xf32, #tpu.memory_space<vmem>>[vector<16xi32>], vector<16xf32>,
      %add3A_118 = arith.addf %add3A_108, %gather3A_117 : vector<16xf32>
      %add3A_119 = arith.constant 6 : i32
      %add3A_120 = vector.broadcast %add3A_119 : i32 to vector<16xi32>
      %add3A_121 = arith.addi %mul3A_56, %add3A_120 : vector<16xi32>
      %gather3A_122 = tpu.vector_load_idx %arg20[%add3A_121] : memref<256xf32, #tpu.memory_space<vmem>>[vector<16xi32>], vector<16xf32>,
      %add3A_123 = arith.addf %add3A_113, %gather3A_122 : vector<16xf32>
      %add3A_124 = arith.constant 6 : i32
      %add3A_125 = vector.broadcast %add3A_124 : i32 to vector<16xi32>
      %add3A_126 = arith.addi %mul3A_56, %add3A_125 : vector<16xi32>
      %gather3A_127 = tpu.vector_load_idx %arg21[%add3A_126] : memref<256xf32, #tpu.memory_space<vmem>>[vector<16xi32>], vector<16xf32>,
      %add3A_128 = arith.addf %add3A_118, %gather3A_127 : vector<16xf32>
      %add3A_129 = arith.constant 7 : i32
      %add3A_130 = vector.broadcast %add3A_129 : i32 to vector<16xi32>
      %add3A_131 = arith.addi %mul3A_56, %add3A_130 : vector<16xi32>
      %gather3A_132 = tpu.vector_load_idx %arg20[%add3A_131] : memref<256xf32, #tpu.memory_space<vmem>>[vector<16xi32>], vector<16xf32>,
      %add3A_133 = arith.addf %add3A_123, %gather3A_132 : vector<16xf32>
      %add3A_134 = arith.constant 7 : i32
      %add3A_135 = vector.broadcast %add3A_134 : i32 to vector<16xi32>
      %add3A_136 = arith.addi %mul3A_56, %add3A_135 : vector<16xi32>
      %gather3A_137 = tpu.vector_load_idx %arg21[%add3A_136] : memref<256xf32, #tpu.memory_space<vmem>>[vector<16xi32>], vector<16xf32>,
      %add3A_138 = arith.addf %add3A_128, %gather3A_137 : vector<16xf32>
      %add3A_139 = arith.constant 8 : i32
      %add3A_140 = vector.broadcast %add3A_139 : i32 to vector<16xi32>
      %add3A_141 = arith.addi %mul3A_56, %add3A_140 : vector<16xi32>
      %gather3A_142 = tpu.vector_load_idx %arg20[%add3A_141] : memref<256xf32, #tpu.memory_space<vmem>>[vector<16xi32>], vector<16xf32>,
      %add3A_143 = arith.addf %add3A_133, %gather3A_142 : vector<16xf32>
      %add3A_144 = arith.constant 8 : i32
      %add3A_145 = vector.broadcast %add3A_144 : i32 to vector<16xi32>
      %add3A_146 = arith.addi %mul3A_56, %add3A_145 : vector<16xi32>
      %gather3A_147 = tpu.vector_load_idx %arg21[%add3A_146] : memref<256xf32, #tpu.memory_space<vmem>>[vector<16xi32>], vector<16xf32>,
      %add3A_148 = arith.addf %add3A_138, %gather3A_147 : vector<16xf32>
      %add3A_149 = arith.constant 9 : i32
      %add3A_150 = vector.broadcast %add3A_149 : i32 to vector<16xi32>
      %add3A_151 = arith.addi %mul3A_56, %add3A_150 : vector<16xi32>
      %gather3A_152 = tpu.vector_load_idx %arg20[%add3A_151] : memref<256xf32, #tpu.memory_space<vmem>>[vector<16xi32>], vector<16xf32>,
      %add3A_153 = arith.addf %add3A_143, %gather3A_152 : vector<16xf32>
      %add3A_154 = arith.constant 9 : i32
      %add3A_155 = vector.broadcast %add3A_154 : i32 to vector<16xi32>
      %add3A_156 = arith.addi %mul3A_56, %add3A_155 : vector<16xi32>
      %gather3A_157 = tpu.vector_load_idx %arg21[%add3A_156] : memref<256xf32, #tpu.memory_space<vmem>>[vector<16xi32>], vector<16xf32>,
      %add3A_158 = arith.addf %add3A_148, %gather3A_157 : vector<16xf32>
      %add3A_159 = arith.constant 10 : i32
      %add3A_160 = vector.broadcast %add3A_159 : i32 to vector<16xi32>
      %add3A_161 = arith.addi %mul3A_56, %add3A_160 : vector<16xi32>
      %gather3A_162 = tpu.vector_load_idx %arg20[%add3A_161] : memref<256xf32, #tpu.memory_space<vmem>>[vector<16xi32>], vector<16xf32>,
      %add3A_163 = arith.addf %add3A_153, %gather3A_162 : vector<16xf32>
      %add3A_164 = arith.constant 10 : i32
      %add3A_165 = vector.broadcast %add3A_164 : i32 to vector<16xi32>
      %add3A_166 = arith.addi %mul3A_56, %add3A_165 : vector<16xi32>
      %gather3A_167 = tpu.vector_load_idx %arg21[%add3A_166] : memref<256xf32, #tpu.memory_space<vmem>>[vector<16xi32>], vector<16xf32>,
      %add3A_168 = arith.addf %add3A_158, %gather3A_167 : vector<16xf32>
      %add3A_169 = arith.constant 11 : i32
      %add3A_170 = vector.broadcast %add3A_169 : i32 to vector<16xi32>
      %add3A_171 = arith.addi %mul3A_56, %add3A_170 : vector<16xi32>
      %gather3A_172 = tpu.vector_load_idx %arg20[%add3A_171] : memref<256xf32, #tpu.memory_space<vmem>>[vector<16xi32>], vector<16xf32>,
      %add3A_173 = arith.addf %add3A_163, %gather3A_172 : vector<16xf32>
      %add3A_174 = arith.constant 11 : i32
      %add3A_175 = vector.broadcast %add3A_174 : i32 to vector<16xi32>
      %add3A_176 = arith.addi %mul3A_56, %add3A_175 : vector<16xi32>
      %gather3A_177 = tpu.vector_load_idx %arg21[%add3A_176] : memref<256xf32, #tpu.memory_space<vmem>>[vector<16xi32>], vector<16xf32>,
      %add3A_178 = arith.addf %add3A_168, %gather3A_177 : vector<16xf32>
      %add3A_179 = arith.constant 12 : i32
      %add3A_180 = vector.broadcast %add3A_179 : i32 to vector<16xi32>
      %add3A_181 = arith.addi %mul3A_56, %add3A_180 : vector<16xi32>
      %gather3A_182 = tpu.vector_load_idx %arg20[%add3A_181] : memref<256xf32, #tpu.memory_space<vmem>>[vector<16xi32>], vector<16xf32>,
      %add3A_183 = arith.addf %add3A_173, %gather3A_182 : vector<16xf32>
      %add3A_184 = arith.constant 12 : i32
      %add3A_185 = vector.broadcast %add3A_184 : i32 to vector<16xi32>
      %add3A_186 = arith.addi %mul3A_56, %add3A_185 : vector<16xi32>
      %gather3A_187 = tpu.vector_load_idx %arg21[%add3A_186] : memref<256xf32, #tpu.memory_space<vmem>>[vector<16xi32>], vector<16xf32>,
      %add3A_188 = arith.addf %add3A_178, %gather3A_187 : vector<16xf32>
      %add3A_189 = arith.constant 13 : i32
      %add3A_190 = vector.broadcast %add3A_189 : i32 to vector<16xi32>
      %add3A_191 = arith.addi %mul3A_56, %add3A_190 : vector<16xi32>
      %gather3A_192 = tpu.vector_load_idx %arg20[%add3A_191] : memref<256xf32, #tpu.memory_space<vmem>>[vector<16xi32>], vector<16xf32>,
      %add3A_193 = arith.addf %add3A_183, %gather3A_192 : vector<16xf32>
      %add3A_194 = arith.constant 13 : i32
      %add3A_195 = vector.broadcast %add3A_194 : i32 to vector<16xi32>
      %add3A_196 = arith.addi %mul3A_56, %add3A_195 : vector<16xi32>
      %gather3A_197 = tpu.vector_load_idx %arg21[%add3A_196] : memref<256xf32, #tpu.memory_space<vmem>>[vector<16xi32>], vector<16xf32>,
      %add3A_198 = arith.addf %add3A_188, %gather3A_197 : vector<16xf32>
      %add3A_199 = arith.constant 14 : i32
      %add3A_200 = vector.broadcast %add3A_199 : i32 to vector<16xi32>
      %add3A_201 = arith.addi %mul3A_56, %add3A_200 : vector<16xi32>
      %gather3A_202 = tpu.vector_load_idx %arg20[%add3A_201] : memref<256xf32, #tpu.memory_space<vmem>>[vector<16xi32>], vector<16xf32>,
      %add3A_203 = arith.addf %add3A_193, %gather3A_202 : vector<16xf32>
      %add3A_204 = arith.constant 14 : i32
      %add3A_205 = vector.broadcast %add3A_204 : i32 to vector<16xi32>
      %add3A_206 = arith.addi %mul3A_56, %add3A_205 : vector<16xi32>
      %gather3A_207 = tpu.vector_load_idx %arg21[%add3A_206] : memref<256xf32, #tpu.memory_space<vmem>>[vector<16xi32>], vector<16xf32>,
      %add3A_208 = arith.addf %add3A_198, %gather3A_207 : vector<16xf32>
      %add3A_209 = arith.constant 15 : i32
      %add3A_210 = vector.broadcast %add3A_209 : i32 to vector<16xi32>
      %add3A_211 = arith.addi %mul3A_56, %add3A_210 : vector<16xi32>
      %gather3A_212 = tpu.vector_load_idx %arg20[%add3A_211] : memref<256xf32, #tpu.memory_space<vmem>>[vector<16xi32>], vector<16xf32>,
      %add3A_213 = arith.addf %add3A_203, %gather3A_212 : vector<16xf32>
      %add3A_214 = arith.constant 15 : i32
      %add3A_215 = vector.broadcast %add3A_214 : i32 to vector<16xi32>
      %add3A_216 = arith.addi %mul3A_56, %add3A_215 : vector<16xi32>
      %gather3A_217 = tpu.vector_load_idx %arg21[%add3A_216] : memref<256xf32, #tpu.memory_space<vmem>>[vector<16xi32>], vector<16xf32>,
      %add3A_218 = arith.addf %add3A_208, %gather3A_217 : vector<16xf32>
      %mul3A_219 = arith.constant 0.00130208337 : f32
      %mul3A_220 = vector.broadcast %mul3A_219 : f32 to vector<16xf32>
      %mul3A_221 = arith.mulf %add3A_213, %mul3A_220 : vector<16xf32>
      %mul3A_222 = arith.constant 0.00130208337 : f32
      %mul3A_223 = vector.broadcast %mul3A_222 : f32 to vector<16xf32>
      %mul3A_224 = arith.mulf %add3A_218, %mul3A_223 : vector<16xf32>
      %mul3A_225 = arith.mulf %mul3A_221, %mul3A_221 : vector<16xf32>
      %sub3A = arith.subf %mul3A_224, %mul3A_225 : vector<16xf32>
      %add3A_226 = arith.constant 9.99999996E-13 : f32
      %add3A_227 = vector.broadcast %add3A_226 : f32 to vector<16xf32>
      %add3A_228 = arith.addf %sub3A, %add3A_227 : vector<16xf32>
      %bitcast3A = vector.bitcast %add3A_228 : vector<16xf32> to vector<16xi32>
      %shift_right_logical3A = arith.constant 1 : i32
      %shift_right_logical3A_229 = vector.broadcast %shift_right_logical3A : i32 to vector<16xi32>
      %shift_right_logical3A_230 = arith.shrui %bitcast3A, %shift_right_logical3A_229 : vector<16xi32>
      %sub3A_231 = arith.constant 1597463007 : i32
      %sub3A_232 = vector.broadcast %sub3A_231 : i32 to vector<16xi32>
      %sub3A_233 = arith.subi %sub3A_232, %shift_right_logical3A_230 : vector<16xi32>
      %bitcast3A_234 = vector.bitcast %sub3A_233 : vector<16xi32> to vector<16xf32>
      %mul3A_235 = arith.constant 5.000000e-01 : f32
      %mul3A_236 = vector.broadcast %mul3A_235 : f32 to vector<16xf32>
      %mul3A_237 = arith.mulf %add3A_228, %mul3A_236 : vector<16xf32>
      %mul3A_238 = arith.mulf %mul3A_237, %bitcast3A_234 : vector<16xf32>
      %mul3A_239 = arith.mulf %mul3A_238, %bitcast3A_234 : vector<16xf32>
      %sub3A_240 = arith.constant 1.500000e+00 : f32
      %sub3A_241 = vector.broadcast %sub3A_240 : f32 to vector<16xf32>
      %sub3A_242 = arith.subf %sub3A_241, %mul3A_239 : vector<16xf32>
      %mul3A_243 = arith.mulf %bitcast3A_234, %sub3A_242 : vector<16xf32>
      %mul3A_244 = arith.mulf %mul3A_237, %mul3A_243 : vector<16xf32>
      %mul3A_245 = arith.mulf %mul3A_244, %mul3A_243 : vector<16xf32>
      %sub3A_246 = arith.constant 1.500000e+00 : f32
      %sub3A_247 = vector.broadcast %sub3A_246 : f32 to vector<16xf32>
      %sub3A_248 = arith.subf %sub3A_247, %mul3A_245 : vector<16xf32>
      %mul3A_249 = arith.mulf %mul3A_243, %sub3A_248 : vector<16xf32>
      %mul3A_250 = arith.mulf %mul3A_237, %mul3A_249 : vector<16xf32>
      %mul3A_251 = arith.mulf %mul3A_250, %mul3A_249 : vector<16xf32>
      %sub3A_252 = arith.constant 1.500000e+00 : f32
      %sub3A_253 = vector.broadcast %sub3A_252 : f32 to vector<16xf32>
      %sub3A_254 = arith.subf %sub3A_253, %mul3A_251 : vector<16xf32>
      %mul3A_255 = arith.mulf %mul3A_249, %sub3A_254 : vector<16xf32>
      %swap3A = arith.constant 0 : index
      %swap3A_256 = tpu.vector_load %arg22[%swap3A] {strides = array<i32>} : memref<16xf32, #tpu.memory_space<vmem>>, vector<16xf32>,
      tpu.vector_store %arg22[%swap3A], %mul3A_255 {strides = array<i32>} : memref<16xf32, #tpu.memory_space<vmem>>, vector<16xf32>,
      %mul3A_257 = arith.mulf %mul3A_221, %mul3A_255 : vector<16xf32>
      %swap3A_258 = arith.constant 0 : index
      %swap3A_259 = tpu.vector_load %arg23[%swap3A_258] {strides = array<i32>} : memref<16xf32, #tpu.memory_space<vmem>>, vector<16xf32>,
      tpu.vector_store %arg23[%swap3A_258], %mul3A_257 {strides = array<i32>} : memref<16xf32, #tpu.memory_space<vmem>>, vector<16xf32>,
      %parallel_loop3A_260 = arith.constant 0 : i32
      %parallel_loop3A_261 = arith.constant 2 : i32
      %parallel_loop3A_262 = arith.constant 1 : i32
      scf.for %parallel_loop3A_528 = %parallel_loop3A_260 to %parallel_loop3A_261 step %parallel_loop3A_262  : i32 {
        %parallel_loop3A_529 = arith.constant 8 : i32
        %parallel_loop3A_530 = arith.muli %parallel_loop3A_528, %parallel_loop3A_529 : i32
        %parallel_loop3A_531 = arith.constant 0 : i32
        %parallel_loop3A_532 = arith.addi %parallel_loop3A_530, %parallel_loop3A_531 : i32
        %parallel_loop3A_533 = vector.broadcast %parallel_loop3A_532 : i32 to vector<16xi32>
        %parallel_loop3A_534 = tpu.vector_load_idx %arg22[%parallel_loop3A_533] : memref<16xf32, #tpu.memory_space<vmem>>[vector<16xi32>], vector<16xf32>,
        %parallel_loop3A_535 = tpu.vector_load_idx %arg23[%parallel_loop3A_533] : memref<16xf32, #tpu.memory_space<vmem>>[vector<16xi32>], vector<16xf32>,
        %parallel_loop3A_536 = arith.constant 1 : i32
        %parallel_loop3A_537 = arith.addi %parallel_loop3A_530, %parallel_loop3A_536 : i32
        %parallel_loop3A_538 = vector.broadcast %parallel_loop3A_537 : i32 to vector<16xi32>
        %parallel_loop3A_539 = tpu.vector_load_idx %arg22[%parallel_loop3A_538] : memref<16xf32, #tpu.memory_space<vmem>>[vector<16xi32>], vector<16xf32>,
        %parallel_loop3A_540 = tpu.vector_load_idx %arg23[%parallel_loop3A_538] : memref<16xf32, #tpu.memory_space<vmem>>[vector<16xi32>], vector<16xf32>,
        %parallel_loop3A_541 = arith.constant 2 : i32
        %parallel_loop3A_542 = arith.addi %parallel_loop3A_530, %parallel_loop3A_541 : i32
        %parallel_loop3A_543 = vector.broadcast %parallel_loop3A_542 : i32 to vector<16xi32>
        %parallel_loop3A_544 = tpu.vector_load_idx %arg22[%parallel_loop3A_543] : memref<16xf32, #tpu.memory_space<vmem>>[vector<16xi32>], vector<16xf32>,
        %parallel_loop3A_545 = tpu.vector_load_idx %arg23[%parallel_loop3A_543] : memref<16xf32, #tpu.memory_space<vmem>>[vector<16xi32>], vector<16xf32>,
        %parallel_loop3A_546 = arith.constant 3 : i32
        %parallel_loop3A_547 = arith.addi %parallel_loop3A_530, %parallel_loop3A_546 : i32
        %parallel_loop3A_548 = vector.broadcast %parallel_loop3A_547 : i32 to vector<16xi32>
        %parallel_loop3A_549 = tpu.vector_load_idx %arg22[%parallel_loop3A_548] : memref<16xf32, #tpu.memory_space<vmem>>[vector<16xi32>], vector<16xf32>,
        %parallel_loop3A_550 = tpu.vector_load_idx %arg23[%parallel_loop3A_548] : memref<16xf32, #tpu.memory_space<vmem>>[vector<16xi32>], vector<16xf32>,
        %parallel_loop3A_551 = arith.constant 4 : i32
        %parallel_loop3A_552 = arith.addi %parallel_loop3A_530, %parallel_loop3A_551 : i32
        %parallel_loop3A_553 = vector.broadcast %parallel_loop3A_552 : i32 to vector<16xi32>
        %parallel_loop3A_554 = tpu.vector_load_idx %arg22[%parallel_loop3A_553] : memref<16xf32, #tpu.memory_space<vmem>>[vector<16xi32>], vector<16xf32>,
        %parallel_loop3A_555 = tpu.vector_load_idx %arg23[%parallel_loop3A_553] : memref<16xf32, #tpu.memory_space<vmem>>[vector<16xi32>], vector<16xf32>,
        %parallel_loop3A_556 = arith.constant 5 : i32
        %parallel_loop3A_557 = arith.addi %parallel_loop3A_530, %parallel_loop3A_556 : i32
        %parallel_loop3A_558 = vector.broadcast %parallel_loop3A_557 : i32 to vector<16xi32>
        %parallel_loop3A_559 = tpu.vector_load_idx %arg22[%parallel_loop3A_558] : memref<16xf32, #tpu.memory_space<vmem>>[vector<16xi32>], vector<16xf32>,
        %parallel_loop3A_560 = tpu.vector_load_idx %arg23[%parallel_loop3A_558] : memref<16xf32, #tpu.memory_space<vmem>>[vector<16xi32>], vector<16xf32>,
        %parallel_loop3A_561 = arith.constant 6 : i32
        %parallel_loop3A_562 = arith.addi %parallel_loop3A_530, %parallel_loop3A_561 : i32
        %parallel_loop3A_563 = vector.broadcast %parallel_loop3A_562 : i32 to vector<16xi32>
        %parallel_loop3A_564 = tpu.vector_load_idx %arg22[%parallel_loop3A_563] : memref<16xf32, #tpu.memory_space<vmem>>[vector<16xi32>], vector<16xf32>,
        %parallel_loop3A_565 = tpu.vector_load_idx %arg23[%parallel_loop3A_563] : memref<16xf32, #tpu.memory_space<vmem>>[vector<16xi32>], vector<16xf32>,
        %parallel_loop3A_566 = arith.constant 7 : i32
        %parallel_loop3A_567 = arith.addi %parallel_loop3A_530, %parallel_loop3A_566 : i32
        %parallel_loop3A_568 = vector.broadcast %parallel_loop3A_567 : i32 to vector<16xi32>
        %parallel_loop3A_569 = tpu.vector_load_idx %arg22[%parallel_loop3A_568] : memref<16xf32, #tpu.memory_space<vmem>>[vector<16xi32>], vector<16xf32>,
        %parallel_loop3A_570 = tpu.vector_load_idx %arg23[%parallel_loop3A_568] : memref<16xf32, #tpu.memory_space<vmem>>[vector<16xi32>], vector<16xf32>,
        %parallel_loop3A_571 = arith.constant 0 : i32
        %parallel_loop3A_572 = arith.constant 48 : i32
        %parallel_loop3A_573 = arith.constant 1 : i32
        scf.for %parallel_loop3A_574 = %parallel_loop3A_571 to %parallel_loop3A_572 step %parallel_loop3A_573  : i32 {
          %parallel_loop3A_575 = arith.constant 16 : i32
          %parallel_loop3A_576 = arith.muli %parallel_loop3A_574, %parallel_loop3A_575 : i32
          %parallel_loop3A_577 = arith.index_cast %parallel_loop3A_576 : i32 to index
          %parallel_loop3A_578 = tpu.vector_load %arg18[%parallel_loop3A_577] {strides = array<i32>} : memref<768xf32, #tpu.memory_space<vmem>>, vector<16xf32>,
          %parallel_loop3A_579 = arith.index_cast %parallel_loop3A_576 : i32 to index
          %parallel_loop3A_580 = tpu.vector_load %arg19[%parallel_loop3A_579] {strides = array<i32>} : memref<768xf32, #tpu.memory_space<vmem>>, vector<16xf32>,
          %parallel_loop3A_581 = arith.constant 0 : i32
          %parallel_loop3A_582 = arith.addi %parallel_loop3A_530, %parallel_loop3A_581 : i32
          %parallel_loop3A_583 = arith.index_cast %parallel_loop3A_582 : i32 to index
          %parallel_loop3A_584 = arith.index_cast %parallel_loop3A_576 : i32 to index
          %parallel_loop3A_585 = tpu.vector_load %arg12[%parallel_loop3A_583, %parallel_loop3A_584] {strides = array<i32>} : memref<16x768xf32, #tpu.memory_space<vmem>>, vector<16xf32>,
          %parallel_loop3A_586 = arith.mulf %parallel_loop3A_585, %parallel_loop3A_534 : vector<16xf32>
          %parallel_loop3A_587 = arith.subf %parallel_loop3A_586, %parallel_loop3A_535 : vector<16xf32>
          %parallel_loop3A_588 = arith.mulf %parallel_loop3A_587, %parallel_loop3A_578 : vector<16xf32>
          %parallel_loop3A_589 = arith.addf %parallel_loop3A_588, %parallel_loop3A_580 : vector<16xf32>
          %parallel_loop3A_590 = arith.constant 0 : i32
          %parallel_loop3A_591 = arith.addi %parallel_loop3A_530, %parallel_loop3A_590 : i32
          %parallel_loop3A_592 = arith.index_cast %parallel_loop3A_591 : i32 to index
          %parallel_loop3A_593 = arith.index_cast %parallel_loop3A_576 : i32 to index
          %parallel_loop3A_594 = tpu.vector_load %arg14[%parallel_loop3A_592, %parallel_loop3A_593] {strides = array<i32>} : memref<16x768xf32, #tpu.memory_space<vmem>>, vector<16xf32>,
          tpu.vector_store %arg14[%parallel_loop3A_592, %parallel_loop3A_593], %parallel_loop3A_589 {strides = array<i32>} : memref<16x768xf32, #tpu.memory_space<vmem>>, vector<16xf32>,
          %parallel_loop3A_595 = arith.constant 1 : i32
          %parallel_loop3A_596 = arith.addi %parallel_loop3A_530, %parallel_loop3A_595 : i32
          %parallel_loop3A_597 = arith.index_cast %parallel_loop3A_596 : i32 to index
          %parallel_loop3A_598 = arith.index_cast %parallel_loop3A_576 : i32 to index
          %parallel_loop3A_599 = tpu.vector_load %arg12[%parallel_loop3A_597, %parallel_loop3A_598] {strides = array<i32>} : memref<16x768xf32, #tpu.memory_space<vmem>>, vector<16xf32>,
          %parallel_loop3A_600 = arith.mulf %parallel_loop3A_599, %parallel_loop3A_539 : vector<16xf32>
          %parallel_loop3A_601 = arith.subf %parallel_loop3A_600, %parallel_loop3A_540 : vector<16xf32>
          %parallel_loop3A_602 = arith.mulf %parallel_loop3A_601, %parallel_loop3A_578 : vector<16xf32>
          %parallel_loop3A_603 = arith.addf %parallel_loop3A_602, %parallel_loop3A_580 : vector<16xf32>
          %parallel_loop3A_604 = arith.constant 1 : i32
          %parallel_loop3A_605 = arith.addi %parallel_loop3A_530, %parallel_loop3A_604 : i32
          %parallel_loop3A_606 = arith.index_cast %parallel_loop3A_605 : i32 to index
          %parallel_loop3A_607 = arith.index_cast %parallel_loop3A_576 : i32 to index
          %parallel_loop3A_608 = tpu.vector_load %arg14[%parallel_loop3A_606, %parallel_loop3A_607] {strides = array<i32>} : memref<16x768xf32, #tpu.memory_space<vmem>>, vector<16xf32>,
          tpu.vector_store %arg14[%parallel_loop3A_606, %parallel_loop3A_607], %parallel_loop3A_603 {strides = array<i32>} : memref<16x768xf32, #tpu.memory_space<vmem>>, vector<16xf32>,
          %parallel_loop3A_609 = arith.constant 2 : i32
          %parallel_loop3A_610 = arith.addi %parallel_loop3A_530, %parallel_loop3A_609 : i32
          %parallel_loop3A_611 = arith.index_cast %parallel_loop3A_610 : i32 to index
          %parallel_loop3A_612 = arith.index_cast %parallel_loop3A_576 : i32 to index
          %parallel_loop3A_613 = tpu.vector_load %arg12[%parallel_loop3A_611, %parallel_loop3A_612] {strides = array<i32>} : memref<16x768xf32, #tpu.memory_space<vmem>>, vector<16xf32>,
          %parallel_loop3A_614 = arith.mulf %parallel_loop3A_613, %parallel_loop3A_544 : vector<16xf32>
          %parallel_loop3A_615 = arith.subf %parallel_loop3A_614, %parallel_loop3A_545 : vector<16xf32>
          %parallel_loop3A_616 = arith.mulf %parallel_loop3A_615, %parallel_loop3A_578 : vector<16xf32>
          %parallel_loop3A_617 = arith.addf %parallel_loop3A_616, %parallel_loop3A_580 : vector<16xf32>
          %parallel_loop3A_618 = arith.constant 2 : i32
          %parallel_loop3A_619 = arith.addi %parallel_loop3A_530, %parallel_loop3A_618 : i32
          %parallel_loop3A_620 = arith.index_cast %parallel_loop3A_619 : i32 to index
          %parallel_loop3A_621 = arith.index_cast %parallel_loop3A_576 : i32 to index
          %parallel_loop3A_622 = tpu.vector_load %arg14[%parallel_loop3A_620, %parallel_loop3A_621] {strides = array<i32>} : memref<16x768xf32, #tpu.memory_space<vmem>>, vector<16xf32>,
          tpu.vector_store %arg14[%parallel_loop3A_620, %parallel_loop3A_621], %parallel_loop3A_617 {strides = array<i32>} : memref<16x768xf32, #tpu.memory_space<vmem>>, vector<16xf32>,
          %parallel_loop3A_623 = arith.constant 3 : i32
          %parallel_loop3A_624 = arith.addi %parallel_loop3A_530, %parallel_loop3A_623 : i32
          %parallel_loop3A_625 = arith.index_cast %parallel_loop3A_624 : i32 to index
          %parallel_loop3A_626 = arith.index_cast %parallel_loop3A_576 : i32 to index
          %parallel_loop3A_627 = tpu.vector_load %arg12[%parallel_loop3A_625, %parallel_loop3A_626] {strides = array<i32>} : memref<16x768xf32, #tpu.memory_space<vmem>>, vector<16xf32>,
          %parallel_loop3A_628 = arith.mulf %parallel_loop3A_627, %parallel_loop3A_549 : vector<16xf32>
          %parallel_loop3A_629 = arith.subf %parallel_loop3A_628, %parallel_loop3A_550 : vector<16xf32>
          %parallel_loop3A_630 = arith.mulf %parallel_loop3A_629, %parallel_loop3A_578 : vector<16xf32>
          %parallel_loop3A_631 = arith.addf %parallel_loop3A_630, %parallel_loop3A_580 : vector<16xf32>
          %parallel_loop3A_632 = arith.constant 3 : i32
          %parallel_loop3A_633 = arith.addi %parallel_loop3A_530, %parallel_loop3A_632 : i32
          %parallel_loop3A_634 = arith.index_cast %parallel_loop3A_633 : i32 to index
          %parallel_loop3A_635 = arith.index_cast %parallel_loop3A_576 : i32 to index
          %parallel_loop3A_636 = tpu.vector_load %arg14[%parallel_loop3A_634, %parallel_loop3A_635] {strides = array<i32>} : memref<16x768xf32, #tpu.memory_space<vmem>>, vector<16xf32>,
          tpu.vector_store %arg14[%parallel_loop3A_634, %parallel_loop3A_635], %parallel_loop3A_631 {strides = array<i32>} : memref<16x768xf32, #tpu.memory_space<vmem>>, vector<16xf32>,
          %parallel_loop3A_637 = arith.constant 4 : i32
          %parallel_loop3A_638 = arith.addi %parallel_loop3A_530, %parallel_loop3A_637 : i32
          %parallel_loop3A_639 = arith.index_cast %parallel_loop3A_638 : i32 to index
          %parallel_loop3A_640 = arith.index_cast %parallel_loop3A_576 : i32 to index
          %parallel_loop3A_641 = tpu.vector_load %arg12[%parallel_loop3A_639, %parallel_loop3A_640] {strides = array<i32>} : memref<16x768xf32, #tpu.memory_space<vmem>>, vector<16xf32>,
          %parallel_loop3A_642 = arith.mulf %parallel_loop3A_641, %parallel_loop3A_554 : vector<16xf32>
          %parallel_loop3A_643 = arith.subf %parallel_loop3A_642, %parallel_loop3A_555 : vector<16xf32>
          %parallel_loop3A_644 = arith.mulf %parallel_loop3A_643, %parallel_loop3A_578 : vector<16xf32>
          %parallel_loop3A_645 = arith.addf %parallel_loop3A_644, %parallel_loop3A_580 : vector<16xf32>
          %parallel_loop3A_646 = arith.constant 4 : i32
          %parallel_loop3A_647 = arith.addi %parallel_loop3A_530, %parallel_loop3A_646 : i32
          %parallel_loop3A_648 = arith.index_cast %parallel_loop3A_647 : i32 to index
          %parallel_loop3A_649 = arith.index_cast %parallel_loop3A_576 : i32 to index
          %parallel_loop3A_650 = tpu.vector_load %arg14[%parallel_loop3A_648, %parallel_loop3A_649] {strides = array<i32>} : memref<16x768xf32, #tpu.memory_space<vmem>>, vector<16xf32>,
          tpu.vector_store %arg14[%parallel_loop3A_648, %parallel_loop3A_649], %parallel_loop3A_645 {strides = array<i32>} : memref<16x768xf32, #tpu.memory_space<vmem>>, vector<16xf32>,
          %parallel_loop3A_651 = arith.constant 5 : i32
          %parallel_loop3A_652 = arith.addi %parallel_loop3A_530, %parallel_loop3A_651 : i32
          %parallel_loop3A_653 = arith.index_cast %parallel_loop3A_652 : i32 to index
          %parallel_loop3A_654 = arith.index_cast %parallel_loop3A_576 : i32 to index
          %parallel_loop3A_655 = tpu.vector_load %arg12[%parallel_loop3A_653, %parallel_loop3A_654] {strides = array<i32>} : memref<16x768xf32, #tpu.memory_space<vmem>>, vector<16xf32>,
          %parallel_loop3A_656 = arith.mulf %parallel_loop3A_655, %parallel_loop3A_559 : vector<16xf32>
          %parallel_loop3A_657 = arith.subf %parallel_loop3A_656, %parallel_loop3A_560 : vector<16xf32>
          %parallel_loop3A_658 = arith.mulf %parallel_loop3A_657, %parallel_loop3A_578 : vector<16xf32>
          %parallel_loop3A_659 = arith.addf %parallel_loop3A_658, %parallel_loop3A_580 : vector<16xf32>
          %parallel_loop3A_660 = arith.constant 5 : i32
          %parallel_loop3A_661 = arith.addi %parallel_loop3A_530, %parallel_loop3A_660 : i32
          %parallel_loop3A_662 = arith.index_cast %parallel_loop3A_661 : i32 to index
          %parallel_loop3A_663 = arith.index_cast %parallel_loop3A_576 : i32 to index
          %parallel_loop3A_664 = tpu.vector_load %arg14[%parallel_loop3A_662, %parallel_loop3A_663] {strides = array<i32>} : memref<16x768xf32, #tpu.memory_space<vmem>>, vector<16xf32>,
          tpu.vector_store %arg14[%parallel_loop3A_662, %parallel_loop3A_663], %parallel_loop3A_659 {strides = array<i32>} : memref<16x768xf32, #tpu.memory_space<vmem>>, vector<16xf32>,
          %parallel_loop3A_665 = arith.constant 6 : i32
          %parallel_loop3A_666 = arith.addi %parallel_loop3A_530, %parallel_loop3A_665 : i32
          %parallel_loop3A_667 = arith.index_cast %parallel_loop3A_666 : i32 to index
          %parallel_loop3A_668 = arith.index_cast %parallel_loop3A_576 : i32 to index
          %parallel_loop3A_669 = tpu.vector_load %arg12[%parallel_loop3A_667, %parallel_loop3A_668] {strides = array<i32>} : memref<16x768xf32, #tpu.memory_space<vmem>>, vector<16xf32>,
          %parallel_loop3A_670 = arith.mulf %parallel_loop3A_669, %parallel_loop3A_564 : vector<16xf32>
          %parallel_loop3A_671 = arith.subf %parallel_loop3A_670, %parallel_loop3A_565 : vector<16xf32>
          %parallel_loop3A_672 = arith.mulf %parallel_loop3A_671, %parallel_loop3A_578 : vector<16xf32>
          %parallel_loop3A_673 = arith.addf %parallel_loop3A_672, %parallel_loop3A_580 : vector<16xf32>
          %parallel_loop3A_674 = arith.constant 6 : i32
          %parallel_loop3A_675 = arith.addi %parallel_loop3A_530, %parallel_loop3A_674 : i32
          %parallel_loop3A_676 = arith.index_cast %parallel_loop3A_675 : i32 to index
          %parallel_loop3A_677 = arith.index_cast %parallel_loop3A_576 : i32 to index
          %parallel_loop3A_678 = tpu.vector_load %arg14[%parallel_loop3A_676, %parallel_loop3A_677] {strides = array<i32>} : memref<16x768xf32, #tpu.memory_space<vmem>>, vector<16xf32>,
          tpu.vector_store %arg14[%parallel_loop3A_676, %parallel_loop3A_677], %parallel_loop3A_673 {strides = array<i32>} : memref<16x768xf32, #tpu.memory_space<vmem>>, vector<16xf32>,
          %parallel_loop3A_679 = arith.constant 7 : i32
          %parallel_loop3A_680 = arith.addi %parallel_loop3A_530, %parallel_loop3A_679 : i32
          %parallel_loop3A_681 = arith.index_cast %parallel_loop3A_680 : i32 to index
          %parallel_loop3A_682 = arith.index_cast %parallel_loop3A_576 : i32 to index
          %parallel_loop3A_683 = tpu.vector_load %arg12[%parallel_loop3A_681, %parallel_loop3A_682] {strides = array<i32>} : memref<16x768xf32, #tpu.memory_space<vmem>>, vector<16xf32>,
          %parallel_loop3A_684 = arith.mulf %parallel_loop3A_683, %parallel_loop3A_569 : vector<16xf32>
          %parallel_loop3A_685 = arith.subf %parallel_loop3A_684, %parallel_loop3A_570 : vector<16xf32>
          %parallel_loop3A_686 = arith.mulf %parallel_loop3A_685, %parallel_loop3A_578 : vector<16xf32>
          %parallel_loop3A_687 = arith.addf %parallel_loop3A_686, %parallel_loop3A_580 : vector<16xf32>
          %parallel_loop3A_688 = arith.constant 7 : i32
          %parallel_loop3A_689 = arith.addi %parallel_loop3A_530, %parallel_loop3A_688 : i32
          %parallel_loop3A_690 = arith.index_cast %parallel_loop3A_689 : i32 to index
          %parallel_loop3A_691 = arith.index_cast %parallel_loop3A_576 : i32 to index
          %parallel_loop3A_692 = tpu.vector_load %arg14[%parallel_loop3A_690, %parallel_loop3A_691] {strides = array<i32>} : memref<16x768xf32, #tpu.memory_space<vmem>>, vector<16xf32>,
          tpu.vector_store %arg14[%parallel_loop3A_690, %parallel_loop3A_691], %parallel_loop3A_687 {strides = array<i32>} : memref<16x768xf32, #tpu.memory_space<vmem>>, vector<16xf32>,
        } {sc.loop_unroll_factor = 2 : i64, sc.parallel_access}
      } {sc.loop_unroll_factor = 1 : i64, sc.parallel_access}
      %mul3A_263 = arith.constant 512 : i32
      %mul3A_264 = arith.muli %add3A_42, %mul3A_263 : i32
      %mul3A_265 = arith.constant 16 : i32
      %mul3A_266 = arith.muli %add3A, %mul3A_265 : i32
      %add3A_267 = arith.addi %mul3A_264, %mul3A_266 : i32
      %dma_start3A_268 = arith.constant 0 : i32
      %dma_start3A_269 = tpu.memref_slice %arg9[%add3A_267, %dma_start3A_268] : memref<32768x768xf32, #tpu.memory_space<hbm>> -> memref<16x768xf32, #tpu.memory_space<hbm>>
      %dma_start3A_270 = arith.constant 0 : i32
      %dma_start3A_271 = tpu.memref_slice %arg9[%add3A_267, %dma_start3A_270] : memref<32768x768xf32, #tpu.memory_space<hbm>> -> memref<16x768xf32, #tpu.memory_space<hbm>>
      tpu.enqueue_dma source(%arg14 : memref<16x768xf32, #tpu.memory_space<vmem>>) target(%dma_start3A_271 : memref<16x768xf32, #tpu.memory_space<hbm>>) target_semaphore(%arg26 : memref<!tpu.dma_semaphore, #tpu.memory_space<semaphore_mem>>)
      %add3A_272 = arith.constant 2 : i32
      %add3A_273 = arith.addi %add3A_42, %add3A_272 : i32
      %lt3A = arith.constant 64 : i32
      %lt3A_274 = arith.cmpi slt, %add3A_273, %lt3A : i32
      %convert_element_type3A_275 = arith.extui %lt3A_274 : i1 to i32
      %cond3A_276 = arith.constant 0 : i32
      %cond3A_277 = arith.cmpi ne, %convert_element_type3A_275, %cond3A_276 : i32
      scf.if %cond3A_277 {
        %add3A_528 = arith.constant 2 : i32
        %add3A_529 = arith.addi %add3A_42, %add3A_528 : i32
        %dma_start3A_530 = arith.constant 0 : i32
        %dma_start3A_531 = tpu.memref_slice %arg10[%add3A_529, %dma_start3A_530] : memref<64x16xi32, #tpu.memory_space<vmem>> -> memref<1x16xi32, #tpu.memory_space<vmem>>
        %dma_start3A_532 = tpu.memref_squeeze %dma_start3A_531 : memref<1x16xi32, #tpu.memory_space<vmem>> -> memref<16xi32, #tpu.memory_space<vmem>>
        %dma_start3A_533 = arith.constant 0 : i32
        %dma_start3A_534 = arith.constant 0 : i32
        %dma_start3A_535 = tpu.memref_slice %arg4[%dma_start3A_533, %dma_start3A_534] : memref<100000x768xf32, #tpu.memory_space<hbm>> -> memref<100000x768xf32, #tpu.memory_space<hbm>>
        tpu.enqueue_indirect_dma source(%dma_start3A_535 : memref<100000x768xf32, #tpu.memory_space<hbm>>) target(%arg12 : memref<16x768xf32, #tpu.memory_space<vmem>>) offsets(%dma_start3A_532 : memref<16xi32, #tpu.memory_space<vmem>>) semaphore(%arg24 : memref<!tpu.dma_semaphore, #tpu.memory_space<semaphore_mem>>)
      } else {
      }
      %mul3A_278 = arith.constant 2 : i32
      %mul3A_279 = arith.muli %mul3A_278, %scan3A_37 : i32
      %add3A_280 = arith.constant 1 : i32
      %add3A_281 = arith.addi %mul3A_279, %add3A_280 : i32
      %dma_wait3A_282 = arith.constant 0 : i32
      %dma_wait3A_283 = tpu.memref_slice %arg10[%add3A_281, %dma_wait3A_282] : memref<64x16xi32, #tpu.memory_space<vmem>> -> memref<1x16xi32, #tpu.memory_space<vmem>>
      %dma_wait3A_284 = tpu.memref_squeeze %dma_wait3A_283 : memref<1x16xi32, #tpu.memory_space<vmem>> -> memref<16xi32, #tpu.memory_space<vmem>>
      %dma_wait3A_285 = arith.constant 0 : i32
      %dma_wait3A_286 = arith.constant 0 : i32
      %dma_wait3A_287 = tpu.memref_slice %arg4[%dma_wait3A_285, %dma_wait3A_286] : memref<100000x768xf32, #tpu.memory_space<hbm>> -> memref<100000x768xf32, #tpu.memory_space<hbm>>
      tpu.wait_indirect_dma semaphore(%arg25 : memref<!tpu.dma_semaphore, #tpu.memory_space<semaphore_mem>>) src(%dma_wait3A_287 : memref<100000x768xf32, #tpu.memory_space<hbm>>) dst(%arg13 : memref<16x768xf32, #tpu.memory_space<vmem>>)
      %ge3A_288 = arith.constant 2 : i32
      %ge3A_289 = arith.cmpi sge, %add3A_281, %ge3A_288 : i32
      %convert_element_type3A_290 = arith.extui %ge3A_289 : i1 to i32
      %cond3A_291 = arith.constant 0 : i32
      %cond3A_292 = arith.cmpi ne, %convert_element_type3A_290, %cond3A_291 : i32
      scf.if %cond3A_292 {
        %mul3A_528 = arith.constant 16 : i32
        %mul3A_529 = arith.muli %add3A, %mul3A_528 : i32
        %dma_wait3A_530 = arith.constant 0 : i32
        %dma_wait3A_531 = tpu.memref_slice %arg9[%mul3A_529, %dma_wait3A_530] : memref<32768x768xf32, #tpu.memory_space<hbm>> -> memref<16x768xf32, #tpu.memory_space<hbm>>
        %dma_wait3A_532 = arith.constant 0 : i32
        %dma_wait3A_533 = tpu.memref_slice %arg9[%mul3A_529, %dma_wait3A_532] : memref<32768x768xf32, #tpu.memory_space<hbm>> -> memref<16x768xf32, #tpu.memory_space<hbm>>
        tpu.wait_dma2 semaphore(%arg27 : memref<!tpu.dma_semaphore, #tpu.memory_space<semaphore_mem>>) src(%arg15 : memref<16x768xf32, #tpu.memory_space<vmem>>) dst(%dma_wait3A_533 : memref<16x768xf32, #tpu.memory_space<hbm>>)
      } else {
      }
      %parallel_loop3A_293 = arith.constant 0 : i32
      %parallel_loop3A_294 = arith.constant 16 : i32
      %parallel_loop3A_295 = arith.constant 1 : i32
      scf.for %parallel_loop3A_528 = %parallel_loop3A_293 to %parallel_loop3A_294 step %parallel_loop3A_295  : i32 {
        %parallel_loop3A_529 = vector.broadcast %add3A_281 : i32 to vector<16xi32>
        %parallel_loop3A_530 = vector.broadcast %parallel_loop3A_528 : i32 to vector<16xi32>
        %parallel_loop3A_531 = tpu.vector_load_idx %arg11[%parallel_loop3A_529, %parallel_loop3A_530] : memref<64x16xi32, #tpu.memory_space<vmem>>[vector<16xi32>, vector<16xi32>], vector<16xi32>,
        %parallel_loop3A_532 = arith.constant 0.000000e+00 : f32
        %parallel_loop3A_533 = vector.broadcast %parallel_loop3A_532 : f32 to vector<16xf32>
        %parallel_loop3A_534 = arith.constant 0 : i32
        %parallel_loop3A_535 = arith.constant 48 : i32
        %parallel_loop3A_536 = arith.constant 1 : i32
        %parallel_loop3A_537:2 = scf.for %parallel_loop3A_546 = %parallel_loop3A_534 to %parallel_loop3A_535 step %parallel_loop3A_536 iter_args(%parallel_loop3A_547 = %parallel_loop3A_533, %parallel_loop3A_548 = %parallel_loop3A_533) -> (vector<16xf32>, vector<16xf32>)  : i32 {
          %parallel_loop3A_549 = arith.constant 16 : i32
          %parallel_loop3A_550 = arith.muli %parallel_loop3A_546, %parallel_loop3A_549 : i32
          %parallel_loop3A_551 = arith.constant 16 : i32
          %parallel_loop3A_552 = arith.muli %parallel_loop3A_546, %parallel_loop3A_551 : i32
          %parallel_loop3A_553 = vector.broadcast %parallel_loop3A_552 : i32 to vector<16xi32>
          %parallel_loop3A_554 = arith.addi %parallel_loop3A_553, %iota3A : vector<16xi32>
          %parallel_loop3A_555 = tpu.vector_load_idx %arg16[%parallel_loop3A_531, %parallel_loop3A_554] : memref<32x768xf32, #tpu.memory_space<vmem>>[vector<16xi32>, vector<16xi32>], vector<16xf32>,
          %parallel_loop3A_556 = arith.index_cast %parallel_loop3A_528 : i32 to index
          %parallel_loop3A_557 = arith.index_cast %parallel_loop3A_550 : i32 to index
          %parallel_loop3A_558 = tpu.vector_load %arg13[%parallel_loop3A_556, %parallel_loop3A_557] {strides = array<i32>} : memref<16x768xf32, #tpu.memory_space<vmem>>, vector<16xf32>,
          %parallel_loop3A_559 = arith.addf %parallel_loop3A_558, %parallel_loop3A_555 : vector<16xf32>
          %parallel_loop3A_560 = arith.index_cast %parallel_loop3A_528 : i32 to index
          %parallel_loop3A_561 = arith.index_cast %parallel_loop3A_550 : i32 to index
          %parallel_loop3A_562 = tpu.vector_load %arg13[%parallel_loop3A_560, %parallel_loop3A_561] {strides = array<i32>} : memref<16x768xf32, #tpu.memory_space<vmem>>, vector<16xf32>,
          tpu.vector_store %arg13[%parallel_loop3A_560, %parallel_loop3A_561], %parallel_loop3A_559 {strides = array<i32>} : memref<16x768xf32, #tpu.memory_space<vmem>>, vector<16xf32>,
          %parallel_loop3A_563 = arith.addf %parallel_loop3A_547, %parallel_loop3A_559 : vector<16xf32>
          %parallel_loop3A_564 = arith.mulf %parallel_loop3A_559, %parallel_loop3A_559 : vector<16xf32>
          %parallel_loop3A_565 = arith.addf %parallel_loop3A_548, %parallel_loop3A_564 : vector<16xf32>
          scf.yield %parallel_loop3A_563, %parallel_loop3A_565 : vector<16xf32>, vector<16xf32>
        } {sc.loop_unroll_factor = 8 : i64, sc.parallel_access}
        %parallel_loop3A_538 = arith.constant 16 : i32
        %parallel_loop3A_539 = arith.muli %parallel_loop3A_528, %parallel_loop3A_538 : i32
        %parallel_loop3A_540 = arith.index_cast %parallel_loop3A_539 : i32 to index
        %parallel_loop3A_541 = tpu.vector_load %arg20[%parallel_loop3A_540] {strides = array<i32>} : memref<256xf32, #tpu.memory_space<vmem>>, vector<16xf32>,
        tpu.vector_store %arg20[%parallel_loop3A_540], %parallel_loop3A_537#0 {strides = array<i32>} : memref<256xf32, #tpu.memory_space<vmem>>, vector<16xf32>,
        %parallel_loop3A_542 = arith.constant 16 : i32
        %parallel_loop3A_543 = arith.muli %parallel_loop3A_528, %parallel_loop3A_542 : i32
        %parallel_loop3A_544 = arith.index_cast %parallel_loop3A_543 : i32 to index
        %parallel_loop3A_545 = tpu.vector_load %arg21[%parallel_loop3A_544] {strides = array<i32>} : memref<256xf32, #tpu.memory_space<vmem>>, vector<16xf32>,
        tpu.vector_store %arg21[%parallel_loop3A_544], %parallel_loop3A_537#1 {strides = array<i32>} : memref<256xf32, #tpu.memory_space<vmem>>, vector<16xf32>,
      } {sc.loop_unroll_factor = 1 : i64, sc.parallel_access}
      %mul3A_296 = arith.constant 16 : i32
      %mul3A_297 = vector.broadcast %mul3A_296 : i32 to vector<16xi32>
      %mul3A_298 = arith.muli %iota3A, %mul3A_297 : vector<16xi32>
      %broadcast_in_dim3A_299 = arith.constant 0.000000e+00 : f32
      %broadcast_in_dim3A_300 = vector.broadcast %broadcast_in_dim3A_299 : f32 to vector<16xf32>
      %broadcast_in_dim3A_301 = arith.constant 0.000000e+00 : f32
      %broadcast_in_dim3A_302 = vector.broadcast %broadcast_in_dim3A_301 : f32 to vector<16xf32>
      %add3A_303 = arith.constant 0 : i32
      %add3A_304 = vector.broadcast %add3A_303 : i32 to vector<16xi32>
      %add3A_305 = arith.addi %mul3A_298, %add3A_304 : vector<16xi32>
      %gather3A_306 = tpu.vector_load_idx %arg20[%add3A_305] : memref<256xf32, #tpu.memory_space<vmem>>[vector<16xi32>], vector<16xf32>,
      %add3A_307 = arith.addf %broadcast_in_dim3A_300, %gather3A_306 : vector<16xf32>
      %add3A_308 = arith.constant 0 : i32
      %add3A_309 = vector.broadcast %add3A_308 : i32 to vector<16xi32>
      %add3A_310 = arith.addi %mul3A_298, %add3A_309 : vector<16xi32>
      %gather3A_311 = tpu.vector_load_idx %arg21[%add3A_310] : memref<256xf32, #tpu.memory_space<vmem>>[vector<16xi32>], vector<16xf32>,
      %add3A_312 = arith.addf %broadcast_in_dim3A_302, %gather3A_311 : vector<16xf32>
      %add3A_313 = arith.constant 1 : i32
      %add3A_314 = vector.broadcast %add3A_313 : i32 to vector<16xi32>
      %add3A_315 = arith.addi %mul3A_298, %add3A_314 : vector<16xi32>
      %gather3A_316 = tpu.vector_load_idx %arg20[%add3A_315] : memref<256xf32, #tpu.memory_space<vmem>>[vector<16xi32>], vector<16xf32>,
      %add3A_317 = arith.addf %add3A_307, %gather3A_316 : vector<16xf32>
      %add3A_318 = arith.constant 1 : i32
      %add3A_319 = vector.broadcast %add3A_318 : i32 to vector<16xi32>
      %add3A_320 = arith.addi %mul3A_298, %add3A_319 : vector<16xi32>
      %gather3A_321 = tpu.vector_load_idx %arg21[%add3A_320] : memref<256xf32, #tpu.memory_space<vmem>>[vector<16xi32>], vector<16xf32>,
      %add3A_322 = arith.addf %add3A_312, %gather3A_321 : vector<16xf32>
      %add3A_323 = arith.constant 2 : i32
      %add3A_324 = vector.broadcast %add3A_323 : i32 to vector<16xi32>
      %add3A_325 = arith.addi %mul3A_298, %add3A_324 : vector<16xi32>
      %gather3A_326 = tpu.vector_load_idx %arg20[%add3A_325] : memref<256xf32, #tpu.memory_space<vmem>>[vector<16xi32>], vector<16xf32>,
      %add3A_327 = arith.addf %add3A_317, %gather3A_326 : vector<16xf32>
      %add3A_328 = arith.constant 2 : i32
      %add3A_329 = vector.broadcast %add3A_328 : i32 to vector<16xi32>
      %add3A_330 = arith.addi %mul3A_298, %add3A_329 : vector<16xi32>
      %gather3A_331 = tpu.vector_load_idx %arg21[%add3A_330] : memref<256xf32, #tpu.memory_space<vmem>>[vector<16xi32>], vector<16xf32>,
      %add3A_332 = arith.addf %add3A_322, %gather3A_331 : vector<16xf32>
      %add3A_333 = arith.constant 3 : i32
      %add3A_334 = vector.broadcast %add3A_333 : i32 to vector<16xi32>
      %add3A_335 = arith.addi %mul3A_298, %add3A_334 : vector<16xi32>
      %gather3A_336 = tpu.vector_load_idx %arg20[%add3A_335] : memref<256xf32, #tpu.memory_space<vmem>>[vector<16xi32>], vector<16xf32>,
      %add3A_337 = arith.addf %add3A_327, %gather3A_336 : vector<16xf32>
      %add3A_338 = arith.constant 3 : i32
      %add3A_339 = vector.broadcast %add3A_338 : i32 to vector<16xi32>
      %add3A_340 = arith.addi %mul3A_298, %add3A_339 : vector<16xi32>
      %gather3A_341 = tpu.vector_load_idx %arg21[%add3A_340] : memref<256xf32, #tpu.memory_space<vmem>>[vector<16xi32>], vector<16xf32>,
      %add3A_342 = arith.addf %add3A_332, %gather3A_341 : vector<16xf32>
      %add3A_343 = arith.constant 4 : i32
      %add3A_344 = vector.broadcast %add3A_343 : i32 to vector<16xi32>
      %add3A_345 = arith.addi %mul3A_298, %add3A_344 : vector<16xi32>
      %gather3A_346 = tpu.vector_load_idx %arg20[%add3A_345] : memref<256xf32, #tpu.memory_space<vmem>>[vector<16xi32>], vector<16xf32>,
      %add3A_347 = arith.addf %add3A_337, %gather3A_346 : vector<16xf32>
      %add3A_348 = arith.constant 4 : i32
      %add3A_349 = vector.broadcast %add3A_348 : i32 to vector<16xi32>
      %add3A_350 = arith.addi %mul3A_298, %add3A_349 : vector<16xi32>
      %gather3A_351 = tpu.vector_load_idx %arg21[%add3A_350] : memref<256xf32, #tpu.memory_space<vmem>>[vector<16xi32>], vector<16xf32>,
      %add3A_352 = arith.addf %add3A_342, %gather3A_351 : vector<16xf32>
      %add3A_353 = arith.constant 5 : i32
      %add3A_354 = vector.broadcast %add3A_353 : i32 to vector<16xi32>
      %add3A_355 = arith.addi %mul3A_298, %add3A_354 : vector<16xi32>
      %gather3A_356 = tpu.vector_load_idx %arg20[%add3A_355] : memref<256xf32, #tpu.memory_space<vmem>>[vector<16xi32>], vector<16xf32>,
      %add3A_357 = arith.addf %add3A_347, %gather3A_356 : vector<16xf32>
      %add3A_358 = arith.constant 5 : i32
      %add3A_359 = vector.broadcast %add3A_358 : i32 to vector<16xi32>
      %add3A_360 = arith.addi %mul3A_298, %add3A_359 : vector<16xi32>
      %gather3A_361 = tpu.vector_load_idx %arg21[%add3A_360] : memref<256xf32, #tpu.memory_space<vmem>>[vector<16xi32>], vector<16xf32>,
      %add3A_362 = arith.addf %add3A_352, %gather3A_361 : vector<16xf32>
      %add3A_363 = arith.constant 6 : i32
      %add3A_364 = vector.broadcast %add3A_363 : i32 to vector<16xi32>
      %add3A_365 = arith.addi %mul3A_298, %add3A_364 : vector<16xi32>
      %gather3A_366 = tpu.vector_load_idx %arg20[%add3A_365] : memref<256xf32, #tpu.memory_space<vmem>>[vector<16xi32>], vector<16xf32>,
      %add3A_367 = arith.addf %add3A_357, %gather3A_366 : vector<16xf32>
      %add3A_368 = arith.constant 6 : i32
      %add3A_369 = vector.broadcast %add3A_368 : i32 to vector<16xi32>
      %add3A_370 = arith.addi %mul3A_298, %add3A_369 : vector<16xi32>
      %gather3A_371 = tpu.vector_load_idx %arg21[%add3A_370] : memref<256xf32, #tpu.memory_space<vmem>>[vector<16xi32>], vector<16xf32>,
      %add3A_372 = arith.addf %add3A_362, %gather3A_371 : vector<16xf32>
      %add3A_373 = arith.constant 7 : i32
      %add3A_374 = vector.broadcast %add3A_373 : i32 to vector<16xi32>
      %add3A_375 = arith.addi %mul3A_298, %add3A_374 : vector<16xi32>
      %gather3A_376 = tpu.vector_load_idx %arg20[%add3A_375] : memref<256xf32, #tpu.memory_space<vmem>>[vector<16xi32>], vector<16xf32>,
      %add3A_377 = arith.addf %add3A_367, %gather3A_376 : vector<16xf32>
      %add3A_378 = arith.constant 7 : i32
      %add3A_379 = vector.broadcast %add3A_378 : i32 to vector<16xi32>
      %add3A_380 = arith.addi %mul3A_298, %add3A_379 : vector<16xi32>
      %gather3A_381 = tpu.vector_load_idx %arg21[%add3A_380] : memref<256xf32, #tpu.memory_space<vmem>>[vector<16xi32>], vector<16xf32>,
      %add3A_382 = arith.addf %add3A_372, %gather3A_381 : vector<16xf32>
      %add3A_383 = arith.constant 8 : i32
      %add3A_384 = vector.broadcast %add3A_383 : i32 to vector<16xi32>
      %add3A_385 = arith.addi %mul3A_298, %add3A_384 : vector<16xi32>
      %gather3A_386 = tpu.vector_load_idx %arg20[%add3A_385] : memref<256xf32, #tpu.memory_space<vmem>>[vector<16xi32>], vector<16xf32>,
      %add3A_387 = arith.addf %add3A_377, %gather3A_386 : vector<16xf32>
      %add3A_388 = arith.constant 8 : i32
      %add3A_389 = vector.broadcast %add3A_388 : i32 to vector<16xi32>
      %add3A_390 = arith.addi %mul3A_298, %add3A_389 : vector<16xi32>
      %gather3A_391 = tpu.vector_load_idx %arg21[%add3A_390] : memref<256xf32, #tpu.memory_space<vmem>>[vector<16xi32>], vector<16xf32>,
      %add3A_392 = arith.addf %add3A_382, %gather3A_391 : vector<16xf32>
      %add3A_393 = arith.constant 9 : i32
      %add3A_394 = vector.broadcast %add3A_393 : i32 to vector<16xi32>
      %add3A_395 = arith.addi %mul3A_298, %add3A_394 : vector<16xi32>
      %gather3A_396 = tpu.vector_load_idx %arg20[%add3A_395] : memref<256xf32, #tpu.memory_space<vmem>>[vector<16xi32>], vector<16xf32>,
      %add3A_397 = arith.addf %add3A_387, %gather3A_396 : vector<16xf32>
      %add3A_398 = arith.constant 9 : i32
      %add3A_399 = vector.broadcast %add3A_398 : i32 to vector<16xi32>
      %add3A_400 = arith.addi %mul3A_298, %add3A_399 : vector<16xi32>
      %gather3A_401 = tpu.vector_load_idx %arg21[%add3A_400] : memref<256xf32, #tpu.memory_space<vmem>>[vector<16xi32>], vector<16xf32>,
      %add3A_402 = arith.addf %add3A_392, %gather3A_401 : vector<16xf32>
      %add3A_403 = arith.constant 10 : i32
      %add3A_404 = vector.broadcast %add3A_403 : i32 to vector<16xi32>
      %add3A_405 = arith.addi %mul3A_298, %add3A_404 : vector<16xi32>
      %gather3A_406 = tpu.vector_load_idx %arg20[%add3A_405] : memref<256xf32, #tpu.memory_space<vmem>>[vector<16xi32>], vector<16xf32>,
      %add3A_407 = arith.addf %add3A_397, %gather3A_406 : vector<16xf32>
      %add3A_408 = arith.constant 10 : i32
      %add3A_409 = vector.broadcast %add3A_408 : i32 to vector<16xi32>
      %add3A_410 = arith.addi %mul3A_298, %add3A_409 : vector<16xi32>
      %gather3A_411 = tpu.vector_load_idx %arg21[%add3A_410] : memref<256xf32, #tpu.memory_space<vmem>>[vector<16xi32>], vector<16xf32>,
      %add3A_412 = arith.addf %add3A_402, %gather3A_411 : vector<16xf32>
      %add3A_413 = arith.constant 11 : i32
      %add3A_414 = vector.broadcast %add3A_413 : i32 to vector<16xi32>
      %add3A_415 = arith.addi %mul3A_298, %add3A_414 : vector<16xi32>
      %gather3A_416 = tpu.vector_load_idx %arg20[%add3A_415] : memref<256xf32, #tpu.memory_space<vmem>>[vector<16xi32>], vector<16xf32>,
      %add3A_417 = arith.addf %add3A_407, %gather3A_416 : vector<16xf32>
      %add3A_418 = arith.constant 11 : i32
      %add3A_419 = vector.broadcast %add3A_418 : i32 to vector<16xi32>
      %add3A_420 = arith.addi %mul3A_298, %add3A_419 : vector<16xi32>
      %gather3A_421 = tpu.vector_load_idx %arg21[%add3A_420] : memref<256xf32, #tpu.memory_space<vmem>>[vector<16xi32>], vector<16xf32>,
      %add3A_422 = arith.addf %add3A_412, %gather3A_421 : vector<16xf32>
      %add3A_423 = arith.constant 12 : i32
      %add3A_424 = vector.broadcast %add3A_423 : i32 to vector<16xi32>
      %add3A_425 = arith.addi %mul3A_298, %add3A_424 : vector<16xi32>
      %gather3A_426 = tpu.vector_load_idx %arg20[%add3A_425] : memref<256xf32, #tpu.memory_space<vmem>>[vector<16xi32>], vector<16xf32>,
      %add3A_427 = arith.addf %add3A_417, %gather3A_426 : vector<16xf32>
      %add3A_428 = arith.constant 12 : i32
      %add3A_429 = vector.broadcast %add3A_428 : i32 to vector<16xi32>
      %add3A_430 = arith.addi %mul3A_298, %add3A_429 : vector<16xi32>
      %gather3A_431 = tpu.vector_load_idx %arg21[%add3A_430] : memref<256xf32, #tpu.memory_space<vmem>>[vector<16xi32>], vector<16xf32>,
      %add3A_432 = arith.addf %add3A_422, %gather3A_431 : vector<16xf32>
      %add3A_433 = arith.constant 13 : i32
      %add3A_434 = vector.broadcast %add3A_433 : i32 to vector<16xi32>
      %add3A_435 = arith.addi %mul3A_298, %add3A_434 : vector<16xi32>
      %gather3A_436 = tpu.vector_load_idx %arg20[%add3A_435] : memref<256xf32, #tpu.memory_space<vmem>>[vector<16xi32>], vector<16xf32>,
      %add3A_437 = arith.addf %add3A_427, %gather3A_436 : vector<16xf32>
      %add3A_438 = arith.constant 13 : i32
      %add3A_439 = vector.broadcast %add3A_438 : i32 to vector<16xi32>
      %add3A_440 = arith.addi %mul3A_298, %add3A_439 : vector<16xi32>
      %gather3A_441 = tpu.vector_load_idx %arg21[%add3A_440] : memref<256xf32, #tpu.memory_space<vmem>>[vector<16xi32>], vector<16xf32>,
      %add3A_442 = arith.addf %add3A_432, %gather3A_441 : vector<16xf32>
      %add3A_443 = arith.constant 14 : i32
      %add3A_444 = vector.broadcast %add3A_443 : i32 to vector<16xi32>
      %add3A_445 = arith.addi %mul3A_298, %add3A_444 : vector<16xi32>
      %gather3A_446 = tpu.vector_load_idx %arg20[%add3A_445] : memref<256xf32, #tpu.memory_space<vmem>>[vector<16xi32>], vector<16xf32>,
      %add3A_447 = arith.addf %add3A_437, %gather3A_446 : vector<16xf32>
      %add3A_448 = arith.constant 14 : i32
      %add3A_449 = vector.broadcast %add3A_448 : i32 to vector<16xi32>
      %add3A_450 = arith.addi %mul3A_298, %add3A_449 : vector<16xi32>
      %gather3A_451 = tpu.vector_load_idx %arg21[%add3A_450] : memref<256xf32, #tpu.memory_space<vmem>>[vector<16xi32>], vector<16xf32>,
      %add3A_452 = arith.addf %add3A_442, %gather3A_451 : vector<16xf32>
      %add3A_453 = arith.constant 15 : i32
      %add3A_454 = vector.broadcast %add3A_453 : i32 to vector<16xi32>
      %add3A_455 = arith.addi %mul3A_298, %add3A_454 : vector<16xi32>
      %gather3A_456 = tpu.vector_load_idx %arg20[%add3A_455] : memref<256xf32, #tpu.memory_space<vmem>>[vector<16xi32>], vector<16xf32>,
      %add3A_457 = arith.addf %add3A_447, %gather3A_456 : vector<16xf32>
      %add3A_458 = arith.constant 15 : i32
      %add3A_459 = vector.broadcast %add3A_458 : i32 to vector<16xi32>
      %add3A_460 = arith.addi %mul3A_298, %add3A_459 : vector<16xi32>
      %gather3A_461 = tpu.vector_load_idx %arg21[%add3A_460] : memref<256xf32, #tpu.memory_space<vmem>>[vector<16xi32>], vector<16xf32>,
      %add3A_462 = arith.addf %add3A_452, %gather3A_461 : vector<16xf32>
      %mul3A_463 = arith.constant 0.00130208337 : f32
      %mul3A_464 = vector.broadcast %mul3A_463 : f32 to vector<16xf32>
      %mul3A_465 = arith.mulf %add3A_457, %mul3A_464 : vector<16xf32>
      %mul3A_466 = arith.constant 0.00130208337 : f32
      %mul3A_467 = vector.broadcast %mul3A_466 : f32 to vector<16xf32>
      %mul3A_468 = arith.mulf %add3A_462, %mul3A_467 : vector<16xf32>
      %mul3A_469 = arith.mulf %mul3A_465, %mul3A_465 : vector<16xf32>
      %sub3A_470 = arith.subf %mul3A_468, %mul3A_469 : vector<16xf32>
      %add3A_471 = arith.constant 9.99999996E-13 : f32
      %add3A_472 = vector.broadcast %add3A_471 : f32 to vector<16xf32>
      %add3A_473 = arith.addf %sub3A_470, %add3A_472 : vector<16xf32>
      %bitcast3A_474 = vector.bitcast %add3A_473 : vector<16xf32> to vector<16xi32>
      %shift_right_logical3A_475 = arith.constant 1 : i32
      %shift_right_logical3A_476 = vector.broadcast %shift_right_logical3A_475 : i32 to vector<16xi32>
      %shift_right_logical3A_477 = arith.shrui %bitcast3A_474, %shift_right_logical3A_476 : vector<16xi32>
      %sub3A_478 = arith.constant 1597463007 : i32
      %sub3A_479 = vector.broadcast %sub3A_478 : i32 to vector<16xi32>
      %sub3A_480 = arith.subi %sub3A_479, %shift_right_logical3A_477 : vector<16xi32>
      %bitcast3A_481 = vector.bitcast %sub3A_480 : vector<16xi32> to vector<16xf32>
      %mul3A_482 = arith.constant 5.000000e-01 : f32
      %mul3A_483 = vector.broadcast %mul3A_482 : f32 to vector<16xf32>
      %mul3A_484 = arith.mulf %add3A_473, %mul3A_483 : vector<16xf32>
      %mul3A_485 = arith.mulf %mul3A_484, %bitcast3A_481 : vector<16xf32>
      %mul3A_486 = arith.mulf %mul3A_485, %bitcast3A_481 : vector<16xf32>
      %sub3A_487 = arith.constant 1.500000e+00 : f32
      %sub3A_488 = vector.broadcast %sub3A_487 : f32 to vector<16xf32>
      %sub3A_489 = arith.subf %sub3A_488, %mul3A_486 : vector<16xf32>
      %mul3A_490 = arith.mulf %bitcast3A_481, %sub3A_489 : vector<16xf32>
      %mul3A_491 = arith.mulf %mul3A_484, %mul3A_490 : vector<16xf32>
      %mul3A_492 = arith.mulf %mul3A_491, %mul3A_490 : vector<16xf32>
      %sub3A_493 = arith.constant 1.500000e+00 : f32
      %sub3A_494 = vector.broadcast %sub3A_493 : f32 to vector<16xf32>
      %sub3A_495 = arith.subf %sub3A_494, %mul3A_492 : vector<16xf32>
      %mul3A_496 = arith.mulf %mul3A_490, %sub3A_495 : vector<16xf32>
      %mul3A_497 = arith.mulf %mul3A_484, %mul3A_496 : vector<16xf32>
      %mul3A_498 = arith.mulf %mul3A_497, %mul3A_496 : vector<16xf32>
      %sub3A_499 = arith.constant 1.500000e+00 : f32
      %sub3A_500 = vector.broadcast %sub3A_499 : f32 to vector<16xf32>
      %sub3A_501 = arith.subf %sub3A_500, %mul3A_498 : vector<16xf32>
      %mul3A_502 = arith.mulf %mul3A_496, %sub3A_501 : vector<16xf32>
      %swap3A_503 = arith.constant 0 : index
      %swap3A_504 = tpu.vector_load %arg22[%swap3A_503] {strides = array<i32>} : memref<16xf32, #tpu.memory_space<vmem>>, vector<16xf32>,
      tpu.vector_store %arg22[%swap3A_503], %mul3A_502 {strides = array<i32>} : memref<16xf32, #tpu.memory_space<vmem>>, vector<16xf32>,
      %mul3A_505 = arith.mulf %mul3A_465, %mul3A_502 : vector<16xf32>
      %swap3A_506 = arith.constant 0 : index
      %swap3A_507 = tpu.vector_load %arg23[%swap3A_506] {strides = array<i32>} : memref<16xf32, #tpu.memory_space<vmem>>, vector<16xf32>,
      tpu.vector_store %arg23[%swap3A_506], %mul3A_505 {strides = array<i32>} : memref<16xf32, #tpu.memory_space<vmem>>, vector<16xf32>,
      %parallel_loop3A_508 = arith.constant 0 : i32
      %parallel_loop3A_509 = arith.constant 2 : i32
      %parallel_loop3A_510 = arith.constant 1 : i32
      scf.for %parallel_loop3A_528 = %parallel_loop3A_508 to %parallel_loop3A_509 step %parallel_loop3A_510  : i32 {
        %parallel_loop3A_529 = arith.constant 8 : i32
        %parallel_loop3A_530 = arith.muli %parallel_loop3A_528, %parallel_loop3A_529 : i32
        %parallel_loop3A_531 = arith.constant 0 : i32
        %parallel_loop3A_532 = arith.addi %parallel_loop3A_530, %parallel_loop3A_531 : i32
        %parallel_loop3A_533 = vector.broadcast %parallel_loop3A_532 : i32 to vector<16xi32>
        %parallel_loop3A_534 = tpu.vector_load_idx %arg22[%parallel_loop3A_533] : memref<16xf32, #tpu.memory_space<vmem>>[vector<16xi32>], vector<16xf32>,
        %parallel_loop3A_535 = tpu.vector_load_idx %arg23[%parallel_loop3A_533] : memref<16xf32, #tpu.memory_space<vmem>>[vector<16xi32>], vector<16xf32>,
        %parallel_loop3A_536 = arith.constant 1 : i32
        %parallel_loop3A_537 = arith.addi %parallel_loop3A_530, %parallel_loop3A_536 : i32
        %parallel_loop3A_538 = vector.broadcast %parallel_loop3A_537 : i32 to vector<16xi32>
        %parallel_loop3A_539 = tpu.vector_load_idx %arg22[%parallel_loop3A_538] : memref<16xf32, #tpu.memory_space<vmem>>[vector<16xi32>], vector<16xf32>,
        %parallel_loop3A_540 = tpu.vector_load_idx %arg23[%parallel_loop3A_538] : memref<16xf32, #tpu.memory_space<vmem>>[vector<16xi32>], vector<16xf32>,
        %parallel_loop3A_541 = arith.constant 2 : i32
        %parallel_loop3A_542 = arith.addi %parallel_loop3A_530, %parallel_loop3A_541 : i32
        %parallel_loop3A_543 = vector.broadcast %parallel_loop3A_542 : i32 to vector<16xi32>
        %parallel_loop3A_544 = tpu.vector_load_idx %arg22[%parallel_loop3A_543] : memref<16xf32, #tpu.memory_space<vmem>>[vector<16xi32>], vector<16xf32>,
        %parallel_loop3A_545 = tpu.vector_load_idx %arg23[%parallel_loop3A_543] : memref<16xf32, #tpu.memory_space<vmem>>[vector<16xi32>], vector<16xf32>,
        %parallel_loop3A_546 = arith.constant 3 : i32
        %parallel_loop3A_547 = arith.addi %parallel_loop3A_530, %parallel_loop3A_546 : i32
        %parallel_loop3A_548 = vector.broadcast %parallel_loop3A_547 : i32 to vector<16xi32>
        %parallel_loop3A_549 = tpu.vector_load_idx %arg22[%parallel_loop3A_548] : memref<16xf32, #tpu.memory_space<vmem>>[vector<16xi32>], vector<16xf32>,
        %parallel_loop3A_550 = tpu.vector_load_idx %arg23[%parallel_loop3A_548] : memref<16xf32, #tpu.memory_space<vmem>>[vector<16xi32>], vector<16xf32>,
        %parallel_loop3A_551 = arith.constant 4 : i32
        %parallel_loop3A_552 = arith.addi %parallel_loop3A_530, %parallel_loop3A_551 : i32
        %parallel_loop3A_553 = vector.broadcast %parallel_loop3A_552 : i32 to vector<16xi32>
        %parallel_loop3A_554 = tpu.vector_load_idx %arg22[%parallel_loop3A_553] : memref<16xf32, #tpu.memory_space<vmem>>[vector<16xi32>], vector<16xf32>,
        %parallel_loop3A_555 = tpu.vector_load_idx %arg23[%parallel_loop3A_553] : memref<16xf32, #tpu.memory_space<vmem>>[vector<16xi32>], vector<16xf32>,
        %parallel_loop3A_556 = arith.constant 5 : i32
        %parallel_loop3A_557 = arith.addi %parallel_loop3A_530, %parallel_loop3A_556 : i32
        %parallel_loop3A_558 = vector.broadcast %parallel_loop3A_557 : i32 to vector<16xi32>
        %parallel_loop3A_559 = tpu.vector_load_idx %arg22[%parallel_loop3A_558] : memref<16xf32, #tpu.memory_space<vmem>>[vector<16xi32>], vector<16xf32>,
        %parallel_loop3A_560 = tpu.vector_load_idx %arg23[%parallel_loop3A_558] : memref<16xf32, #tpu.memory_space<vmem>>[vector<16xi32>], vector<16xf32>,
        %parallel_loop3A_561 = arith.constant 6 : i32
        %parallel_loop3A_562 = arith.addi %parallel_loop3A_530, %parallel_loop3A_561 : i32
        %parallel_loop3A_563 = vector.broadcast %parallel_loop3A_562 : i32 to vector<16xi32>
        %parallel_loop3A_564 = tpu.vector_load_idx %arg22[%parallel_loop3A_563] : memref<16xf32, #tpu.memory_space<vmem>>[vector<16xi32>], vector<16xf32>,
        %parallel_loop3A_565 = tpu.vector_load_idx %arg23[%parallel_loop3A_563] : memref<16xf32, #tpu.memory_space<vmem>>[vector<16xi32>], vector<16xf32>,
        %parallel_loop3A_566 = arith.constant 7 : i32
        %parallel_loop3A_567 = arith.addi %parallel_loop3A_530, %parallel_loop3A_566 : i32
        %parallel_loop3A_568 = vector.broadcast %parallel_loop3A_567 : i32 to vector<16xi32>
        %parallel_loop3A_569 = tpu.vector_load_idx %arg22[%parallel_loop3A_568] : memref<16xf32, #tpu.memory_space<vmem>>[vector<16xi32>], vector<16xf32>,
        %parallel_loop3A_570 = tpu.vector_load_idx %arg23[%parallel_loop3A_568] : memref<16xf32, #tpu.memory_space<vmem>>[vector<16xi32>], vector<16xf32>,
        %parallel_loop3A_571 = arith.constant 0 : i32
        %parallel_loop3A_572 = arith.constant 48 : i32
        %parallel_loop3A_573 = arith.constant 1 : i32
        scf.for %parallel_loop3A_574 = %parallel_loop3A_571 to %parallel_loop3A_572 step %parallel_loop3A_573  : i32 {
          %parallel_loop3A_575 = arith.constant 16 : i32
          %parallel_loop3A_576 = arith.muli %parallel_loop3A_574, %parallel_loop3A_575 : i32
          %parallel_loop3A_577 = arith.index_cast %parallel_loop3A_576 : i32 to index
          %parallel_loop3A_578 = tpu.vector_load %arg18[%parallel_loop3A_577] {strides = array<i32>} : memref<768xf32, #tpu.memory_space<vmem>>, vector<16xf32>,
          %parallel_loop3A_579 = arith.index_cast %parallel_loop3A_576 : i32 to index
          %parallel_loop3A_580 = tpu.vector_load %arg19[%parallel_loop3A_579] {strides = array<i32>} : memref<768xf32, #tpu.memory_space<vmem>>, vector<16xf32>,
          %parallel_loop3A_581 = arith.constant 0 : i32
          %parallel_loop3A_582 = arith.addi %parallel_loop3A_530, %parallel_loop3A_581 : i32
          %parallel_loop3A_583 = arith.index_cast %parallel_loop3A_582 : i32 to index
          %parallel_loop3A_584 = arith.index_cast %parallel_loop3A_576 : i32 to index
          %parallel_loop3A_585 = tpu.vector_load %arg13[%parallel_loop3A_583, %parallel_loop3A_584] {strides = array<i32>} : memref<16x768xf32, #tpu.memory_space<vmem>>, vector<16xf32>,
          %parallel_loop3A_586 = arith.mulf %parallel_loop3A_585, %parallel_loop3A_534 : vector<16xf32>
          %parallel_loop3A_587 = arith.subf %parallel_loop3A_586, %parallel_loop3A_535 : vector<16xf32>
          %parallel_loop3A_588 = arith.mulf %parallel_loop3A_587, %parallel_loop3A_578 : vector<16xf32>
          %parallel_loop3A_589 = arith.addf %parallel_loop3A_588, %parallel_loop3A_580 : vector<16xf32>
          %parallel_loop3A_590 = arith.constant 0 : i32
          %parallel_loop3A_591 = arith.addi %parallel_loop3A_530, %parallel_loop3A_590 : i32
          %parallel_loop3A_592 = arith.index_cast %parallel_loop3A_591 : i32 to index
          %parallel_loop3A_593 = arith.index_cast %parallel_loop3A_576 : i32 to index
          %parallel_loop3A_594 = tpu.vector_load %arg15[%parallel_loop3A_592, %parallel_loop3A_593] {strides = array<i32>} : memref<16x768xf32, #tpu.memory_space<vmem>>, vector<16xf32>,
          tpu.vector_store %arg15[%parallel_loop3A_592, %parallel_loop3A_593], %parallel_loop3A_589 {strides = array<i32>} : memref<16x768xf32, #tpu.memory_space<vmem>>, vector<16xf32>,
          %parallel_loop3A_595 = arith.constant 1 : i32
          %parallel_loop3A_596 = arith.addi %parallel_loop3A_530, %parallel_loop3A_595 : i32
          %parallel_loop3A_597 = arith.index_cast %parallel_loop3A_596 : i32 to index
          %parallel_loop3A_598 = arith.index_cast %parallel_loop3A_576 : i32 to index
          %parallel_loop3A_599 = tpu.vector_load %arg13[%parallel_loop3A_597, %parallel_loop3A_598] {strides = array<i32>} : memref<16x768xf32, #tpu.memory_space<vmem>>, vector<16xf32>,
          %parallel_loop3A_600 = arith.mulf %parallel_loop3A_599, %parallel_loop3A_539 : vector<16xf32>
          %parallel_loop3A_601 = arith.subf %parallel_loop3A_600, %parallel_loop3A_540 : vector<16xf32>
          %parallel_loop3A_602 = arith.mulf %parallel_loop3A_601, %parallel_loop3A_578 : vector<16xf32>
          %parallel_loop3A_603 = arith.addf %parallel_loop3A_602, %parallel_loop3A_580 : vector<16xf32>
          %parallel_loop3A_604 = arith.constant 1 : i32
          %parallel_loop3A_605 = arith.addi %parallel_loop3A_530, %parallel_loop3A_604 : i32
          %parallel_loop3A_606 = arith.index_cast %parallel_loop3A_605 : i32 to index
          %parallel_loop3A_607 = arith.index_cast %parallel_loop3A_576 : i32 to index
          %parallel_loop3A_608 = tpu.vector_load %arg15[%parallel_loop3A_606, %parallel_loop3A_607] {strides = array<i32>} : memref<16x768xf32, #tpu.memory_space<vmem>>, vector<16xf32>,
          tpu.vector_store %arg15[%parallel_loop3A_606, %parallel_loop3A_607], %parallel_loop3A_603 {strides = array<i32>} : memref<16x768xf32, #tpu.memory_space<vmem>>, vector<16xf32>,
          %parallel_loop3A_609 = arith.constant 2 : i32
          %parallel_loop3A_610 = arith.addi %parallel_loop3A_530, %parallel_loop3A_609 : i32
          %parallel_loop3A_611 = arith.index_cast %parallel_loop3A_610 : i32 to index
          %parallel_loop3A_612 = arith.index_cast %parallel_loop3A_576 : i32 to index
          %parallel_loop3A_613 = tpu.vector_load %arg13[%parallel_loop3A_611, %parallel_loop3A_612] {strides = array<i32>} : memref<16x768xf32, #tpu.memory_space<vmem>>, vector<16xf32>,
          %parallel_loop3A_614 = arith.mulf %parallel_loop3A_613, %parallel_loop3A_544 : vector<16xf32>
          %parallel_loop3A_615 = arith.subf %parallel_loop3A_614, %parallel_loop3A_545 : vector<16xf32>
          %parallel_loop3A_616 = arith.mulf %parallel_loop3A_615, %parallel_loop3A_578 : vector<16xf32>
          %parallel_loop3A_617 = arith.addf %parallel_loop3A_616, %parallel_loop3A_580 : vector<16xf32>
          %parallel_loop3A_618 = arith.constant 2 : i32
          %parallel_loop3A_619 = arith.addi %parallel_loop3A_530, %parallel_loop3A_618 : i32
          %parallel_loop3A_620 = arith.index_cast %parallel_loop3A_619 : i32 to index
          %parallel_loop3A_621 = arith.index_cast %parallel_loop3A_576 : i32 to index
          %parallel_loop3A_622 = tpu.vector_load %arg15[%parallel_loop3A_620, %parallel_loop3A_621] {strides = array<i32>} : memref<16x768xf32, #tpu.memory_space<vmem>>, vector<16xf32>,
          tpu.vector_store %arg15[%parallel_loop3A_620, %parallel_loop3A_621], %parallel_loop3A_617 {strides = array<i32>} : memref<16x768xf32, #tpu.memory_space<vmem>>, vector<16xf32>,
          %parallel_loop3A_623 = arith.constant 3 : i32
          %parallel_loop3A_624 = arith.addi %parallel_loop3A_530, %parallel_loop3A_623 : i32
          %parallel_loop3A_625 = arith.index_cast %parallel_loop3A_624 : i32 to index
          %parallel_loop3A_626 = arith.index_cast %parallel_loop3A_576 : i32 to index
          %parallel_loop3A_627 = tpu.vector_load %arg13[%parallel_loop3A_625, %parallel_loop3A_626] {strides = array<i32>} : memref<16x768xf32, #tpu.memory_space<vmem>>, vector<16xf32>,
          %parallel_loop3A_628 = arith.mulf %parallel_loop3A_627, %parallel_loop3A_549 : vector<16xf32>
          %parallel_loop3A_629 = arith.subf %parallel_loop3A_628, %parallel_loop3A_550 : vector<16xf32>
          %parallel_loop3A_630 = arith.mulf %parallel_loop3A_629, %parallel_loop3A_578 : vector<16xf32>
          %parallel_loop3A_631 = arith.addf %parallel_loop3A_630, %parallel_loop3A_580 : vector<16xf32>
          %parallel_loop3A_632 = arith.constant 3 : i32
          %parallel_loop3A_633 = arith.addi %parallel_loop3A_530, %parallel_loop3A_632 : i32
          %parallel_loop3A_634 = arith.index_cast %parallel_loop3A_633 : i32 to index
          %parallel_loop3A_635 = arith.index_cast %parallel_loop3A_576 : i32 to index
          %parallel_loop3A_636 = tpu.vector_load %arg15[%parallel_loop3A_634, %parallel_loop3A_635] {strides = array<i32>} : memref<16x768xf32, #tpu.memory_space<vmem>>, vector<16xf32>,
          tpu.vector_store %arg15[%parallel_loop3A_634, %parallel_loop3A_635], %parallel_loop3A_631 {strides = array<i32>} : memref<16x768xf32, #tpu.memory_space<vmem>>, vector<16xf32>,
          %parallel_loop3A_637 = arith.constant 4 : i32
          %parallel_loop3A_638 = arith.addi %parallel_loop3A_530, %parallel_loop3A_637 : i32
          %parallel_loop3A_639 = arith.index_cast %parallel_loop3A_638 : i32 to index
          %parallel_loop3A_640 = arith.index_cast %parallel_loop3A_576 : i32 to index
          %parallel_loop3A_641 = tpu.vector_load %arg13[%parallel_loop3A_639, %parallel_loop3A_640] {strides = array<i32>} : memref<16x768xf32, #tpu.memory_space<vmem>>, vector<16xf32>,
          %parallel_loop3A_642 = arith.mulf %parallel_loop3A_641, %parallel_loop3A_554 : vector<16xf32>
          %parallel_loop3A_643 = arith.subf %parallel_loop3A_642, %parallel_loop3A_555 : vector<16xf32>
          %parallel_loop3A_644 = arith.mulf %parallel_loop3A_643, %parallel_loop3A_578 : vector<16xf32>
          %parallel_loop3A_645 = arith.addf %parallel_loop3A_644, %parallel_loop3A_580 : vector<16xf32>
          %parallel_loop3A_646 = arith.constant 4 : i32
          %parallel_loop3A_647 = arith.addi %parallel_loop3A_530, %parallel_loop3A_646 : i32
          %parallel_loop3A_648 = arith.index_cast %parallel_loop3A_647 : i32 to index
          %parallel_loop3A_649 = arith.index_cast %parallel_loop3A_576 : i32 to index
          %parallel_loop3A_650 = tpu.vector_load %arg15[%parallel_loop3A_648, %parallel_loop3A_649] {strides = array<i32>} : memref<16x768xf32, #tpu.memory_space<vmem>>, vector<16xf32>,
          tpu.vector_store %arg15[%parallel_loop3A_648, %parallel_loop3A_649], %parallel_loop3A_645 {strides = array<i32>} : memref<16x768xf32, #tpu.memory_space<vmem>>, vector<16xf32>,
          %parallel_loop3A_651 = arith.constant 5 : i32
          %parallel_loop3A_652 = arith.addi %parallel_loop3A_530, %parallel_loop3A_651 : i32
          %parallel_loop3A_653 = arith.index_cast %parallel_loop3A_652 : i32 to index
          %parallel_loop3A_654 = arith.index_cast %parallel_loop3A_576 : i32 to index
          %parallel_loop3A_655 = tpu.vector_load %arg13[%parallel_loop3A_653, %parallel_loop3A_654] {strides = array<i32>} : memref<16x768xf32, #tpu.memory_space<vmem>>, vector<16xf32>,
          %parallel_loop3A_656 = arith.mulf %parallel_loop3A_655, %parallel_loop3A_559 : vector<16xf32>
          %parallel_loop3A_657 = arith.subf %parallel_loop3A_656, %parallel_loop3A_560 : vector<16xf32>
          %parallel_loop3A_658 = arith.mulf %parallel_loop3A_657, %parallel_loop3A_578 : vector<16xf32>
          %parallel_loop3A_659 = arith.addf %parallel_loop3A_658, %parallel_loop3A_580 : vector<16xf32>
          %parallel_loop3A_660 = arith.constant 5 : i32
          %parallel_loop3A_661 = arith.addi %parallel_loop3A_530, %parallel_loop3A_660 : i32
          %parallel_loop3A_662 = arith.index_cast %parallel_loop3A_661 : i32 to index
          %parallel_loop3A_663 = arith.index_cast %parallel_loop3A_576 : i32 to index
          %parallel_loop3A_664 = tpu.vector_load %arg15[%parallel_loop3A_662, %parallel_loop3A_663] {strides = array<i32>} : memref<16x768xf32, #tpu.memory_space<vmem>>, vector<16xf32>,
          tpu.vector_store %arg15[%parallel_loop3A_662, %parallel_loop3A_663], %parallel_loop3A_659 {strides = array<i32>} : memref<16x768xf32, #tpu.memory_space<vmem>>, vector<16xf32>,
          %parallel_loop3A_665 = arith.constant 6 : i32
          %parallel_loop3A_666 = arith.addi %parallel_loop3A_530, %parallel_loop3A_665 : i32
          %parallel_loop3A_667 = arith.index_cast %parallel_loop3A_666 : i32 to index
          %parallel_loop3A_668 = arith.index_cast %parallel_loop3A_576 : i32 to index
          %parallel_loop3A_669 = tpu.vector_load %arg13[%parallel_loop3A_667, %parallel_loop3A_668] {strides = array<i32>} : memref<16x768xf32, #tpu.memory_space<vmem>>, vector<16xf32>,
          %parallel_loop3A_670 = arith.mulf %parallel_loop3A_669, %parallel_loop3A_564 : vector<16xf32>
          %parallel_loop3A_671 = arith.subf %parallel_loop3A_670, %parallel_loop3A_565 : vector<16xf32>
          %parallel_loop3A_672 = arith.mulf %parallel_loop3A_671, %parallel_loop3A_578 : vector<16xf32>
          %parallel_loop3A_673 = arith.addf %parallel_loop3A_672, %parallel_loop3A_580 : vector<16xf32>
          %parallel_loop3A_674 = arith.constant 6 : i32
          %parallel_loop3A_675 = arith.addi %parallel_loop3A_530, %parallel_loop3A_674 : i32
          %parallel_loop3A_676 = arith.index_cast %parallel_loop3A_675 : i32 to index
          %parallel_loop3A_677 = arith.index_cast %parallel_loop3A_576 : i32 to index
          %parallel_loop3A_678 = tpu.vector_load %arg15[%parallel_loop3A_676, %parallel_loop3A_677] {strides = array<i32>} : memref<16x768xf32, #tpu.memory_space<vmem>>, vector<16xf32>,
          tpu.vector_store %arg15[%parallel_loop3A_676, %parallel_loop3A_677], %parallel_loop3A_673 {strides = array<i32>} : memref<16x768xf32, #tpu.memory_space<vmem>>, vector<16xf32>,
          %parallel_loop3A_679 = arith.constant 7 : i32
          %parallel_loop3A_680 = arith.addi %parallel_loop3A_530, %parallel_loop3A_679 : i32
          %parallel_loop3A_681 = arith.index_cast %parallel_loop3A_680 : i32 to index
          %parallel_loop3A_682 = arith.index_cast %parallel_loop3A_576 : i32 to index
          %parallel_loop3A_683 = tpu.vector_load %arg13[%parallel_loop3A_681, %parallel_loop3A_682] {strides = array<i32>} : memref<16x768xf32, #tpu.memory_space<vmem>>, vector<16xf32>,
          %parallel_loop3A_684 = arith.mulf %parallel_loop3A_683, %parallel_loop3A_569 : vector<16xf32>
          %parallel_loop3A_685 = arith.subf %parallel_loop3A_684, %parallel_loop3A_570 : vector<16xf32>
          %parallel_loop3A_686 = arith.mulf %parallel_loop3A_685, %parallel_loop3A_578 : vector<16xf32>
          %parallel_loop3A_687 = arith.addf %parallel_loop3A_686, %parallel_loop3A_580 : vector<16xf32>
          %parallel_loop3A_688 = arith.constant 7 : i32
          %parallel_loop3A_689 = arith.addi %parallel_loop3A_530, %parallel_loop3A_688 : i32
          %parallel_loop3A_690 = arith.index_cast %parallel_loop3A_689 : i32 to index
          %parallel_loop3A_691 = arith.index_cast %parallel_loop3A_576 : i32 to index
          %parallel_loop3A_692 = tpu.vector_load %arg15[%parallel_loop3A_690, %parallel_loop3A_691] {strides = array<i32>} : memref<16x768xf32, #tpu.memory_space<vmem>>, vector<16xf32>,
          tpu.vector_store %arg15[%parallel_loop3A_690, %parallel_loop3A_691], %parallel_loop3A_687 {strides = array<i32>} : memref<16x768xf32, #tpu.memory_space<vmem>>, vector<16xf32>,
        } {sc.loop_unroll_factor = 2 : i64, sc.parallel_access}
      } {sc.loop_unroll_factor = 1 : i64, sc.parallel_access}
      %mul3A_511 = arith.constant 512 : i32
      %mul3A_512 = arith.muli %add3A_281, %mul3A_511 : i32
      %mul3A_513 = arith.constant 16 : i32
      %mul3A_514 = arith.muli %add3A, %mul3A_513 : i32
      %add3A_515 = arith.addi %mul3A_512, %mul3A_514 : i32
      %dma_start3A_516 = arith.constant 0 : i32
      %dma_start3A_517 = tpu.memref_slice %arg9[%add3A_515, %dma_start3A_516] : memref<32768x768xf32, #tpu.memory_space<hbm>> -> memref<16x768xf32, #tpu.memory_space<hbm>>
      %dma_start3A_518 = arith.constant 0 : i32
      %dma_start3A_519 = tpu.memref_slice %arg9[%add3A_515, %dma_start3A_518] : memref<32768x768xf32, #tpu.memory_space<hbm>> -> memref<16x768xf32, #tpu.memory_space<hbm>>
      tpu.enqueue_dma source(%arg15 : memref<16x768xf32, #tpu.memory_space<vmem>>) target(%dma_start3A_519 : memref<16x768xf32, #tpu.memory_space<hbm>>) target_semaphore(%arg27 : memref<!tpu.dma_semaphore, #tpu.memory_space<semaphore_mem>>)
      %add3A_520 = arith.constant 2 : i32
      %add3A_521 = arith.addi %add3A_281, %add3A_520 : i32
      %lt3A_522 = arith.constant 64 : i32
      %lt3A_523 = arith.cmpi slt, %add3A_521, %lt3A_522 : i32
      %convert_element_type3A_524 = arith.extui %lt3A_523 : i1 to i32
      %cond3A_525 = arith.constant 0 : i32
      %cond3A_526 = arith.cmpi ne, %convert_element_type3A_524, %cond3A_525 : i32
      scf.if %cond3A_526 {
        %add3A_528 = arith.constant 2 : i32
        %add3A_529 = arith.addi %add3A_281, %add3A_528 : i32
        %dma_start3A_530 = arith.constant 0 : i32
        %dma_start3A_531 = tpu.memref_slice %arg10[%add3A_529, %dma_start3A_530] : memref<64x16xi32, #tpu.memory_space<vmem>> -> memref<1x16xi32, #tpu.memory_space<vmem>>
        %dma_start3A_532 = tpu.memref_squeeze %dma_start3A_531 : memref<1x16xi32, #tpu.memory_space<vmem>> -> memref<16xi32, #tpu.memory_space<vmem>>
        %dma_start3A_533 = arith.constant 0 : i32
        %dma_start3A_534 = arith.constant 0 : i32
        %dma_start3A_535 = tpu.memref_slice %arg4[%dma_start3A_533, %dma_start3A_534] : memref<100000x768xf32, #tpu.memory_space<hbm>> -> memref<100000x768xf32, #tpu.memory_space<hbm>>
        tpu.enqueue_indirect_dma source(%dma_start3A_535 : memref<100000x768xf32, #tpu.memory_space<hbm>>) target(%arg13 : memref<16x768xf32, #tpu.memory_space<vmem>>) offsets(%dma_start3A_532 : memref<16xi32, #tpu.memory_space<vmem>>) semaphore(%arg25 : memref<!tpu.dma_semaphore, #tpu.memory_space<semaphore_mem>>)
      } else {
      }
      %scan3A_527 = arith.constant 0 : i32
      scf.yield %scan3A_527 : i32
    }
    %scan3A_25 = arith.constant 32 : i32
    %dma_wait3A = arith.constant 0 : i32
    %dma_wait3A_26 = arith.constant 0 : i32
    %dma_wait3A_27 = tpu.memref_slice %arg9[%dma_wait3A, %dma_wait3A_26] : memref<32768x768xf32, #tpu.memory_space<hbm>> -> memref<16x768xf32, #tpu.memory_space<hbm>>
    %dma_wait3A_28 = arith.constant 0 : i32
    %dma_wait3A_29 = arith.constant 0 : i32
    %dma_wait3A_30 = tpu.memref_slice %arg9[%dma_wait3A_28, %dma_wait3A_29] : memref<32768x768xf32, #tpu.memory_space<hbm>> -> memref<16x768xf32, #tpu.memory_space<hbm>>
    tpu.wait_dma2 semaphore(%arg26 : memref<!tpu.dma_semaphore, #tpu.memory_space<semaphore_mem>>) src(%arg14 : memref<16x768xf32, #tpu.memory_space<vmem>>) dst(%dma_wait3A_30 : memref<16x768xf32, #tpu.memory_space<hbm>>)
    %dma_wait3A_31 = arith.constant 0 : i32
    %dma_wait3A_32 = arith.constant 0 : i32
    %dma_wait3A_33 = tpu.memref_slice %arg9[%dma_wait3A_31, %dma_wait3A_32] : memref<32768x768xf32, #tpu.memory_space<hbm>> -> memref<16x768xf32, #tpu.memory_space<hbm>>
    %dma_wait3A_34 = arith.constant 0 : i32
    %dma_wait3A_35 = arith.constant 0 : i32
    %dma_wait3A_36 = tpu.memref_slice %arg9[%dma_wait3A_34, %dma_wait3A_35] : memref<32768x768xf32, #tpu.memory_space<hbm>> -> memref<16x768xf32, #tpu.memory_space<hbm>>
    tpu.wait_dma2 semaphore(%arg27 : memref<!tpu.dma_semaphore, #tpu.memory_space<semaphore_mem>>) src(%arg15 : memref<16x768xf32, #tpu.memory_space<vmem>>) dst(%dma_wait3A_36 : memref<16x768xf32, #tpu.memory_space<hbm>>)
    return
  }
}

</mosaic_0001>

<sc_bundles>
// kernel: kernel.3.cloned.1.call-start
scs
__scs_entry_jumppad:
0x0: {  	(pc) =	sbr.rel $0x88, $3  }
0x1: {  	(tag) =	ssettag $0x0;
	lr =	simm.s32 $0x1  }
0x2: {  	[smem:$0x3F9A] =	sst lr;
	_ =	strace $0xD0000000  }
0x3: {  	_ = 	snop  }
0x4: {  	_ = 	snop  }
0x5: {  	_ = 	snop  }
0x6: {  	_ = 	snop  }
0x7: {  	_ = 	snop  }
__scs_overlays_trampoline_lowered:
0x8: {  	[smem:$0x3FA9] =	sst s0  }
0x9: {  	[smem:$0x3FAA] =	sst s1  }
0xa: {  	[smem:$0x3FAB] =	sst s2  }
0xb: {  	[smem:$0x3FAC] =	sst s3  }
0xc: {  	[smem:$0x3FAD] =	sst s4  }
0xd: {  	[smem:$0x3FAE] =	sst s5  }
0xe: {  	[smem:$0x3FAF] =	sst s6  }
0xf: {  	[smem:$0x3FB0] =	sst s7  }
0x10: {  	[smem:$0x3FB1] =	sst s8  }
0x11: {  	[smem:$0x3FB2] =	sst s9;
	s0 =	simm.s32 @!p0 $0x0  }
0x12: {  	s1 =	sld [smem:$0x3F98];
	s0 =	simm.s32 @p0 $0x1  }
0x13: {  	[smem:$0x3FB3] =	sst s0;
	s0 =	simm.s32 @!p1 $0x0  }
0x14: {  	s2 =	sld [smem:$0x3F97];
	s0 =	simm.s32 @p1 $0x1  }
0x15: {  	[smem:$0x3FB4] =	sst s0;
	s0 =	simm.s32 @!p2 $0x0  }
0x16: {  	s3 =	sld [smem:$0x3FDB];
	s0 =	simm.s32 @p2 $0x1  }
0x17: {  	s4 =	simm.s32 $0x1BF5;
	[smem:$0x3FB6] =	sst s0  }
0x18: {  	s0 =	sld [smem:$0x3F99];
	_ =	swait.ge [sflag:s4], $0x0  }
0x19: {  	s7 =	sld [smem:$0x3F9A]  }
0x1a: {  	s8 =	sadd.s32 $0xFFFFE003, lr  }
0x1b: {  	s9 =	sadd.s32 $0xFFFFFEF7, lr;
	s5 =	simm.s32 $0xFFFFFFFF;
	p2 =	slt.u32 s8, $0xFFFFF086  }
0x1c: {  	p1 =	slt.u32 s9, $0xF7A;
	s5 =	simm.s32 @!p2 $0x0  }
0x1d: {  	s5 =	simm.s32 @p1 $0x1;
	p0 =	seq.s32 s7, s2  }
0x1e: {  	s7 =	smul.u32 @!p0 $0xF7A, s2;
	p2 =	seq.s32 @!p0 s5, $0x0  }
0x1f: {  	s9 =	smul.u32 $0xF7A, s1;
	s8 =	simm.s32 @!p0 $0x1BF5;
	p2 =	por !p2, p0  }
0x20: {  	[sflag:s8] =	ssyncset.s32 @!p0 $0xFFFFF086;
	s6 =	sadd.s32 @!p0 s3, s7;
	s7 =	simm.s32 @!p0 $0x108  }
0x21: {  	s3 =	sadd.s32 s3, s9;
	s6 =	sadd.s32 @!p0 $0x88, s6;
	s7 =	simm.s32 @p2 $0x1082  }
0x22: {  	[simem:s7], [sflag:s8] =	dma.local @!p0 [hbm:s6], $0xF7A  }
0x23: {  	s9 =	sor.u32 $0xD0000000, s2;
	s6 =	simm.s32 $0x108;
	_ =	swait.ge @!p0 [sflag:s8], $0x0  }
0x24: {  	s3 =	sadd.s32 $0x88, s3;
	s6 =	simm.s32 @!p1 $0x1082;
	[sflag:s4] =	ssyncset.s32 $0xFFFFF086  }
0x25: {  	[simem:s6], [sflag:s4] =	dma.local [hbm:s3], $0xF7A  }
0x26: {  	[smem:$0x3F9A] =	sst s1;
	(tag) =	ssettag s2;
	_ =	strace s9  }
0x27: {  	s1 =	sld [smem:$0x3FAA]  }
0x28: {  	s2 =	sld [smem:$0x3FAB]  }
0x29: {  	s4 =	sld [smem:$0x3FAD]  }
0x2a: {  	p0 =	seq.s32 s5, $0x0;
	s5 =	sld [smem:$0x3FAE]  }
0x2b: {  	s6 =	sld [smem:$0x3FAF]  }
0x2c: {  	s7 =	sld [smem:$0x3FB0]  }
0x2d: {  	s3 =	simm.s32 $0x108;
	s8 =	sld [smem:$0x3FB1]  }
0x2e: {  	s3 =	simm.s32 @!p0 $0x1082;
	s9 =	sld [smem:$0x3FB2]  }
0x2f: {  	lr =	sadd.s32 s0, s3;
	s0 =	sld [smem:$0x3FA9]  }
0x30: {  	s3 =	sld [smem:$0x3FAC]  }
0x31: {  	[smem:$0x3FB5] =	sst s10  }
0x32: {  	s10 =	sld [smem:$0x3FB3];
	_ =	sdelay $0x3  }
0x33: {  	p0 =	seq.s32 s10, $0x1;
	s10 =	sld [smem:$0x3FB5];
	_ =	sdelay $0x3  }
0x34: {  	[smem:$0x3FB5] =	sst s10  }
0x35: {  	s10 =	sld [smem:$0x3FB4];
	_ =	sdelay $0x3  }
0x36: {  	p1 =	seq.s32 s10, $0x1;
	s10 =	sld [smem:$0x3FB5];
	_ =	sdelay $0x3  }
0x37: {  	[smem:$0x3FB5] =	sst s10  }
0x38: {  	s10 =	sld [smem:$0x3FB6]  }
0x39: {  	_ = 	snop;
	(pc) =	sbr.ind lr, $3  }
0x3a: {  	_ = 	snop  }
0x3b: {  	_ = 	snop  }
0x3c: {  	p2 =	seq.s32 s10, $0x1;
	s10 =	sld [smem:$0x3FB5]  }
0x3d: {  	_ =	shalt  }
0x3e: {  	_ =	shalt  }
0x3f: {  	_ =	shalt  }
0x40: {  	_ =	shalt  }
0x41: {  	_ =	shalt  }
0x42: {  	_ =	shalt  }
0x43: {  	_ =	shalt  }
0x44: {  	_ =	shalt  }
0x45: {  	_ =	shalt  }
0x46: {  	_ =	shalt  }
0x47: {  	_ =	shalt  }
0x48: {  	_ =	shalt  }
0x49: {  	_ =	shalt  }
0x4a: {  	_ =	shalt  }
0x4b: {  	_ =	shalt  }
0x4c: {  	_ =	shalt  }
0x4d: {  	_ =	shalt  }
0x4e: {  	_ =	shalt  }
0x4f: {  	_ =	shalt  }
0x50: {  	_ =	shalt  }
0x51: {  	_ =	shalt  }
0x52: {  	_ =	shalt  }
0x53: {  	_ =	shalt  }
0x54: {  	_ =	shalt  }
0x55: {  	_ =	shalt  }
0x56: {  	_ =	shalt  }
0x57: {  	_ =	shalt  }
0x58: {  	_ =	shalt  }
0x59: {  	_ =	shalt  }
0x5a: {  	_ =	shalt  }
0x5b: {  	_ =	shalt  }
0x5c: {  	_ =	shalt  }
0x5d: {  	_ =	shalt  }
0x5e: {  	_ =	shalt  }
0x5f: {  	_ =	shalt  }
0x60: {  	_ =	shalt  }
0x61: {  	_ =	shalt  }
0x62: {  	_ =	shalt  }
0x63: {  	_ =	shalt  }
0x64: {  	_ =	shalt  }
0x65: {  	_ =	shalt  }
0x66: {  	_ =	shalt  }
0x67: {  	_ =	shalt  }
0x68: {  	_ =	shalt  }
0x69: {  	_ =	shalt  }
0x6a: {  	_ =	shalt  }
0x6b: {  	_ =	shalt  }
0x6c: {  	_ =	shalt  }
0x6d: {  	_ =	shalt  }
0x6e: {  	_ =	shalt  }
0x6f: {  	_ =	shalt  }
0x70: {  	_ =	shalt  }
0x71: {  	_ =	shalt  }
0x72: {  	_ =	shalt  }
0x73: {  	_ =	shalt  }
0x74: {  	_ =	shalt  }
0x75: {  	_ =	shalt  }
0x76: {  	_ =	shalt  }
0x77: {  	_ =	shalt  }
0x78: {  	_ =	shalt  }
0x79: {  	_ =	shalt  }
0x7a: {  	_ =	shalt  }
0x7b: {  	_ =	shalt  }
0x7c: {  	_ =	shalt  }
0x7d: {  	_ =	shalt  }
0x7e: {  	_ =	shalt  }
0x7f: {  	_ =	shalt  }
0x80: {  	_ =	shalt  }
0x81: {  	_ =	shalt  }
0x82: {  	_ =	shalt  }
0x83: {  	_ =	shalt  }
0x84: {  	_ =	shalt  }
0x85: {  	_ =	shalt  }
0x86: {  	_ =	shalt  }
0x87: {  	_ =	shalt  }
.Lfunc_end0:
.L_simem_size_0:
called_computation_lowered:
.L_overlay_start_0:
0x88: {  	s2 =	sld [smem:$0x3FD9]  }
0x89: {  	s3 =	sld [smem:$0x3FFE];
	_ =	sdelay $0x1  }
0x8a: {  	s1 =	srdreg.scid  }
0x8b: {  	s0 =	sand.u32 $0x1, s1  }
0x8c: {  	s17 =	sshll.u32 s0, $0xA;
	s2 =	sadd.s32 s3, s2  }
0x8d: {  	s2 =	sadd.s32 s2, s17  }
0x8e: {  	[smem:$0x3FC1] =	sst s2  }
0x8f: {  	_ = 	snop  }
0x90: {  	s2 =	sld [smem:$0x3FC7]  }
0x91: {  	s18 =	sld [smem:$0x3FC6]  }
0x92: {  	s4 =	sld [smem:$0x3FC5]  }
0x93: {  	s5 =	sld [smem:$0x3FC4]  }
0x94: {  	s6 =	sld [smem:$0x3FC3]  }
0x95: {  	s7 =	sld [smem:$0x3FD0];
	(tm) =	ssettm $0x1  }
0x96: {  	s8 =	sld [smem:$0x3FFB];
	_ =	sdelay $0x3  }
0x97: {  	_ =	strace s8  }
0x98: {  	s8 =	sld [smem:$0x3FFC];
	_ =	sdelay $0x3  }
0x99: {  	_ =	strace s8  }
0x9a: {  	s8 =	sld [smem:$0x3FFD];
	_ =	sdelay $0x3  }
0x9b: {  	_ =	strace s8  }
0x9c: {  	_ =	strace $0x8FFFFFFF  }
0x9d: {  	s19 =	sld [smem:$0x3FDB];
	_ =	sdelay $0x1  }
0x9e: {  	s9 =	simm.s32 $_scs_section_size  }
0x9f: {  	s10 =	simm.s32 $_size__tile_overlayer_lowered;
	s11 =	simm.s32 $_tile_overlayer_lowered  }
0xa0: {  	s22 =	simm.s32 $0x1BFF;
	s21 =	sshll.u32 s11, $0x1;
	s8 =	sadd.s32 s9, s19  }
0xa1: {  	s12 =	simm.s32 $0x0;
	s20 =	sshll.u32 s10, $0x1;
	s10 =	sadd.s32 s21, s8  }
0xa2: {  	[timem:s12], [sflag:s22] =	dma.local [hbm:s10], s20  }
0xa3: {  	_ =	swait.ge [sflag:s22], s20  }
0xa4: {  	s9 =	ssub.s32 $0x0, s20;
	[sflag:s22] =	ssyncset.done $0x0  }
0xa5: {  	[sflag:s22] =	ssyncadd.s32 s9;
	_ =	sdelay $0x1  }
0xa6: {  	s23 =	simm.s32 $0x1B8B  }
0xa7: {  	_ =	swait.ge [sflag:s23], $0x1  }
0xa8: {  	[sflag:s23] =	ssyncset.done $0x0  }
0xa9: {  	s25 =	simm.s32 $0x1B8E;
	s24 =	sld [smem:$0x3FFE];
	[sflag:s23] =	ssyncadd.s32 $0xFFFFFFFF  }
0xaa: {  	s26 =	simm.s32 $execute0_lowered;
	[smem:$0x3FD2] =	sst s25  }
0xab: {  	s10 =	sshll.u32 s26, $0x1;
	_ =	strace $0x80000046;
	[dreg:$0x1] =	wrdreg $0xFFFFFFFF  }
0xac: {  	s28 =	simm.s32 $_size_execute0_lowered;
	s8 =	sadd.s32 s8, s10;
	[dreg:$0x0] =	wrdreg $0x0  }
0xad: {  	s10 =	sshll.u32 s28, $0x1;
	[dreg:$0x2] =	wrdreg s8  }
0xae: {  	[dreg:$0x3] =	wrdreg s10  }
0xaf: {  	[dreg:$0x4] =	wrdreg $0xC0  }
0xb0: {  	_ =	task [dreg:s12], $0x5FFFF  }
0xb1: {  	[dreg:$0x1] =	wrdreg $0xFFFFFFFF  }
0xb2: {  	[dreg:$0x0] =	wrdreg $0x60  }
0xb3: {  	[dreg:$0x2] =	wrdreg s24  }
0xb4: {  	[dreg:$0x3] =	wrdreg s2  }
0xb5: {  	[dreg:$0x4] =	wrdreg s18  }
0xb6: {  	[dreg:$0x5] =	wrdreg s4  }
0xb7: {  	[dreg:$0x6] =	wrdreg s5  }
0xb8: {  	[dreg:$0x7] =	wrdreg s6  }
0xb9: {  	[dreg:$0x8] =	wrdreg s7  }
0xba: {  	[dreg:$0x9] =	wrdreg $0x9  }
0xbb: {  	_ =	task.clear_ibuf [dreg:s12], $0xAFFFF;
	_ =	strace $0x90000046  }
0xbc: {  	s29 =	simm.s32 $0x9;
	_ =	strace $0x80000048  }
0xbd: {  	_ =	swait.ge [sflag:s29], $0x1  }
0xbe: {  	[sflag:s29] =	ssyncadd.s32 $0xFFFFFFFF  }
0xbf: {  	_ =	strace $0x90000048  }
0xc0: {  	_ =	sfence  }
0xc1: {  	s30 =	sld [smem:$0x0];
	_ =	sdelay $0x2  }
0xc2: {  	s31 =	sshll.u32 s1, $0xD;
	s1 =	sshrl.u32 s1, $0x2  }
0xc3: {  	s3 =	sand.u32 $0x4000, s31;
	s1 =	sadd.s32 s1, s30  }
0xc4: {  	s0 =	sor.u32 s3, s0;
	s1 =	sshll.u32 s1, $0x11  }
0xc5: {  	s0 =	sor.u32 s1, s0  }
0xc6: {  	s0 =	sadd.s32 $0x8F2B, s0  }
0xc7: {  	[sflag:s0] =	ssyncadd.remote.s32 $0x1  }
0xc8: {  	_ =	sfence.sel $0xFFFF  }
0xc9: {  	[dreg:$0x0] =	wrdreg $0xFFFFFFFF;
	(pc) =	sbr.abs _section_cstart, $3  }
0xca: {  	[dreg:$0x1] =	wrdreg $0xFFFFFFFF  }
0xcb: {  	_ =	task.clear_ibuf [dreg:s12], $0x2FFFF;
	_ =	strace $0x9FFFFFFF  }
0xcc: {  	(tm) =	ssettm $0x7FFFFFFF  }
0xcd: {  	_ =	shalt  }
tec
execute0_lowered:
.L_overlay_start_1:
0x0: {  	(tag) =	ssettag $0x1  }
0x1: {  	s1 =	rddreg [dreg:$0x0]  }
0x2: {  	s0 =	rddreg [dreg:$0x1]  }
0x3: {  	s2 =	rddreg [dreg:$0x3];
	s3 =	srdreg.scid  }
0x4: {  	s4 =	stileid.u32;
	s13 =	simm.s32 $0x0;
	s16 =	simm.s32 $0x2000  }
0x5: {  	v0 =	vlaneseq.u32;
	s20 =	simm.s32 $0x10000;
	vm0 =	vmmov $0xffff;
	s3 =	sand.u32 $0x1, s3;
	s4 =	sshll.u32 s4, $0x1  }
0x6: {  	[smem:$0x7FF] =	sst s13;
	s22 =	sadd.s32 $0x100, s0;
	s23 =	sadd.s32 $0x200, s0;
	v2 =	vshrl.u32 v0, $0x3;
	v1 =	vand.u32 $0x7, v0;
	v3 =	vor.u32 $0x8, v0  }
0x7: {  	v4 =	vor.u32 $0x10, v0;
	v5 =	vor.u32 $0x20, v0;
	v6 =	vor.u32 $0x30, v0;
	s4 =	sor.u32 s3, s4;
	_ =	strace $0x80000047;
	[dreg:$0xc] =	wrdreg s22  }
0x8: {  	v7 =	vor.u32 $0x40, v0;
	v8 =	vmul.u32 $0x10, v0;
	v9 =	vor.u32 $0x50, v0;
	s3 =	ssub.s32 $0x2, s3;
	[dreg:$0xd] =	wrdreg s23;
	s5 =	sshll.u32 s4, $0xA  }
0x9: {  	v10 =	vor.u32 $0x60, v0;
	v11 =	vor.u32 $0x70, v0;
	v2 =	vmul.u32 $0x8, v2;
	s6 =	smul.u32 $0x600, s4;
	s17 =	sshll.u32 s4, $0x4;
	s1 =	sadd.s32 s5, s1  }
.Ltmp0:
0xa: {  	v12 =	vor.u32 $0x1, v8;
	v13 =	vor.u32 $0x2, v8;
	v14 =	vor.u32 $0x3, v8;
	[dreg:$0xa] =	wrdreg s17;
	s29 =	sadd.s32 $0x8400, s1;
	(pc) =	sbr.rel .LBB2_1-.Ltmp0, $4  }
0xb: {  	s28 =	sshrl.u32 s3, $0x1;
	v15 =	vor.u32 $0x4, v8;
	v16 =	vor.u32 $0x5, v8;
	v17 =	vor.u32 $0x6, v8;
	s1 =	sadd.s32 $0x400, s1;
	[dreg:$0x8] =	wrdreg s29  }
0xc: {  	v18 =	vor.u32 $0x7, v8;
	v19 =	vor.u32 $0x8, v8;
	v20 =	vor.u32 $0x9, v8;
	s3 =	ssub.s32 s3, s28;
	s30 =	sadd.s32 s2, s6;
	[dreg:$0x9] =	wrdreg s1  }
0xd: {  	s18 =	simm.s32 $0x16E00;
	v21 =	vor.u32 $0xA, v8;
	v22 =	vor.u32 $0xB, v8;
	v23 =	vor.u32 $0xC, v8;
	s31 =	smax.u32 s3, $0x1;
	[dreg:$0xb] =	wrdreg s30  }
0xe: {  	s19 =	simm.s32 $0x16E80;
	v24 =	vor.u32 $0xD, v8;
	v25 =	vor.u32 $0xE, v8;
	v26 =	vor.u32 $0xF, v8;
	s2 =	simm.s32 $0x0;
	[dreg:$0xe] =	wrdreg s31  }
.LBB2_22:
0xf: {  	s0 =	simm.s32 $0x3  }
0x10: {  	_ =	swait.ge [sflag:s0], $0x3000  }
0x11: {  	[sflag:s0] =	ssyncset.done $0x0  }
0x12: {  	s1 =	simm.s32 $0x4;
	[sflag:s0] =	ssyncadd.s32 $0xFFFFD000  }
0x13: {  	_ =	swait.ge [sflag:s1], $0x3000  }
0x14: {  	s2 =	rddreg [dreg:$0xf]  }
0x15: {  	s31 =	rddreg [dreg:$0xe];
	s2 =	sadd.s32 $0x1, s2  }
0x16: {  	p0 =	sne.s32 s2, s31  }
.Ltmp1:
0x17: {  	_ = 	snop;
	(pc) =	sbr.rel @!p0 .LBB2_23-.Ltmp1, $3  }
0x18: {  	_ =	sdelay $0x1  }
0x19: {  	[sflag:s1] =	ssyncset.done $0x0  }
0x1a: {  	[sflag:s1] =	ssyncadd.s32 $0xFFFFD000  }
.LBB2_1:
0x1b: {  	[dreg:$0xf] =	wrdreg s2  }
0x1c: {  	s0 =	rddreg [dreg:$0x8];
	s1 =	simm.s32 $0x5  }
0x1d: {  	[tilespmem:s13], [sflag:$0x5] =	stream.linear.gather [hbm4b:s0+s13], $0x2000, $0x38;
	[tilespmem:$0x16F00] =	vst v63  }
0x1e: {  	_ =	swait.ge [sflag:s1], $0x2000  }
0x1f: {  	[sflag:s1] =	ssyncset.done $0x0  }
0x20: {  	s4 =	rddreg [dreg:$0x9];
	[sflag:s1] =	ssyncadd.s32 $0xFFFFE000  }
0x21: {  	[tilespmem:s16], [sflag:$0x5] =	stream.linear.gather [hbm4b:s4+s13], $0x2000, $0x38;
	[tilespmem:$0x16F00] =	vst v63  }
0x22: {  	_ =	swait.ge [sflag:s1], $0x2000  }
0x23: {  	[sflag:s1] =	ssyncset.done $0x0  }
0x24: {  	[sflag:s1] =	ssyncadd.s32 $0xFFFFE000  }
0x25: {  	s6 =	simm.s32 $0x16600;
	s5 =	rddreg [dreg:$0x4]  }
0x26: {  	[tilespmem:s6], [sflag:$0x5] =	stream.linear.gather [hbm4b:s5+s13], $0x300, $0x38;
	[tilespmem:$0x16F00] =	vst v63  }
0x27: {  	_ =	swait.ge [sflag:s1], $0x300  }
0x28: {  	s8 =	simm.s32 $0x16900;
	[sflag:s1] =	ssyncset.done $0x0  }
0x29: {  	s10 =	simm.s32 $0x16000;
	s12 =	simm.s32 $0x13000;
	[sflag:s1] =	ssyncadd.s32 $0xFFFFFD00  }
0x2a: {  	p0 =	por $0x1, $0x1;
	p2 =	por $0x0, $0x0;
	s7 =	rddreg [dreg:$0x5]  }
0x2b: {  	[tilespmem:s8], [sflag:$0x5] =	stream.linear.gather [hbm4b:s7+s13], $0x300, $0x38;
	[tilespmem:$0x16F00] =	vst v63  }
0x2c: {  	s26 =	simm.s32 $0x1;
	s8 =	simm.s32 $0x0;
	_ =	swait.ge [sflag:s1], $0x300  }
0x2d: {  	s22 =	sor.u32 $0x1, s8;
	s21 =	sor.u32 $0x2, s8;
	[sflag:s1] =	ssyncset.done $0x0  }
0x2e: {  	s15 =	sor.u32 $0x3, s8;
	s6 =	sor.u32 $0x4, s8;
	[sflag:s1] =	ssyncadd.s32 $0xFFFFFD00  }
0x2f: {  	s3 =	sor.u32 $0x5, s8;
	s2 =	sor.u32 $0x6, s8;
	s9 =	rddreg [dreg:$0x2]  }
0x30: {  	[tilespmem:s10], [sflag:$0x5] =	stream.linear.gather [hbm4b:s9+s13], $0x600, $0x38;
	[tilespmem:$0x16F00] =	vst v63  }
0x31: {  	s4 =	sor.u32 $0x7, s8;
	s14 =	sand.u32 $0xFFFF, s22;
	_ =	swait.ge [sflag:s1], $0x600  }
0x32: {  	s24 =	sand.u32 $0xFFFF, s4;
	s25 =	sand.u32 $0xFFFF, s21;
	[sflag:s1] =	ssyncset.done $0x0  }
0x33: {  	s25 =	smul.u32 $0xAAAB, s25;
	s11 =	rddreg [dreg:$0xb];
	[sflag:s1] =	ssyncadd.s32 $0xFFFFFA00  }
0x34: {  	[tilespmem:s20], [sflag:$0x5] =	stream.linear.gather [hbm4b:s11+s13], $0x3000, $0x38;
	[tilespmem:$0x16F00] =	vst v63  }
0x35: {  	s7 =	sand.u32 $0xFFFF, s15;
	s17 =	smul.u32 $0xAAAB, s24;
	_ =	swait.ge [sflag:s1], $0x3000  }
0x36: {  	s0 =	smul.u32 $0xAAAB, s14;
	s25 =	sshrl.u32 s25, $0x15;
	[sflag:s1] =	ssyncset.done $0x0  }
0x37: {  	s24 =	simm.s32 $0x1;
	s25 =	smul.u32 $0x30, s25;
	[sflag:s1] =	ssyncadd.s32 $0xFFFFD000  }
0x38: {  	[tilespmem:s12], [sflag:$0x5] =	stream.linear.gather [hbm4b:s11+s13], $0x3000, $0x38;
	[tilespmem:$0x16F00] =	vst v63  }
0x39: {  	s24 =	simm.s32 @!p2 $0x0;
	s21 =	ssub.s32 s21, s25;
	s13 =	smul.u32 $0xAAAB, s8  }
0x3a: {  	s10 =	sand.u32 $0xFFFF, s6;
	s21 =	sand.u32 $0xFFF8, s21;
	_ =	swait.ge [sflag:s1], $0x3000  }
0x3b: {  	s21 =	sshrl.u32 s21, $0x3;
	[sflag:s1] =	ssyncset.done $0x0;
	s11 =	sshrl.u32 s13, $0x15  }
0x3c: {  	s28 =	sshrl.u32 s13, $0x18;
	[sflag:s1] =	ssyncadd.s32 $0xFFFFD000;
	s9 =	sand.u32 $0xF, s11  }
0x3d: {  	s1 =	sshrl.u32 s13, $0xE;
	s28 =	smul.u32 $0x6000, s28;
	p1 =	sne.s32 s9, $0x0  }
0x3e: {  	s11 =	smul.u32 $0x30, s11;
	s9 =	sshrl.u32 s17, $0x15;
	p0 =	por !p0, !p1  }
0x3f: {  	s29 =	smul.u32 $0x30, s9;
	s9 =	sand.u32 $0x380, s1;
	s28 =	sshrl.u32 s28, $0x2  }
0x40: {  	s11 =	ssub.s32 $0x0, s11;
	p0 =	por !p0, !p0;
	s1 =	sadd.s32 $0x10000, s28  }
0x41: {  	s11 =	sand.u32 $0xFFFF, s11;
	s26 =	simm.s32 @!p0 $0x0;
	s4 =	ssub.s32 s4, s29  }
0x42: {  	s29 =	sshrl.u32 s0, $0x15;
	s0 =	sshll.u32 s21, $0x8;
	s30 =	ssub.s32 s24, s26  }
0x43: {  	s4 =	sand.u32 $0xFFF8, s4;
	s24 =	sadd.s32 s24, s26;
	s29 =	smul.u32 $0x30, s29  }
0x44: {  	s23 =	sshrl.u32 s30, $0x1;
	s4 =	sshrl.u32 s4, $0x3;
	s26 =	sshll.u32 s24, $0x7  }
0x45: {  	s30 =	smul.u32 $0x1800, s23;
	s28 =	sshll.u32 s4, $0xA;
	s5 =	sshll.u32 s4, $0x8  }
0x46: {  	s14 =	sand.u32 $0x80, s26;
	s26 =	smul.u32 $0xAAAB, s10;
	s23 =	sand.u32 $0xFFFF, s2  }
0x47: {  	s22 =	ssub.s32 s22, s29;
	s10 =	sshll.u32 s11, $0x5;
	s11 =	sshll.u32 s11, $0x7  }
0x48: {  	s28 =	sadd.s32 s28, s1;
	s23 =	smul.u32 $0xAAAB, s23;
	s22 =	sand.u32 $0xFFF8, s22  }
0x49: {  	s11 =	sadd.s32 s11, s1;
	s31 =	sshra.s32 s30, $0x2;
	s4 =	sor.u32 s9, s28  }
0x4a: {  	s28 =	sand.u32 $0xFFFF, s3;
	s24 =	sadd.s32 $0x16000, s31;
	s31 =	smul.u32 $0xAAAB, s7  }
0x4b: {  	s26 =	sshrl.u32 s26, $0x15;
	s22 =	sshrl.u32 s22, $0x3;
	s28 =	smul.u32 $0xAAAB, s28  }
0x4c: {  	s23 =	sshrl.u32 s23, $0x15;
	s13 =	smul.u32 $0x30, s26;
	s26 =	sshll.u32 s22, $0x8  }
0x4d: {  	s22 =	sshll.u32 s22, $0xA;
	s30 =	sadd.s32 s5, s24;
	s23 =	smul.u32 $0x30, s23  }
0x4e: {  	s25 =	sadd.s32 s0, s24;
	s10 =	sadd.s32 s10, s24;
	s30 =	sor.u32 s14, s30  }
0x4f: {  	s31 =	sshrl.u32 s31, $0x15;
	s28 =	sshrl.u32 s28, $0x15;
	s6 =	ssub.s32 s6, s13  }
0x50: {  	s13 =	sadd.s32 s26, s24;
	s26 =	sshll.u32 s21, $0xA;
	s12 =	smul.u32 $0x30, s31  }
0x51: {  	s21 =	sadd.s32 s22, s1;
	s25 =	sor.u32 s14, s25;
	s17 =	smul.u32 $0x30, s28  }
0x52: {  	s6 =	sand.u32 $0xFFF8, s6;
	s2 =	ssub.s32 s2, s23;
	s26 =	sadd.s32 s26, s1  }
0x53: {  	s31 =	sadd.s32 s14, s10;
	s2 =	sand.u32 $0xFFF8, s2;
	s23 =	sshrl.u32 s6, $0x3  }
0x54: {  	v28 =	vld [tilespmem:s4+$0x70];
	s15 =	ssub.s32 s15, s12;
	s3 =	ssub.s32 s3, s17;
	s2 =	sshrl.u32 s2, $0x3  }
0x55: {  	v27 =	vld [tilespmem:s30+$0x70];
	s28 =	sshll.u32 s23, $0x8;
	s23 =	sshll.u32 s23, $0xA;
	s15 =	sand.u32 $0xFFF8, s15  }
0x56: {  	s3 =	sand.u32 $0xFFF8, s3;
	s12 =	sshll.u32 s2, $0x8;
	s2 =	sshll.u32 s2, $0xA  }
0x57: {  	s15 =	sshrl.u32 s15, $0x3;
	s3 =	sshrl.u32 s3, $0x3;
	s6 =	sadd.s32 s12, s24  }
0x58: {  	s2 =	sadd.s32 s2, s1;
	s5 =	sshll.u32 s15, $0x8;
	s7 =	sshll.u32 s3, $0x8  }
0x59: {  	s15 =	sshll.u32 s15, $0xA;
	s3 =	sshll.u32 s3, $0xA;
	s17 =	sadd.s32 s5, s24  }
0x5a: {  	v27 =	vadd.f32 v27, v28;
	s5 =	sadd.s32 s28, s24;
	s29 =	sadd.s32 s7, s24;
	s28 =	sadd.s32 s15, s1  }
0x5b: {  	s15 =	sadd.s32 s23, s1;
	s3 =	sadd.s32 s3, s1;
	s24 =	sor.u32 s14, s13  }
0x5c: {  	[tilespmem:s4+$0x70] =	vst v27;
	v27 =	vld [tilespmem:s31+$0x0];
	s4 =	sor.u32 s14, s17;
	s22 =	sor.u32 s14, s5;
	s1 =	sor.u32 s14, s29  }
.LBB2_2:
0x5d: {  	s8 =	sadd.s32 $0x8, s8  }
0x5e: {  	s31 =	sor.u32 s9, s21;
	s0 =	sor.u32 s14, s6;
	s12 =	simm.s32 $0x1  }
0x5f: {  	v28 =	vld [tilespmem:s24+$0x10];
	s10 =	smul.u32 $0xAAAB, s8;
	s6 =	sor.u32 $0x1, s8;
	s24 =	sor.u32 $0x2, s8  }
0x60: {  	v29 =	vld [tilespmem:s25+$0x20];
	s21 =	sor.u32 $0x3, s8;
	s30 =	sor.u32 $0x4, s8;
	s25 =	sor.u32 $0x5, s8  }
0x61: {  	s14 =	sor.u32 $0x7, s8;
	p0 =	slt.u32 s8, $0x30;
	p2 =	sgt.u32 s8, $0x2FF;
	v30 =	vld [tilespmem:s4+$0x30]  }
0x62: {  	s4 =	sor.u32 $0x6, s8;
	s23 =	sand.u32 $0xFFFF, s6;
	s29 =	sshrl.u32 s10, $0x15;
	v31 =	vld [tilespmem:s22+$0x40]  }
0x63: {  	s7 =	sand.u32 $0xFFFF, s14;
	s17 =	sand.u32 $0xFFFF, s4;
	s22 =	sand.u32 $0xF, s29;
	v32 =	vld [tilespmem:s1+$0x50]  }
0x64: {  	s1 =	smul.u32 $0xAAAB, s7;
	s7 =	simm.s32 $0x1;
	p1 =	sne.s32 s22, $0x0;
	v33 =	vld [tilespmem:s0+$0x60]  }
0x65: {  	s17 =	smul.u32 $0xAAAB, s17;
	s0 =	sand.u32 $0xFFFF, s24;
	p0 =	por !p0, !p1;
	v34 =	vld [tilespmem:s31+$0x10]  }
0x66: {  	s7 =	simm.s32 @!p2 $0x0;
	s1 =	sshrl.u32 s1, $0x15;
	p0 =	por !p0, !p0  }
0x67: {  	s22 =	sshrl.u32 s10, $0x18;
	s1 =	smul.u32 $0x30, s1;
	s12 =	simm.s32 @!p0 $0x0  }
0x68: {  	s10 =	sshrl.u32 s10, $0xE;
	s13 =	smul.u32 $0x6000, s22;
	s5 =	ssub.s32 s7, s12  }
0x69: {  	s22 =	sand.u32 $0x380, s10;
	s1 =	ssub.s32 s14, s1;
	s5 =	sshrl.u32 s5, $0x1  }
0x6a: {  	s10 =	sshrl.u32 s13, $0x2;
	s13 =	sand.u32 $0xFFF8, s1;
	s5 =	smul.u32 $0x1800, s5;
	v28 =	vadd.f32 v28, v34  }
0x6b: {  	s7 =	sadd.s32 s7, s12;
	s1 =	sadd.s32 $0x10000, s10;
	s10 =	sshrl.u32 s13, $0x3  }
0x6c: {  	s7 =	sshll.u32 s7, $0x7;
	s12 =	sshll.u32 s10, $0xA;
	s5 =	sshra.s32 s5, $0x2;
	[tilespmem:s31+$0x10] =	vst v28  }
0x6d: {  	s10 =	sshll.u32 s10, $0x8;
	s31 =	sadd.s32 $0x16000, s5;
	s5 =	sadd.s32 s12, s1  }
0x6e: {  	s14 =	sand.u32 $0x80, s7;
	s5 =	sor.u32 s22, s5;
	s7 =	sadd.s32 s10, s31  }
0x6f: {  	s12 =	sand.u32 $0xFFFF, s30;
	s10 =	sand.u32 $0xFFFF, s21;
	v28 =	vld [tilespmem:s5+$0x70];
	s7 =	sor.u32 s14, s7  }
0x70: {  	s13 =	smul.u32 $0xAAAB, s23;
	s23 =	sand.u32 $0xFFFF, s25;
	v34 =	vld [tilespmem:s7+$0x70]  }
0x71: {  	s0 =	smul.u32 $0xAAAB, s0;
	s7 =	sor.u32 s9, s26;
	s26 =	sor.u32 s9, s28  }
0x72: {  	s15 =	sor.u32 s9, s15;
	s13 =	sshrl.u32 s13, $0x15;
	s10 =	smul.u32 $0xAAAB, s10;
	v35 =	vld [tilespmem:s7+$0x20]  }
0x73: {  	s3 =	sor.u32 s9, s3;
	s0 =	sshrl.u32 s0, $0x15;
	s12 =	smul.u32 $0xAAAB, s12;
	v36 =	vld [tilespmem:s26+$0x30]  }
0x74: {  	s2 =	sor.u32 s9, s2;
	s23 =	smul.u32 $0xAAAB, s23;
	s10 =	sshrl.u32 s10, $0x15;
	v37 =	vld [tilespmem:s15+$0x40]  }
0x75: {  	s11 =	sadd.s32 s9, s11;
	s0 =	smul.u32 $0x30, s0;
	s12 =	sshrl.u32 s12, $0x15;
	v28 =	vadd.f32 v34, v28;
	v34 =	vld [tilespmem:s3+$0x50]  }
0x76: {  	p0 =	slt.u32 s8, $0x5F8;
	s13 =	smul.u32 $0x30, s13;
	s23 =	sshrl.u32 s23, $0x15;
	v38 =	vld [tilespmem:s2+$0x60]  }
0x77: {  	s17 =	sshrl.u32 s17, $0x15;
	s9 =	smov.u32 s22;
	[tilespmem:s5+$0x70] =	vst v28;
	v28 =	vld [tilespmem:s11+$0x0];
	v29 =	vadd.f32 v29, v35  }
0x78: {  	s0 =	ssub.s32 s24, s0;
	s5 =	ssub.s32 s6, s13;
	s6 =	smul.u32 $0x30, s10;
	v30 =	vadd.f32 v30, v36  }
0x79: {  	s0 =	sand.u32 $0xFFF8, s0;
	s10 =	smul.u32 $0x30, s12;
	s5 =	sand.u32 $0xFFF8, s5;
	[tilespmem:s7+$0x20] =	vst v29;
	v29 =	vadd.f32 v31, v37  }
0x7a: {  	s0 =	sshrl.u32 s0, $0x3;
	s6 =	ssub.s32 s21, s6;
	s7 =	smul.u32 $0x30, s23;
	[tilespmem:s26+$0x30] =	vst v30;
	v30 =	vadd.f32 v32, v34  }
0x7b: {  	s12 =	smul.u32 $0x30, s17;
	s10 =	ssub.s32 s30, s10;
	s6 =	sand.u32 $0xFFF8, s6;
	[tilespmem:s15+$0x40] =	vst v29;
	v29 =	vadd.f32 v33, v38  }
0x7c: {  	s13 =	smul.u32 $0x30, s29;
	s10 =	sand.u32 $0xFFF8, s10;
	s7 =	ssub.s32 s25, s7;
	v27 =	vadd.f32 v27, v28;
	[tilespmem:s3+$0x50] =	vst v30  }
0x7d: {  	s4 =	ssub.s32 s4, s12;
	s3 =	sshrl.u32 s5, $0x3;
	s5 =	sand.u32 $0xFFF8, s7;
	[tilespmem:s2+$0x60] =	vst v29  }
0x7e: {  	s4 =	sand.u32 $0xFFF8, s4;
	s6 =	sshrl.u32 s6, $0x3;
	s2 =	ssub.s32 s8, s13;
	[tilespmem:s11+$0x0] =	vst v27  }
0x7f: {  	s4 =	sshrl.u32 s4, $0x3;
	s7 =	sshrl.u32 s10, $0x3;
	s5 =	sshrl.u32 s5, $0x3  }
0x80: {  	s12 =	sshll.u32 s6, $0xA;
	s10 =	sshll.u32 s3, $0xA;
	s2 =	sand.u32 $0xFFFF, s2  }
0x81: {  	s3 =	sshll.u32 s3, $0x8;
	s11 =	sshll.u32 s0, $0xA;
	s0 =	sshll.u32 s0, $0x8  }
0x82: {  	s6 =	sshll.u32 s6, $0x8;
	s23 =	sshll.u32 s4, $0xA;
	s13 =	sshll.u32 s7, $0xA  }
0x83: {  	s7 =	sshll.u32 s7, $0x8;
	s17 =	sshll.u32 s5, $0xA;
	s5 =	sshll.u32 s5, $0x8  }
0x84: {  	s4 =	sshll.u32 s4, $0x8;
	s29 =	sadd.s32 s6, s31;
	s22 =	sshll.u32 s2, $0x7  }
0x85: {  	s24 =	sadd.s32 s3, s31;
	s2 =	sshll.u32 s2, $0x5;
	s0 =	sadd.s32 s0, s31  }
0x86: {  	s6 =	sadd.s32 s4, s31;
	s7 =	sadd.s32 s7, s31;
	s25 =	sadd.s32 s2, s31  }
.Ltmp2:
0x87: {  	s21 =	sadd.s32 s10, s1;
	s5 =	sadd.s32 s5, s31;
	(pc) =	sbr.rel @p0 .LBB2_2-.Ltmp2, $4  }
0x88: {  	s28 =	sadd.s32 s12, s1;
	s15 =	sadd.s32 s13, s1;
	s26 =	sadd.s32 s11, s1  }
0x89: {  	s3 =	sadd.s32 s17, s1;
	s11 =	sadd.s32 s22, s1;
	s2 =	sadd.s32 s23, s1  }
0x8a: {  	s24 =	sor.u32 s14, s24;
	s1 =	sadd.s32 s14, s25;
	s25 =	sor.u32 s14, s0  }
0x8b: {  	s4 =	sor.u32 s14, s29;
	s22 =	sor.u32 s14, s7;
	v27 =	vld [tilespmem:s1+$0x0];
	s1 =	sor.u32 s14, s5  }
0x8c: {  	v28 =	vld [tilespmem:s24+$0x10]  }
0x8d: {  	v29 =	vld [tilespmem:s25+$0x20]  }
0x8e: {  	v30 =	vld [tilespmem:s4+$0x30]  }
0x8f: {  	v31 =	vld [tilespmem:s22+$0x40]  }
0x90: {  	s0 =	sor.u32 s14, s6;
	v32 =	vld [tilespmem:s1+$0x50]  }
0x91: {  	s7 =	sor.u32 s9, s21;
	v33 =	vld [tilespmem:s0+$0x60]  }
0x92: {  	s8 =	sor.u32 s9, s26;
	v34 =	vld [tilespmem:s7+$0x10]  }
0x93: {  	s10 =	sor.u32 s9, s28;
	v35 =	vld [tilespmem:s8+$0x20]  }
0x94: {  	s5 =	sor.u32 s9, s15;
	v36 =	vld [tilespmem:s10+$0x30]  }
0x95: {  	s3 =	sor.u32 s9, s3;
	v37 =	vld [tilespmem:s5+$0x40]  }
0x96: {  	s2 =	sor.u32 s9, s2;
	v38 =	vld [tilespmem:s3+$0x50]  }
0x97: {  	s11 =	sadd.s32 s9, s11;
	v56 =	vld [tilespmem:s2+$0x60];
	v28 =	vadd.f32 v28, v34  }
0x98: {  	v57 =	vld [tilespmem:s11+$0x0];
	v29 =	vadd.f32 v29, v35  }
0x99: {  	v58 =	vadd.f32 v30, v36;
	[tilespmem:s7+$0x10] =	vst v28  }
0x9a: {  	v59 =	vadd.f32 v31, v37;
	[tilespmem:s8+$0x20] =	vst v29  }
0x9b: {  	v60 =	vadd.f32 v32, v38;
	[tilespmem:s10+$0x30] =	vst v58  }
0x9c: {  	v61 =	vadd.f32 v33, v56;
	[tilespmem:s5+$0x40] =	vst v59  }
0x9d: {  	v27 =	vadd.f32 v27, v57;
	[tilespmem:s3+$0x50] =	vst v60  }
0x9e: {  	[tilespmem:s2+$0x60] =	vst v61  }
0x9f: {  	[tilespmem:s11+$0x0] =	vst v27  }
0xa0: {  	v27 =	vld [tilespmem:$0x0];
	_ =	sdelay $0x4  }
0xa1: {  	v62 =	vshrl.u32 v27, $0x3  }
0xa2: {  	v28 =	vmul.u32 $0x30, v62  }
0xa3: {  	v27 =	vand.u32 $0x7, v27  }
0xa4: {  	v27 =	vor.u32 v27, v28  }
0xa5: {  	v28 =	vperm.xlane v27, v1;
	_ =	sdelay $0x1  }
0xa6: {  	v28 =	vadd.s32 v2, v28;
	_ =	sdelay $0x3  }
0xa7: {  	s29 =	simm.s32 $0x0;
	s12 =	simm.s32 $0x4000;
	s10 =	rddreg [dreg:$0x1];
	v27 =	vperm.xlane v27, v3  }
0xa8: {  	[tilespmem:s12], [sflag:$0x1] =	stream.indirect_vreg.gather [hbm4b:s10+s29], $0x80, v28, vm0, $0xb8;
	[tilespmem:$0x16F00] =	vst v63  }
0xa9: {  	s13 =	simm.s32 $0x4800;
	s22 =	rddreg [dreg:$0xc];
	v27 =	vadd.s32 v2, v27  }
0xaa: {  	[tilespmem:s13], [sflag:$0x1] =	stream.indirect_vreg.gather [hbm4b:s22+s29], $0x80, v28, vm0, $0xb8;
	[tilespmem:$0x16F00] =	vst v63  }
0xab: {  	s14 =	simm.s32 $0x5000;
	s23 =	rddreg [dreg:$0xd]  }
0xac: {  	[tilespmem:s14], [sflag:$0x1] =	stream.indirect_vreg.gather [hbm4b:s23+s29], $0x80, v28, vm0, $0xb8;
	[tilespmem:$0x16F00] =	vst v63  }
0xad: {  	s15 =	simm.s32 $0x5800  }
0xae: {  	[tilespmem:s15], [sflag:$0x1] =	stream.indirect_vreg.gather [hbm4b:s10+s29], $0x80, v27, vm0, $0xb8;
	[tilespmem:$0x16F00] =	vst v63  }
0xaf: {  	s17 =	simm.s32 $0x6000  }
0xb0: {  	[tilespmem:s17], [sflag:$0x1] =	stream.indirect_vreg.gather [hbm4b:s22+s29], $0x80, v27, vm0, $0xb8;
	[tilespmem:$0x16F00] =	vst v63  }
0xb1: {  	s21 =	simm.s32 $0x6800  }
0xb2: {  	[tilespmem:s21], [sflag:$0x1] =	stream.indirect_vreg.gather [hbm4b:s23+s29], $0x80, v27, vm0, $0xb8;
	[tilespmem:$0x16F00] =	vst v63  }
0xb3: {  	v27 =	vld [tilespmem:$0x80];
	_ =	sdelay $0x4  }
0xb4: {  	v63 =	vshrl.u32 v27, $0x3  }
0xb5: {  	v28 =	vmul.u32 $0x30, v63  }
0xb6: {  	v27 =	vand.u32 $0x7, v27  }
0xb7: {  	v27 =	vor.u32 v27, v28  }
0xb8: {  	v28 =	vperm.xlane v27, v1;
	_ =	sdelay $0x1  }
0xb9: {  	v28 =	vadd.s32 v2, v28;
	_ =	sdelay $0x3  }
0xba: {  	s24 =	simm.s32 $0x7000;
	v27 =	vperm.xlane v27, v3  }
0xbb: {  	[tilespmem:s24], [sflag:$0x2] =	stream.indirect_vreg.gather [hbm4b:s10+s29], $0x80, v28, vm0, $0xb8;
	[tilespmem:$0x16F00] =	vst v63  }
0xbc: {  	s25 =	simm.s32 $0x7800;
	v27 =	vadd.s32 v2, v27  }
0xbd: {  	[tilespmem:s25], [sflag:$0x2] =	stream.indirect_vreg.gather [hbm4b:s22+s29], $0x80, v28, vm0, $0xb8;
	[tilespmem:$0x16F00] =	vst v63  }
0xbe: {  	s26 =	simm.s32 $0x8000  }
0xbf: {  	[tilespmem:s26], [sflag:$0x2] =	stream.indirect_vreg.gather [hbm4b:s23+s29], $0x80, v28, vm0, $0xb8;
	[tilespmem:$0x16F00] =	vst v63  }
0xc0: {  	s28 =	simm.s32 $0x8800  }
0xc1: {  	[tilespmem:s28], [sflag:$0x2] =	stream.indirect_vreg.gather [hbm4b:s10+s29], $0x80, v27, vm0, $0xb8;
	[tilespmem:$0x16F00] =	vst v63  }
0xc2: {  	s30 =	simm.s32 $0x9000;
	s31 =	simm.s32 $0x9800;
	s12 =	rddreg [dreg:$0x6]  }
0xc3: {  	[tilespmem:s30], [sflag:$0x2] =	stream.indirect_vreg.gather [hbm4b:s22+s29], $0x80, v27, vm0, $0xb8;
	[tilespmem:$0x16F00] =	vst v63  }
0xc4: {  	s13 =	simm.s32 $0x0;
	s17 =	rddreg [dreg:$0xa];
	s24 =	simm.s32 $0x1  }
0xc5: {  	[tilespmem:s31], [sflag:$0x2] =	stream.indirect_vreg.gather [hbm4b:s23+s29], $0x80, v27, vm0, $0xb8;
	[tilespmem:$0x16F00] =	vst v63  }
.LBB2_4:
0xc6: {  	_ =	swait.ge [sflag:s24], $0x3000  }
0xc7: {  	p0 =	seq.s32 s29, $0x0;
	[sflag:s24] =	ssyncset.done $0x0  }
0xc8: {  	s0 =	simm.s32 @!p0 $0x3;
	[sflag:s24] =	ssyncadd.s32 $0xFFFFD000  }
0xc9: {  	s9 =	sshll.u32 s29, $0x1;
	_ =	swait.ge @!p0 [sflag:s0], $0x3000  }
0xca: {  	s1 =	sshll.u32 s9, $0x7;
	[sflag:s0] =	ssyncset.done @!p0 $0x0  }
0xcb: {  	s8 =	simm.s32 $0x0;
	s14 =	simm.s32 $0x0;
	v27 =	vmov s1;
	[sflag:s0] =	ssyncadd.s32 @!p0 $0xFFFFD000  }
.LBB2_5:
0xcc: {  	v28 =	vmov s14  }
0xcd: {  	v28 =	vand.u32 $0x7F, v28  }
0xce: {  	v28 =	vadd.s32 v27, v28  }
0xcf: {  	v28 =	vbroadcast v28, $0x0;
	_ =	sdelay $0x5  }
0xd0: {  	v28 =	vld.idx.msk [tilespmem:v28+s16+$0x0], $0xffff;
	_ =	sdelay $0x3  }
0xd1: {  	s0 =	simm.s32 $0x0  }
0xd2: {  	v30 =	vmov s0;
	v29 =	vshrl.u32 v28, $0x3  }
0xd3: {  	v30 =	vshrl.u32 v30, $0x7;
	v28 =	vshll.u32 v28, $0x7;
	v29 =	vmul.u32 $0x1800, v29  }
0xd4: {  	s30 =	sshrl.u32 s14, $0x3;
	v30 =	vshll.u32 v30, $0xA;
	v28 =	vand.u32 $0x380, v28  }
0xd5: {  	s1 =	sand.u32 $0x7, s8;
	s0 =	smul.u32 $0x6000, s30;
	v37 =	vbroadcast v30, $0x0;
	v31 =	vor.u32 v28, v29  }
0xd6: {  	s1 =	sshll.u32 s1, $0x9;
	v28 =	vor.u32 v0, v31  }
0xd7: {  	s0 =	sor.u32 s1, s0;
	v30 =	vadd.s32 v28, v37  }
0xd8: {  	s0 =	sshra.s32 s0, $0x2;
	v29 =	vor.u32 v4, v31  }
0xd9: {  	s11 =	sadd.s32 $0x4040, s0;
	v34 =	vor.u32 v5, v31;
	v32 =	vadd.s32 v29, v37  }
0xda: {  	v40 =	vld [tilespmem:s11+$0xFFFFFFC0];
	v33 =	vadd.s32 v34, v37  }
0xdb: {  	v43 =	vld [tilespmem:s11+$0xFFFFFFD0];
	v36 =	vor.u32 v6, v31  }
0xdc: {  	v39 =	vadd.s32 v36, v37;
	v38 =	vld.idx.msk [tilespmem:v30+s20+$0x0], $0xffff  }
0xdd: {  	v46 =	vld [tilespmem:s11+$0xFFFFFFE0];
	v35 =	vor.u32 v7, v31  }
0xde: {  	s31 =	simm.s32 $0x80;
	v42 =	vadd.s32 v35, v37;
	v41 =	vld.idx.msk [tilespmem:v32+s20+$0x0], $0xffff  }
0xdf: {  	v57 =	vmov s31;
	v32 =	vor.u32 v9, v31;
	v44 =	vld.idx.msk [tilespmem:v33+s20+$0x0], $0xffff  }
0xe0: {  	v47 =	vld [tilespmem:s11+$0xFFFFFFF0];
	v30 =	vor.u32 v10, v31;
	v33 =	vshrl.u32 v57, $0x7;
	v45 =	vadd.s32 v32, v37  }
0xe1: {  	v39 =	vld.idx.msk [tilespmem:v39+s20+$0x0], $0xffff;
	v33 =	vshll.u32 v33, $0xA;
	v58 =	vadd.s32 v30, v37;
	v38 =	vadd.f32 v40, v38  }
0xe2: {  	v48 =	vld [tilespmem:s11+$0x0];
	v31 =	vor.u32 v11, v31;
	v33 =	vbroadcast v33, $0x0  }
0xe3: {  	v42 =	vld.idx.msk [tilespmem:v42+s20+$0x0], $0xffff;
	v37 =	vadd.s32 v31, v37;
	v41 =	vadd.f32 v43, v41;
	v59 =	vmul.f32 v38, v38  }
0xe4: {  	v49 =	vimm.f32 $0.0e+00;
	v62 =	vld [tilespmem:s11+$0x10];
	v50 =	vadd.s32 v28, v33;
	v46 =	vadd.f32 v46, v44  }
0xe5: {  	v51 =	vld.idx.msk [tilespmem:v45+s20+$0x0], $0xffff;
	v60 =	vadd.f32 v38, v49;
	v61 =	vmul.f32 v41, v41;
	v43 =	vadd.f32 v59, v49  }
0xe6: {  	v52 =	vadd.f32 v47, v39;
	[tilespmem:s11+$0xFFFFFFC0] =	vst v38;
	v38 =	vld.idx.msk [tilespmem:v58+s20+$0x0], $0xffff;
	v53 =	vmul.f32 v46, v46  }
0xe7: {  	v44 =	vld [tilespmem:s11+$0x20];
	[tilespmem:s11+$0xFFFFFFD0] =	vst v41;
	v41 =	vadd.f32 v41, v60;
	v45 =	vadd.f32 v61, v43;
	v43 =	vadd.s32 v29, v33  }
0xe8: {  	v39 =	vadd.s32 v34, v33;
	v47 =	vadd.f32 v48, v42;
	v40 =	vld.idx.msk [tilespmem:v37+s20+$0x0], $0xffff  }
0xe9: {  	[tilespmem:s11+$0xFFFFFFE0] =	vst v46;
	v54 =	vmul.f32 v52, v52;
	v63 =	vadd.f32 v46, v41;
	v53 =	vadd.f32 v53, v45;
	v45 =	vld [tilespmem:s11+$0x30]  }
0xea: {  	s15 =	sadd.s32 $0x400, s11;
	v42 =	vadd.s32 v36, v33;
	[tilespmem:s11+$0xFFFFFFF0] =	vst v52;
	v41 =	vld.idx.msk [tilespmem:v50+s20+$0x0], $0xffff;
	v37 =	vadd.f32 v62, v51  }
0xeb: {  	s2 =	simm.s32 $0x100;
	s1 =	simm.s32 $0x8;
	[tilespmem:s11+$0x0] =	vst v47;
	v46 =	vld [tilespmem:s15+$0xFFFFFFC0];
	v50 =	vmul.f32 v47, v47;
	v49 =	vadd.f32 v52, v63;
	v48 =	vadd.f32 v54, v53  }
.LBB2_6:
0xec: {  	v51 =	vmov s2;
	v43 =	vld.idx.msk [tilespmem:v43+s20+$0x0], $0xffff;
	v52 =	vadd.s32 v35, v33;
	[tilespmem:s11+$0x10] =	vst v37;
	v38 =	vadd.f32 v44, v38  }
0xed: {  	v44 =	vld [tilespmem:s15+$0xFFFFFFD0];
	v47 =	vadd.f32 v47, v49;
	v48 =	vadd.f32 v50, v48;
	v49 =	vmul.f32 v37, v37  }
0xee: {  	v50 =	vshrl.u32 v51, $0x7;
	v51 =	vadd.s32 v32, v33;
	v39 =	vld.idx.msk [tilespmem:v39+s20+$0x0], $0xffff;
	[tilespmem:s11+$0x20] =	vst v38;
	v40 =	vadd.f32 v45, v40  }
0xef: {  	v45 =	vld [tilespmem:s15+$0xFFFFFFE0];
	v37 =	vadd.f32 v37, v47;
	v47 =	vadd.f32 v49, v48;
	v48 =	vmul.f32 v38, v38  }
0xf0: {  	v49 =	vshll.u32 v50, $0xA;
	v41 =	vadd.f32 v46, v41;
	v42 =	vld.idx.msk [tilespmem:v42+s20+$0x0], $0xffff;
	v46 =	vadd.s32 v30, v33;
	[tilespmem:s11+$0x30] =	vst v40;
	s11 =	smov.u32 s15  }
0xf1: {  	s1 =	sadd.s32 $0x8, s1;
	v50 =	vld [tilespmem:s15+$0xFFFFFFF0];
	v37 =	vadd.f32 v38, v37;
	v38 =	vadd.f32 v48, v47;
	v47 =	vmul.f32 v40, v40  }
0xf2: {  	p1 =	slt.u32 s1, $0x28;
	[tilespmem:s15+$0xFFFFFFC0] =	vst v41;
	v44 =	vadd.f32 v44, v43;
	v48 =	vld.idx.msk [tilespmem:v52+s20+$0x0], $0xffff;
	v52 =	vadd.s32 v31, v33;
	v33 =	vbroadcast v49, $0x0  }
0xf3: {  	v43 =	vmul.f32 v41, v41;
	v49 =	vld [tilespmem:s15+$0x0];
	v37 =	vadd.f32 v40, v37;
	v38 =	vadd.f32 v47, v38  }
0xf4: {  	v53 =	vadd.s32 v28, v33;
	[tilespmem:s15+$0xFFFFFFD0] =	vst v44;
	v45 =	vadd.f32 v45, v39;
	v51 =	vld.idx.msk [tilespmem:v51+s20+$0x0], $0xffff  }
0xf5: {  	v40 =	vmul.f32 v44, v44;
	v37 =	vadd.f32 v41, v37;
	v39 =	vadd.f32 v43, v38;
	v54 =	vld [tilespmem:s15+$0x10]  }
0xf6: {  	v43 =	vadd.s32 v29, v33;
	[tilespmem:s15+$0xFFFFFFE0] =	vst v45;
	v50 =	vadd.f32 v50, v42;
	v38 =	vld.idx.msk [tilespmem:v46+s20+$0x0], $0xffff  }
.Ltmp3:
0xf7: {  	v42 =	vmul.f32 v45, v45;
	v37 =	vadd.f32 v44, v37;
	v41 =	vadd.f32 v40, v39;
	v44 =	vld [tilespmem:s15+$0x20];
	(pc) =	sbr.rel @p1 .LBB2_6-.Ltmp3, $4  }
0xf8: {  	v39 =	vadd.s32 v34, v33;
	[tilespmem:s15+$0xFFFFFFF0] =	vst v50;
	v47 =	vadd.f32 v49, v48;
	v40 =	vld.idx.msk [tilespmem:v52+s20+$0x0], $0xffff  }
0xf9: {  	v55 =	vmul.f32 v50, v50;
	v48 =	vadd.f32 v45, v37;
	v52 =	vadd.f32 v42, v41;
	v45 =	vld [tilespmem:s15+$0x30]  }
0xfa: {  	v42 =	vadd.s32 v36, v33;
	s15 =	sadd.s32 $0x400, s15;
	v41 =	vld.idx.msk [tilespmem:v53+s20+$0x0], $0xffff;
	[tilespmem:s11+$0x0] =	vst v47;
	v37 =	vadd.f32 v54, v51  }
0xfb: {  	s2 =	sadd.s32 $0x80, s2;
	v46 =	vld [tilespmem:s15+$0xFFFFFFC0];
	v49 =	vadd.f32 v50, v48;
	v48 =	vadd.f32 v55, v52;
	v50 =	vmul.f32 v47, v47  }
0xfc: {  	_ =	sdelay $0x2  }
0xfd: {  	v28 =	vadd.f32 v47, v49  }
0xfe: {  	v29 =	vld.idx.msk [tilespmem:v43+s20+$0x0], $0xffff;
	v34 =	vadd.f32 v44, v38;
	v59 =	vmul.f32 v37, v37;
	v36 =	vadd.f32 v50, v48  }
0xff: {  	v35 =	vadd.s32 v35, v33;
	v60 =	vld [tilespmem:s15+$0xFFFFFFD0];
	v28 =	vadd.f32 v37, v28  }
0x100: {  	v39 =	vld.idx.msk [tilespmem:v39+s20+$0x0], $0xffff;
	v40 =	vadd.f32 v45, v40;
	v61 =	vmul.f32 v34, v34;
	v36 =	vadd.f32 v59, v36  }
0x101: {  	v32 =	vadd.s32 v32, v33;
	v62 =	vld [tilespmem:s15+$0xFFFFFFE0];
	v28 =	vadd.f32 v34, v28  }
0x102: {  	v42 =	vld.idx.msk [tilespmem:v42+s20+$0x0], $0xffff;
	v41 =	vadd.f32 v46, v41;
	v63 =	vmul.f32 v40, v40;
	v36 =	vadd.f32 v61, v36  }
0x103: {  	v30 =	vadd.s32 v30, v33;
	v48 =	vld [tilespmem:s15+$0xFFFFFFF0];
	v28 =	vadd.f32 v40, v28  }
0x104: {  	v50 =	vld [tilespmem:s15+$0x0];
	v29 =	vadd.f32 v60, v29;
	v49 =	vmul.f32 v41, v41;
	v36 =	vadd.f32 v63, v36  }
0x105: {  	v31 =	vadd.s32 v31, v33;
	v35 =	vld.idx.msk [tilespmem:v35+s20+$0x0], $0xffff;
	v28 =	vadd.f32 v41, v28  }
0x106: {  	v53 =	vld [tilespmem:s15+$0x10];
	v51 =	vadd.f32 v62, v39;
	v52 =	vmul.f32 v29, v29;
	v36 =	vadd.f32 v49, v36  }
0x107: {  	v32 =	vld.idx.msk [tilespmem:v32+s20+$0x0], $0xffff;
	v28 =	vadd.f32 v29, v28  }
0x108: {  	v55 =	vld [tilespmem:s15+$0x20];
	v42 =	vadd.f32 v48, v42;
	v54 =	vmul.f32 v51, v51;
	v36 =	vadd.f32 v52, v36  }
0x109: {  	v30 =	vld.idx.msk [tilespmem:v30+s20+$0x0], $0xffff;
	v28 =	vadd.f32 v51, v28  }
0x10a: {  	[tilespmem:s11+$0x10] =	vst v37;
	v58 =	vld [tilespmem:s15+$0x30];
	v57 =	vmul.f32 v42, v42;
	v33 =	vadd.f32 v50, v35;
	v56 =	vadd.f32 v54, v36  }
0x10b: {  	[tilespmem:s11+$0x20] =	vst v34;
	v31 =	vld.idx.msk [tilespmem:v31+s20+$0x0], $0xffff;
	v28 =	vadd.f32 v42, v28  }
0x10c: {  	[tilespmem:s11+$0x30] =	vst v40;
	v32 =	vadd.f32 v53, v32;
	v59 =	vmul.f32 v33, v33;
	v35 =	vadd.f32 v57, v56  }
0x10d: {  	[tilespmem:s15+$0xFFFFFFC0] =	vst v41;
	v28 =	vadd.f32 v33, v28  }
0x10e: {  	[tilespmem:s15+$0xFFFFFFD0] =	vst v29;
	v29 =	vadd.f32 v55, v30;
	v61 =	vmul.f32 v32, v32;
	v60 =	vadd.f32 v59, v35  }
0x10f: {  	[tilespmem:s15+$0xFFFFFFE0] =	vst v51;
	v28 =	vadd.f32 v32, v28  }
0x110: {  	s0 =	sshll.u32 s14, $0x4;
	s14 =	sadd.s32 $0x1, s14;
	[tilespmem:s15+$0xFFFFFFF0] =	vst v42;
	v31 =	vadd.f32 v58, v31;
	v62 =	vmul.f32 v29, v29;
	v30 =	vadd.f32 v61, v60  }
0x111: {  	p1 =	sne.s32 s14, $0x10;
	[tilespmem:s15+$0x0] =	vst v33;
	v28 =	vadd.f32 v29, v28  }
.Ltmp4:
0x112: {  	[tilespmem:s15+$0x10] =	vst v32;
	v63 =	vmul.f32 v31, v31;
	v30 =	vadd.f32 v62, v30;
	(pc) =	sbr.rel @p1 .LBB2_5-.Ltmp4, $4  }
0x113: {  	[tilespmem:s15+$0x30] =	vst v31;
	v28 =	vadd.f32 v31, v28  }
0x114: {  	[tilespmem:s15+$0x20] =	vst v29;
	v29 =	vadd.f32 v63, v30  }
0x115: {  	[tilespmem:s0+$0x16C00] =	vst v28  }
0x116: {  	s8 =	sadd.s32 $0x1, s8;
	[tilespmem:s0+$0x16D00] =	vst v29  }
0x117: {  	_ =	sdelay $0x2  }
0x118: {  	s0 =	simm.s32 $0x16C00  }
0x119: {  	s1 =	simm.s32 $0x16D00;
	v27 =	vld.idx.msk [tilespmem:v8+s0+$0x0], $0xffff  }
0x11a: {  	v28 =	vld.idx.msk [tilespmem:v8+s1+$0x0], $0xffff  }
0x11b: {  	v29 =	vld.idx.msk [tilespmem:v12+s0+$0x0], $0xffff  }
0x11c: {  	v30 =	vld.idx.msk [tilespmem:v12+s1+$0x0], $0xffff  }
0x11d: {  	v31 =	vld.idx.msk [tilespmem:v13+s0+$0x0], $0xffff  }
0x11e: {  	v32 =	vld.idx.msk [tilespmem:v13+s1+$0x0], $0xffff;
	v27 =	vadd.f32 $0.0e+00, v27  }
0x11f: {  	v33 =	vld.idx.msk [tilespmem:v14+s0+$0x0], $0xffff  }
0x120: {  	v37 =	vld.idx.msk [tilespmem:v14+s1+$0x0], $0xffff;
	v28 =	vadd.f32 $0.0e+00, v28;
	v27 =	vadd.f32 v29, v27  }
0x121: {  	v34 =	vld.idx.msk [tilespmem:v15+s0+$0x0], $0xffff  }
0x122: {  	v38 =	vld.idx.msk [tilespmem:v15+s1+$0x0], $0xffff;
	v28 =	vadd.f32 v30, v28;
	v27 =	vadd.f32 v31, v27  }
0x123: {  	v39 =	vld.idx.msk [tilespmem:v16+s0+$0x0], $0xffff  }
0x124: {  	v40 =	vld.idx.msk [tilespmem:v16+s1+$0x0], $0xffff;
	v28 =	vadd.f32 v32, v28;
	v27 =	vadd.f32 v33, v27  }
0x125: {  	v41 =	vld.idx.msk [tilespmem:v17+s0+$0x0], $0xffff  }
0x126: {  	v42 =	vld.idx.msk [tilespmem:v17+s1+$0x0], $0xffff;
	v28 =	vadd.f32 v37, v28;
	v27 =	vadd.f32 v34, v27  }
0x127: {  	v43 =	vld.idx.msk [tilespmem:v18+s0+$0x0], $0xffff  }
0x128: {  	v44 =	vld.idx.msk [tilespmem:v18+s1+$0x0], $0xffff;
	v28 =	vadd.f32 v38, v28;
	v27 =	vadd.f32 v39, v27  }
0x129: {  	v45 =	vld.idx.msk [tilespmem:v19+s0+$0x0], $0xffff  }
0x12a: {  	v46 =	vld.idx.msk [tilespmem:v19+s1+$0x0], $0xffff;
	v28 =	vadd.f32 v40, v28;
	v27 =	vadd.f32 v41, v27  }
0x12b: {  	v47 =	vld.idx.msk [tilespmem:v20+s0+$0x0], $0xffff  }
0x12c: {  	v48 =	vld.idx.msk [tilespmem:v20+s1+$0x0], $0xffff;
	v28 =	vadd.f32 v42, v28;
	v27 =	vadd.f32 v43, v27  }
0x12d: {  	v49 =	vld.idx.msk [tilespmem:v21+s0+$0x0], $0xffff  }
0x12e: {  	v50 =	vld.idx.msk [tilespmem:v21+s1+$0x0], $0xffff;
	v28 =	vadd.f32 v44, v28;
	v27 =	vadd.f32 v45, v27  }
0x12f: {  	v51 =	vld.idx.msk [tilespmem:v22+s0+$0x0], $0xffff  }
0x130: {  	v52 =	vld.idx.msk [tilespmem:v22+s1+$0x0], $0xffff;
	v28 =	vadd.f32 v46, v28;
	v27 =	vadd.f32 v47, v27  }
0x131: {  	v53 =	vld.idx.msk [tilespmem:v23+s0+$0x0], $0xffff  }
0x132: {  	v54 =	vld.idx.msk [tilespmem:v23+s1+$0x0], $0xffff;
	v28 =	vadd.f32 v48, v28;
	v27 =	vadd.f32 v49, v27  }
0x133: {  	v55 =	vld.idx.msk [tilespmem:v24+s0+$0x0], $0xffff  }
0x134: {  	v56 =	vld.idx.msk [tilespmem:v24+s1+$0x0], $0xffff;
	v28 =	vadd.f32 v50, v28;
	v27 =	vadd.f32 v51, v27  }
0x135: {  	v57 =	vld.idx.msk [tilespmem:v25+s0+$0x0], $0xffff  }
0x136: {  	v58 =	vld.idx.msk [tilespmem:v25+s1+$0x0], $0xffff;
	v28 =	vadd.f32 v52, v28;
	v27 =	vadd.f32 v53, v27  }
0x137: {  	v59 =	vld.idx.msk [tilespmem:v26+s0+$0x0], $0xffff  }
0x138: {  	v28 =	vadd.f32 v54, v28;
	v27 =	vadd.f32 v55, v27  }
0x139: {  	v60 =	vld.idx.msk [tilespmem:v26+s1+$0x0], $0xffff  }
0x13a: {  	v28 =	vadd.f32 v56, v28;
	v27 =	vadd.f32 v57, v27;
	_ =	sdelay $0x1  }
0x13b: {  	v28 =	vadd.f32 v58, v28;
	v27 =	vadd.f32 v59, v27;
	_ =	sdelay $0x1  }
0x13c: {  	v28 =	vadd.f32 v60, v28;
	v27 =	vmul.f32 $1.302083370e-03, v27;
	_ =	sdelay $0x1  }
0x13d: {  	v28 =	vmul.f32 $1.302083370e-03, v28;
	v61 =	vmul.f32 v27, v27;
	_ =	sdelay $0x1  }
0x13e: {  	v28 =	vsub.f32 v28, v61;
	_ =	sdelay $0x1  }
0x13f: {  	v28 =	vadd.f32 $9.999999960e-13, v28;
	_ =	sdelay $0x1  }
0x140: {  	v62 =	vshrl.u32 v28, $0x1;
	v28 =	vmul.f32 $5.000000000e-01, v28  }
0x141: {  	v29 =	vsub.s32 $0x5F3759DF, v62  }
0x142: {  	v63 =	vmul.f32 v29, v28;
	_ =	sdelay $0x1  }
0x143: {  	v30 =	vmul.f32 v29, v63;
	_ =	sdelay $0x1  }
0x144: {  	v30 =	vsub.f32 $1.500000000e+00, v30;
	_ =	sdelay $0x1  }
0x145: {  	v29 =	vmul.f32 v29, v30;
	_ =	sdelay $0x1  }
0x146: {  	v30 =	vmul.f32 v29, v28;
	_ =	sdelay $0x1  }
0x147: {  	v30 =	vmul.f32 v30, v29;
	_ =	sdelay $0x1  }
0x148: {  	v30 =	vsub.f32 $1.500000000e+00, v30;
	_ =	sdelay $0x1  }
0x149: {  	v29 =	vmul.f32 v30, v29;
	_ =	sdelay $0x1  }
0x14a: {  	v28 =	vmul.f32 v29, v28;
	_ =	sdelay $0x1  }
0x14b: {  	v28 =	vmul.f32 v28, v29;
	_ =	sdelay $0x1  }
0x14c: {  	v28 =	vsub.f32 $1.500000000e+00, v28;
	_ =	sdelay $0x1  }
0x14d: {  	v28 =	vmul.f32 v28, v29;
	_ =	sdelay $0x1  }
0x14e: {  	v27 =	vmul.f32 v28, v27  }
0x14f: {  	[tilespmem:$0x16E00] =	vst v28  }
0x150: {  	s8 =	simm.s32 $0x0;
	p2 =	por $0x1, $0x1;
	s1 =	simm.s32 $0x0;
	[tilespmem:$0x16E80] =	vst v27  }
.LBB2_9:
0x151: {  	s0 =	sshll.u32 s1, $0x3  }
0x152: {  	v27 =	vmov s0  }
0x153: {  	v27 =	vbroadcast v27, $0x0  }
0x154: {  	s2 =	sor.u32 $0x1, s0  }
0x155: {  	s21 =	sor.u32 $0x2, s0;
	v28 =	vmov s2  }
0x156: {  	s25 =	sor.u32 $0x3, s0;
	v29 =	vbroadcast v28, $0x0;
	v28 =	vmov s21  }
0x157: {  	s11 =	simm.s32 $0x16600;
	s3 =	sor.u32 $0x5, s0;
	v30 =	vbroadcast v28, $0x0;
	v28 =	vmov s25;
	s25 =	smul.u32 $0x1800, s1  }
0x158: {  	s5 =	sand.u32 $0x1C00, s8;
	s6 =	sand.u32 $0x60, s8;
	s26 =	sor.u32 $0x4, s0;
	v43 =	vld [tilespmem:s11+$0x0];
	v32 =	vmov s3  }
0x159: {  	s0 =	sor.u32 $0x6, s0;
	s7 =	sor.u32 $0x10, s6;
	v34 =	vbroadcast v32, $0x0;
	s28 =	sadd.s32 s25, s5;
	v36 =	vld.idx.msk [tilespmem:v27+s18+$0x0], $0xffff  }
0x15a: {  	v63 =	vmov s0;
	v31 =	vbroadcast v28, $0x0;
	s14 =	sor.u32 s7, s28;
	v28 =	vld.idx.msk [tilespmem:v27+s19+$0x0], $0xffff  }
0x15b: {  	v35 =	vbroadcast v63, $0x0;
	v52 =	vld [tilespmem:s14+$0x4000]  }
0x15c: {  	v53 =	vld [tilespmem:s14+$0x4080]  }
0x15d: {  	v38 =	vld.idx.msk [tilespmem:v29+s18+$0x0], $0xffff  }
0x15e: {  	v29 =	vld.idx.msk [tilespmem:v29+s19+$0x0], $0xffff  }
0x15f: {  	v41 =	vld.idx.msk [tilespmem:v34+s18+$0x0], $0xffff  }
0x160: {  	v34 =	vld.idx.msk [tilespmem:v34+s19+$0x0], $0xffff  }
0x161: {  	v42 =	vld.idx.msk [tilespmem:v35+s18+$0x0], $0xffff  }
0x162: {  	v27 =	vmov s26;
	s26 =	sor.u32 s6, s28;
	v35 =	vld.idx.msk [tilespmem:v35+s19+$0x0], $0xffff  }
0x163: {  	v44 =	vld [tilespmem:s26+$0x4000]  }
0x164: {  	v45 =	vld [tilespmem:s26+$0x4080]  }
0x165: {  	v46 =	vld [tilespmem:s26+$0x4100]  }
0x166: {  	v47 =	vld [tilespmem:s26+$0x4180]  }
0x167: {  	v48 =	vld [tilespmem:s26+$0x4200]  }
0x168: {  	v27 =	vbroadcast v27, $0x0;
	v49 =	vld [tilespmem:s26+$0x4280]  }
0x169: {  	v51 =	vld [tilespmem:s26+$0x4300]  }
0x16a: {  	v37 =	vld.idx.msk [tilespmem:v30+s18+$0x0], $0xffff  }
0x16b: {  	v30 =	vld.idx.msk [tilespmem:v30+s19+$0x0], $0xffff  }
0x16c: {  	v39 =	vld.idx.msk [tilespmem:v31+s18+$0x0], $0xffff  }
0x16d: {  	v32 =	vld.idx.msk [tilespmem:v31+s19+$0x0], $0xffff  }
0x16e: {  	s15 =	simm.s32 $0x16900;
	v40 =	vld.idx.msk [tilespmem:v27+s18+$0x0], $0xffff  }
0x16f: {  	s4 =	sshllo.u32 s1, $0x3;
	v50 =	vmul.f32 v44, v36;
	v44 =	vld [tilespmem:s15+$0x0];
	v49 =	vmul.f32 v49, v41  }
0x170: {  	v45 =	vmul.f32 v45, v38;
	v51 =	vmul.f32 v51, v42;
	v33 =	vld.idx.msk [tilespmem:v27+s19+$0x0], $0xffff;
	v27 =	vmov s4  }
0x171: {  	v46 =	vmul.f32 v46, v37;
	v50 =	vsub.f32 v50, v28;
	v57 =	vsub.f32 v49, v34;
	v49 =	vld [tilespmem:s14+$0x4280]  }
0x172: {  	v47 =	vmul.f32 v47, v39;
	v45 =	vsub.f32 v45, v29;
	v59 =	vsub.f32 v51, v35;
	v51 =	vld [tilespmem:s14+$0x4300]  }
0x173: {  	v54 =	vsub.f32 v46, v30;
	v46 =	vld [tilespmem:s14+$0x4100];
	v50 =	vmul.f32 v50, v43;
	v48 =	vmul.f32 v48, v40  }
0x174: {  	v45 =	vmul.f32 v45, v43;
	v55 =	vsub.f32 v47, v32;
	v47 =	vld [tilespmem:s14+$0x4180]  }
0x175: {  	v54 =	vmul.f32 v54, v43;
	v31 =	vld.idx.msk [tilespmem:v27+s18+$0x0], $0xffff;
	v50 =	vadd.f32 v50, v44;
	v56 =	vsub.f32 v48, v33  }
0x176: {  	v45 =	vadd.f32 v45, v44;
	v55 =	vmul.f32 v55, v43;
	v48 =	vld [tilespmem:s14+$0x4200]  }
0x177: {  	s21 =	sand.u32 $0x380, s8;
	v27 =	vld.idx.msk [tilespmem:v27+s19+$0x0], $0xffff;
	v58 =	vadd.f32 v54, v44;
	[tilespmem:s26+$0xA000] =	vst v50;
	v56 =	vmul.f32 v56, v43  }
0x178: {  	s30 =	simm.s32 $0x0;
	p1 =	por p2, p2;
	s2 =	sor.u32 s21, s7;
	v52 =	vmul.f32 v52, v36;
	[tilespmem:s26+$0xA080] =	vst v45;
	v54 =	vadd.f32 v55, v44;
	v55 =	vmul.f32 v57, v43;
	v50 =	vld [tilespmem:s14+$0x4380]  }
0x179: {  	s31 =	simm.s32 $0x100;
	s1 =	simm.s32 $0x0;
	v53 =	vmul.f32 v53, v38;
	s4 =	simm.s32 $0x0;
	v57 =	vmul.f32 v59, v43;
	v45 =	vld [tilespmem:s2+$0x16600];
	[tilespmem:s26+$0xA100] =	vst v58;
	v56 =	vadd.f32 v56, v44  }
.LBB2_10:
0x17a: {  	s0 =	sand.u32 $0x1C00, s31;
	[tilespmem:s26+$0xA180] =	vst v54;
	v54 =	vadd.f32 v55, v44;
	v55 =	vld [tilespmem:s2+$0x16900];
	v46 =	vmul.f32 v46, v37;
	v47 =	vmul.f32 v47, v39;
	s4 =	sadd.s32 $0x20, s4  }
0x17b: {  	v48 =	vmul.f32 v48, v40;
	s2 =	sand.u32 $0x60, s4;
	s0 =	sadd.s32 s25, s0;
	s3 =	sand.u32 $0x380, s4;
	[tilespmem:s26+$0xA200] =	vst v56;
	v56 =	vadd.f32 v57, v44;
	v49 =	vmul.f32 v49, v41  }
0x17c: {  	s1 =	sor.u32 s28, s1;
	v52 =	vsub.f32 v52, v28;
	v53 =	vsub.f32 v53, v29;
	s5 =	sor.u32 s2, s0;
	s6 =	sor.u32 $0x10, s2;
	[tilespmem:s26+$0xA280] =	vst v54;
	v51 =	vmul.f32 v51, v42  }
0x17d: {  	v46 =	vsub.f32 v46, v30;
	v47 =	vsub.f32 v47, v32;
	v54 =	vld [tilespmem:s5+$0x4000];
	s2 =	sor.u32 s3, s6;
	s6 =	sor.u32 s6, s0;
	[tilespmem:s26+$0xA300] =	vst v56;
	s3 =	sor.u32 $0x380, s1;
	v50 =	vmul.f32 v50, v31  }
0x17e: {  	v48 =	vsub.f32 v48, v33;
	s28 =	smov.u32 s0;
	v49 =	vsub.f32 v49, v34;
	s1 =	smov.u32 s4;
	s26 =	smov.u32 s5;
	v56 =	vld [tilespmem:s3+$0x4000];
	v52 =	vmul.f32 v52, v45  }
0x17f: {  	v53 =	vmul.f32 v53, v45;
	v51 =	vsub.f32 v51, v35;
	v57 =	vld [tilespmem:s26+$0x4080];
	v50 =	vsub.f32 v50, v27  }
0x180: {  	v46 =	vmul.f32 v46, v45;
	v47 =	vmul.f32 v47, v45;
	v58 =	vld [tilespmem:s26+$0x4100];
	v52 =	vadd.f32 v52, v55  }
0x181: {  	v48 =	vmul.f32 v48, v45;
	v49 =	vmul.f32 v49, v45;
	v53 =	vadd.f32 v53, v55;
	v59 =	vld [tilespmem:s26+$0x4180]  }
0x182: {  	v46 =	vadd.f32 v46, v55;
	v51 =	vmul.f32 v51, v45;
	v45 =	vmul.f32 v50, v45;
	v60 =	vld [tilespmem:s26+$0x4200];
	[tilespmem:s14+$0xA000] =	vst v52  }
0x183: {  	s30 =	sadd.s32 $0x2, s30;
	s11 =	sadd.s32 $0x20, s11;
	v47 =	vadd.f32 v47, v55;
	v48 =	vadd.f32 v48, v55;
	v50 =	vld [tilespmem:s26+$0x4280];
	v52 =	vmul.f32 v56, v31;
	[tilespmem:s14+$0xA080] =	vst v53  }
0x184: {  	p2 =	slt.u32 s30, $0x2E;
	v53 =	vld [tilespmem:s11+$0x0];
	[tilespmem:s14+$0xA100] =	vst v46;
	v46 =	vadd.f32 v49, v55;
	v49 =	vadd.f32 v51, v55  }
0x185: {  	s15 =	sadd.s32 $0x20, s15;
	v45 =	vadd.f32 v45, v55;
	v51 =	vmul.f32 v54, v36;
	v54 =	vld [tilespmem:s26+$0x4300];
	v52 =	vsub.f32 v52, v27;
	[tilespmem:s14+$0xA180] =	vst v47  }
0x186: {  	v47 =	vmul.f32 v57, v38;
	v56 =	vmul.f32 v58, v37;
	v55 =	vld [tilespmem:s15+$0x0];
	[tilespmem:s14+$0xA200] =	vst v48  }
0x187: {  	v48 =	vsub.f32 v51, v28;
	v51 =	vmul.f32 v59, v39;
	v57 =	vld [tilespmem:s6+$0x4000];
	v59 =	vmul.f32 v52, v43;
	[tilespmem:s14+$0xA280] =	vst v46  }
0x188: {  	v47 =	vsub.f32 v47, v29;
	v52 =	vmul.f32 v60, v40;
	v50 =	vmul.f32 v50, v41;
	v58 =	vld [tilespmem:s6+$0x4080];
	[tilespmem:s14+$0xA300] =	vst v49  }
0x189: {  	v49 =	vsub.f32 v56, v30;
	v48 =	vmul.f32 v48, v53;
	v46 =	vld [tilespmem:s6+$0x4100];
	v60 =	vadd.f32 v59, v44;
	[tilespmem:s14+$0xA380] =	vst v45;
	s14 =	smov.u32 s6  }
0x18a: {  	v51 =	vsub.f32 v51, v32;
	v45 =	vmul.f32 v47, v53;
	v43 =	vmovc v53;
	v54 =	vmul.f32 v54, v42;
	v47 =	vld [tilespmem:s14+$0x4180]  }
.Ltmp5:
0x18b: {  	v52 =	vsub.f32 v52, v33;
	v56 =	vmul.f32 v49, v43;
	v53 =	vadd.f32 v48, v55;
	v48 =	vld [tilespmem:s14+$0x4200];
	[tilespmem:s3+$0xA000] =	vst v60;
	(pc) =	sbr.rel @p2 .LBB2_10-.Ltmp5, $4  }
0x18c: {  	v59 =	vmul.f32 v51, v43;
	v50 =	vsub.f32 v50, v34;
	v45 =	vadd.f32 v45, v55;
	v44 =	vmovc v55;
	v49 =	vld [tilespmem:s14+$0x4280]  }
0x18d: {  	v60 =	vsub.f32 v54, v35;
	[tilespmem:s26+$0xA000] =	vst v53;
	v53 =	vadd.f32 v56, v44;
	v56 =	vmul.f32 v52, v43;
	v51 =	vld [tilespmem:s14+$0x4300]  }
0x18e: {  	v54 =	vadd.f32 v59, v44;
	v55 =	vmul.f32 v50, v43;
	v52 =	vmul.f32 v57, v36;
	[tilespmem:s26+$0xA080] =	vst v45;
	v50 =	vld [tilespmem:s14+$0x4380]  }
0x18f: {  	s31 =	sadd.s32 $0x100, s31;
	v57 =	vmul.f32 v60, v43;
	[tilespmem:s26+$0xA100] =	vst v53;
	v56 =	vadd.f32 v56, v44;
	v45 =	vld [tilespmem:s2+$0x16600];
	v53 =	vmul.f32 v58, v38  }
0x190: {  	[tilespmem:s26+$0xA180] =	vst v54;
	v36 =	vadd.f32 v55, v44  }
0x191: {  	[tilespmem:s26+$0xA200] =	vst v56;
	v38 =	vadd.f32 v57, v44  }
0x192: {  	v54 =	vld [tilespmem:s2+$0x16900];
	v37 =	vmul.f32 v46, v37;
	s0 =	sor.u32 s28, s1;
	[tilespmem:s26+$0xA280] =	vst v36  }
0x193: {  	v47 =	vmul.f32 v47, v39;
	v48 =	vmul.f32 v48, v40;
	v28 =	vsub.f32 v52, v28;
	s0 =	sor.u32 $0x380, s0;
	[tilespmem:s26+$0xA300] =	vst v38  }
0x194: {  	v49 =	vmul.f32 v49, v41;
	v29 =	vsub.f32 v53, v29;
	v52 =	vmul.f32 v51, v42;
	v53 =	vld [tilespmem:s0+$0x4000]  }
0x195: {  	v30 =	vsub.f32 v37, v30;
	v32 =	vsub.f32 v47, v32;
	v28 =	vmul.f32 v28, v45  }
0x196: {  	v33 =	vsub.f32 v48, v33;
	v55 =	vmul.f32 v50, v31;
	v29 =	vmul.f32 v29, v45  }
0x197: {  	v34 =	vsub.f32 v49, v34;
	v30 =	vmul.f32 v30, v45;
	v28 =	vadd.f32 v28, v54  }
0x198: {  	v35 =	vsub.f32 v52, v35;
	v32 =	vmul.f32 v32, v45;
	v29 =	vadd.f32 v29, v54  }
0x199: {  	v33 =	vmul.f32 v33, v45;
	v56 =	vadd.f32 v30, v54;
	[tilespmem:s14+$0xA000] =	vst v28;
	v57 =	vmul.f32 v53, v31  }
0x19a: {  	v58 =	vsub.f32 v55, v27;
	v34 =	vmul.f32 v34, v45;
	v59 =	vadd.f32 v32, v54;
	[tilespmem:s14+$0xA080] =	vst v29  }
0x19b: {  	v60 =	vmul.f32 v35, v45;
	v33 =	vadd.f32 v33, v54;
	[tilespmem:s14+$0xA100] =	vst v56;
	v27 =	vsub.f32 v57, v27  }
0x19c: {  	v61 =	vmul.f32 v58, v45;
	v62 =	vadd.f32 v34, v54;
	[tilespmem:s14+$0xA180] =	vst v59  }
.Ltmp6:
0x19d: {  	v63 =	vadd.f32 v60, v54;
	[tilespmem:s14+$0xA200] =	vst v33;
	v27 =	vmul.f32 v27, v43;
	(pc) =	sbr.rel @p1 .LBB2_9-.Ltmp6, $4  }
0x19e: {  	v28 =	vadd.f32 v61, v54;
	[tilespmem:s14+$0xA280] =	vst v62  }
0x19f: {  	[tilespmem:s14+$0xA300] =	vst v63;
	v27 =	vadd.f32 v27, v44  }
0x1a0: {  	[tilespmem:s14+$0xA380] =	vst v28  }
0x1a1: {  	s1 =	simm.s32 $0x1;
	p2 =	por $0x0, $0x0;
	[tilespmem:s0+$0xA000] =	vst v27  }
0x1a2: {  	s8 =	sshll.u32 s29, $0xA  }
0x1a3: {  	s0 =	sor.u32 s17, s8  }
0x1a4: {  	s0 =	sshrl.u32 s0, $0x3  }
0x1a5: {  	s0 =	smul.u32 $0x300, s0;
	_ =	sdelay $0x1  }
0x1a6: {  	s1 =	simm.s32 $0xA000;
	p1 =	seq.s32 s29, $0x1F;
	s0 =	sadd.s32 s12, s0  }
0x1a7: {  	[hbm4b:s0+s13] =	stream.linear.scatter [tilespmem:s1], [sflag:$0x3], $0x3000, $0x38;
	[tilespmem:$0x16F00] =	vst v63  }
0x1a8: {  	s0 =	sshrl.u32 @!p1 s8, $0x2  }
0x1a9: {  	v27 =	vld @!p1 [tilespmem:s0+$0x100];
	_ =	sdelay $0x4  }
0x1aa: {  	v28 =	vshrl.u32 @!p1 v27, $0x3  }
0x1ab: {  	v28 =	vmul.u32 @!p1 $0x30, v28  }
0x1ac: {  	v29 =	vlaneseq.u32 @!p1;
	v27 =	vand.u32 @!p1 $0x7, v27  }
0x1ad: {  	v30 =	vshrl.u32 @!p1 v29, $0x3;
	v27 =	vor.u32 @!p1 v27, v28;
	v28 =	vand.u32 @!p1 $0x7, v29  }
0x1ae: {  	v30 =	vmul.u32 @!p1 $0x8, v30;
	v28 =	vperm.xlane @!p1 v27, v28;
	_ =	sdelay $0x1  }
0x1af: {  	v28 =	vadd.s32 @!p1 v30, v28;
	_ =	sdelay $0x2  }
0x1b0: {  	v29 =	vor.u32 @!p1 $0x8, v29  }
0x1b1: {  	vm1 =	vmmov @!p1 $0xffff;
	s1 =	simm.s32 @!p1 $0x4000;
	s0 =	simm.s32 @!p1 $0x0;
	v27 =	vperm.xlane @!p1 v27, v29  }
0x1b2: {  	[tilespmem:s1], [sflag:$0x1] =	stream.indirect_vreg.gather @!p1 [hbm4b:s10+s0], $0x80, v28, vm1, $0xb8;
	[tilespmem:$0x16F00] =	vst v63  }
0x1b3: {  	v27 =	vadd.s32 @!p1 v30, v27;
	s1 =	simm.s32 @!p1 $0x4800  }
0x1b4: {  	[tilespmem:s1], [sflag:$0x1] =	stream.indirect_vreg.gather @!p1 [hbm4b:s22+s0], $0x80, v28, vm1, $0xb8;
	[tilespmem:$0x16F00] =	vst v63  }
0x1b5: {  	s1 =	simm.s32 @!p1 $0x5000  }
0x1b6: {  	[tilespmem:s1], [sflag:$0x1] =	stream.indirect_vreg.gather @!p1 [hbm4b:s23+s0], $0x80, v28, vm1, $0xb8;
	[tilespmem:$0x16F00] =	vst v63  }
0x1b7: {  	s1 =	simm.s32 @!p1 $0x5800  }
0x1b8: {  	[tilespmem:s1], [sflag:$0x1] =	stream.indirect_vreg.gather @!p1 [hbm4b:s10+s0], $0x80, v27, vm1, $0xb8;
	[tilespmem:$0x16F00] =	vst v63  }
0x1b9: {  	s1 =	simm.s32 @!p1 $0x6000  }
0x1ba: {  	[tilespmem:s1], [sflag:$0x1] =	stream.indirect_vreg.gather @!p1 [hbm4b:s22+s0], $0x80, v27, vm1, $0xb8;
	[tilespmem:$0x16F00] =	vst v63  }
0x1bb: {  	s30 =	simm.s32 $0x2;
	s1 =	simm.s32 @!p1 $0x6800  }
0x1bc: {  	[tilespmem:s1], [sflag:$0x1] =	stream.indirect_vreg.gather @!p1 [hbm4b:s23+s0], $0x80, v27, vm1, $0xb8;
	[tilespmem:$0x16F00] =	vst v63  }
0x1bd: {  	_ =	swait.ge [sflag:s30], $0x3000  }
0x1be: {  	[sflag:s30] =	ssyncset.done $0x0  }
0x1bf: {  	s0 =	simm.s32 @!p0 $0x4;
	[sflag:s30] =	ssyncadd.s32 $0xFFFFD000  }
0x1c0: {  	s9 =	sor.u32 $0x1, s9;
	_ =	swait.ge @!p0 [sflag:s0], $0x3000  }
0x1c1: {  	s14 =	simm.s32 $0x0;
	s31 =	sshll.u32 s9, $0x7;
	[sflag:s0] =	ssyncset.done @!p0 $0x0  }
0x1c2: {  	s25 =	simm.s32 $0x0;
	s26 =	simm.s32 $0x0;
	v27 =	vmov s31;
	[sflag:s0] =	ssyncadd.s32 @!p0 $0xFFFFD000  }
.LBB2_13:
0x1c3: {  	v28 =	vmov s26  }
0x1c4: {  	v28 =	vand.u32 $0x7F, v28  }
0x1c5: {  	v28 =	vadd.s32 v27, v28  }
0x1c6: {  	v28 =	vbroadcast v28, $0x0;
	_ =	sdelay $0x5  }
0x1c7: {  	v28 =	vld.idx.msk [tilespmem:v28+s16+$0x0], $0xffff;
	_ =	sdelay $0x4  }
0x1c8: {  	v30 =	vmov s14;
	v29 =	vshrl.u32 v28, $0x3  }
0x1c9: {  	v30 =	vshrl.u32 v30, $0x7;
	v28 =	vshll.u32 v28, $0x7;
	v29 =	vmul.u32 $0x1800, v29  }
0x1ca: {  	s0 =	sshrl.u32 s26, $0x3;
	v30 =	vshll.u32 v30, $0xA;
	v28 =	vand.u32 $0x380, v28  }
0x1cb: {  	s1 =	sand.u32 $0x7, s25;
	s0 =	smul.u32 $0x6000, s0;
	v37 =	vbroadcast v30, $0x0;
	v31 =	vor.u32 v28, v29  }
0x1cc: {  	s1 =	sshll.u32 s1, $0x9;
	v28 =	vor.u32 v0, v31  }
0x1cd: {  	s0 =	sor.u32 s1, s0;
	v30 =	vadd.s32 v28, v37  }
0x1ce: {  	s0 =	sshra.s32 s0, $0x2;
	v29 =	vor.u32 v4, v31  }
0x1cf: {  	s11 =	sadd.s32 $0x7040, s0;
	v34 =	vor.u32 v5, v31;
	v32 =	vadd.s32 v29, v37  }
0x1d0: {  	v40 =	vld [tilespmem:s11+$0xFFFFFFC0];
	v33 =	vadd.s32 v34, v37  }
0x1d1: {  	v43 =	vld [tilespmem:s11+$0xFFFFFFD0];
	v36 =	vor.u32 v6, v31  }
0x1d2: {  	v39 =	vadd.s32 v36, v37;
	v38 =	vld.idx.msk [tilespmem:v30+s20+$0x0], $0xffff  }
0x1d3: {  	v46 =	vld [tilespmem:s11+$0xFFFFFFE0];
	v35 =	vor.u32 v7, v31  }
0x1d4: {  	s31 =	simm.s32 $0x80;
	v42 =	vadd.s32 v35, v37;
	v41 =	vld.idx.msk [tilespmem:v32+s20+$0x0], $0xffff  }
0x1d5: {  	v57 =	vmov s31;
	v32 =	vor.u32 v9, v31;
	v44 =	vld.idx.msk [tilespmem:v33+s20+$0x0], $0xffff  }
0x1d6: {  	v47 =	vld [tilespmem:s11+$0xFFFFFFF0];
	v30 =	vor.u32 v10, v31;
	v33 =	vshrl.u32 v57, $0x7;
	v45 =	vadd.s32 v32, v37  }
0x1d7: {  	v39 =	vld.idx.msk [tilespmem:v39+s20+$0x0], $0xffff;
	v33 =	vshll.u32 v33, $0xA;
	v58 =	vadd.s32 v30, v37;
	v38 =	vadd.f32 v40, v38  }
0x1d8: {  	v48 =	vld [tilespmem:s11+$0x0];
	v31 =	vor.u32 v11, v31;
	v33 =	vbroadcast v33, $0x0  }
0x1d9: {  	v42 =	vld.idx.msk [tilespmem:v42+s20+$0x0], $0xffff;
	v37 =	vadd.s32 v31, v37;
	v41 =	vadd.f32 v43, v41;
	v59 =	vmul.f32 v38, v38  }
0x1da: {  	v49 =	vimm.f32 $0.0e+00;
	v62 =	vld [tilespmem:s11+$0x10];
	v50 =	vadd.s32 v28, v33;
	v46 =	vadd.f32 v46, v44  }
0x1db: {  	v51 =	vld.idx.msk [tilespmem:v45+s20+$0x0], $0xffff;
	v60 =	vadd.f32 v38, v49;
	v61 =	vmul.f32 v41, v41;
	v43 =	vadd.f32 v59, v49  }
0x1dc: {  	v52 =	vadd.f32 v47, v39;
	[tilespmem:s11+$0xFFFFFFC0] =	vst v38;
	v38 =	vld.idx.msk [tilespmem:v58+s20+$0x0], $0xffff;
	v53 =	vmul.f32 v46, v46  }
0x1dd: {  	v44 =	vld [tilespmem:s11+$0x20];
	[tilespmem:s11+$0xFFFFFFD0] =	vst v41;
	v41 =	vadd.f32 v41, v60;
	v45 =	vadd.f32 v61, v43;
	v43 =	vadd.s32 v29, v33  }
0x1de: {  	v39 =	vadd.s32 v34, v33;
	v47 =	vadd.f32 v48, v42;
	v40 =	vld.idx.msk [tilespmem:v37+s20+$0x0], $0xffff  }
0x1df: {  	[tilespmem:s11+$0xFFFFFFE0] =	vst v46;
	v54 =	vmul.f32 v52, v52;
	v63 =	vadd.f32 v46, v41;
	v53 =	vadd.f32 v53, v45;
	v45 =	vld [tilespmem:s11+$0x30]  }
0x1e0: {  	s15 =	sadd.s32 $0x400, s11;
	v42 =	vadd.s32 v36, v33;
	[tilespmem:s11+$0xFFFFFFF0] =	vst v52;
	v41 =	vld.idx.msk [tilespmem:v50+s20+$0x0], $0xffff;
	v37 =	vadd.f32 v62, v51  }
0x1e1: {  	s2 =	simm.s32 $0x100;
	s1 =	simm.s32 $0x8;
	[tilespmem:s11+$0x0] =	vst v47;
	v46 =	vld [tilespmem:s15+$0xFFFFFFC0];
	v50 =	vmul.f32 v47, v47;
	v49 =	vadd.f32 v52, v63;
	v48 =	vadd.f32 v54, v53  }
.LBB2_14:
0x1e2: {  	v51 =	vmov s2;
	v43 =	vld.idx.msk [tilespmem:v43+s20+$0x0], $0xffff;
	v52 =	vadd.s32 v35, v33;
	[tilespmem:s11+$0x10] =	vst v37;
	v38 =	vadd.f32 v44, v38  }
0x1e3: {  	v44 =	vld [tilespmem:s15+$0xFFFFFFD0];
	v47 =	vadd.f32 v47, v49;
	v48 =	vadd.f32 v50, v48;
	v49 =	vmul.f32 v37, v37  }
0x1e4: {  	v50 =	vshrl.u32 v51, $0x7;
	v51 =	vadd.s32 v32, v33;
	v39 =	vld.idx.msk [tilespmem:v39+s20+$0x0], $0xffff;
	[tilespmem:s11+$0x20] =	vst v38;
	v40 =	vadd.f32 v45, v40  }
0x1e5: {  	v45 =	vld [tilespmem:s15+$0xFFFFFFE0];
	v37 =	vadd.f32 v37, v47;
	v47 =	vadd.f32 v49, v48;
	v48 =	vmul.f32 v38, v38  }
0x1e6: {  	v49 =	vshll.u32 v50, $0xA;
	v41 =	vadd.f32 v46, v41;
	v42 =	vld.idx.msk [tilespmem:v42+s20+$0x0], $0xffff;
	v46 =	vadd.s32 v30, v33;
	[tilespmem:s11+$0x30] =	vst v40;
	s11 =	smov.u32 s15  }
0x1e7: {  	s1 =	sadd.s32 $0x8, s1;
	v50 =	vld [tilespmem:s15+$0xFFFFFFF0];
	v37 =	vadd.f32 v38, v37;
	v38 =	vadd.f32 v48, v47;
	v47 =	vmul.f32 v40, v40  }
0x1e8: {  	p0 =	slt.u32 s1, $0x28;
	[tilespmem:s15+$0xFFFFFFC0] =	vst v41;
	v44 =	vadd.f32 v44, v43;
	v48 =	vld.idx.msk [tilespmem:v52+s20+$0x0], $0xffff;
	v52 =	vadd.s32 v31, v33;
	v33 =	vbroadcast v49, $0x0  }
0x1e9: {  	v43 =	vmul.f32 v41, v41;
	v49 =	vld [tilespmem:s15+$0x0];
	v37 =	vadd.f32 v40, v37;
	v38 =	vadd.f32 v47, v38  }
0x1ea: {  	v53 =	vadd.s32 v28, v33;
	[tilespmem:s15+$0xFFFFFFD0] =	vst v44;
	v45 =	vadd.f32 v45, v39;
	v51 =	vld.idx.msk [tilespmem:v51+s20+$0x0], $0xffff  }
0x1eb: {  	v40 =	vmul.f32 v44, v44;
	v37 =	vadd.f32 v41, v37;
	v39 =	vadd.f32 v43, v38;
	v54 =	vld [tilespmem:s15+$0x10]  }
0x1ec: {  	v43 =	vadd.s32 v29, v33;
	[tilespmem:s15+$0xFFFFFFE0] =	vst v45;
	v50 =	vadd.f32 v50, v42;
	v38 =	vld.idx.msk [tilespmem:v46+s20+$0x0], $0xffff  }
.Ltmp7:
0x1ed: {  	v42 =	vmul.f32 v45, v45;
	v37 =	vadd.f32 v44, v37;
	v41 =	vadd.f32 v40, v39;
	v44 =	vld [tilespmem:s15+$0x20];
	(pc) =	sbr.rel @p0 .LBB2_14-.Ltmp7, $4  }
0x1ee: {  	v39 =	vadd.s32 v34, v33;
	[tilespmem:s15+$0xFFFFFFF0] =	vst v50;
	v47 =	vadd.f32 v49, v48;
	v40 =	vld.idx.msk [tilespmem:v52+s20+$0x0], $0xffff  }
0x1ef: {  	v55 =	vmul.f32 v50, v50;
	v48 =	vadd.f32 v45, v37;
	v52 =	vadd.f32 v42, v41;
	v45 =	vld [tilespmem:s15+$0x30]  }
0x1f0: {  	v42 =	vadd.s32 v36, v33;
	s15 =	sadd.s32 $0x400, s15;
	v41 =	vld.idx.msk [tilespmem:v53+s20+$0x0], $0xffff;
	[tilespmem:s11+$0x0] =	vst v47;
	v37 =	vadd.f32 v54, v51  }
0x1f1: {  	s2 =	sadd.s32 $0x80, s2;
	v46 =	vld [tilespmem:s15+$0xFFFFFFC0];
	v49 =	vadd.f32 v50, v48;
	v48 =	vadd.f32 v55, v52;
	v50 =	vmul.f32 v47, v47  }
0x1f2: {  	_ =	sdelay $0x2  }
0x1f3: {  	v28 =	vadd.f32 v47, v49  }
0x1f4: {  	v29 =	vld.idx.msk [tilespmem:v43+s20+$0x0], $0xffff;
	v34 =	vadd.f32 v44, v38;
	v59 =	vmul.f32 v37, v37;
	v36 =	vadd.f32 v50, v48  }
0x1f5: {  	v35 =	vadd.s32 v35, v33;
	v60 =	vld [tilespmem:s15+$0xFFFFFFD0];
	v28 =	vadd.f32 v37, v28  }
0x1f6: {  	v39 =	vld.idx.msk [tilespmem:v39+s20+$0x0], $0xffff;
	v40 =	vadd.f32 v45, v40;
	v61 =	vmul.f32 v34, v34;
	v36 =	vadd.f32 v59, v36  }
0x1f7: {  	v32 =	vadd.s32 v32, v33;
	v62 =	vld [tilespmem:s15+$0xFFFFFFE0];
	v28 =	vadd.f32 v34, v28  }
0x1f8: {  	v42 =	vld.idx.msk [tilespmem:v42+s20+$0x0], $0xffff;
	v41 =	vadd.f32 v46, v41;
	v63 =	vmul.f32 v40, v40;
	v36 =	vadd.f32 v61, v36  }
0x1f9: {  	v30 =	vadd.s32 v30, v33;
	v48 =	vld [tilespmem:s15+$0xFFFFFFF0];
	v28 =	vadd.f32 v40, v28  }
0x1fa: {  	v50 =	vld [tilespmem:s15+$0x0];
	v29 =	vadd.f32 v60, v29;
	v49 =	vmul.f32 v41, v41;
	v36 =	vadd.f32 v63, v36  }
0x1fb: {  	v31 =	vadd.s32 v31, v33;
	v35 =	vld.idx.msk [tilespmem:v35+s20+$0x0], $0xffff;
	v28 =	vadd.f32 v41, v28  }
0x1fc: {  	v53 =	vld [tilespmem:s15+$0x10];
	v51 =	vadd.f32 v62, v39;
	v52 =	vmul.f32 v29, v29;
	v36 =	vadd.f32 v49, v36  }
0x1fd: {  	v32 =	vld.idx.msk [tilespmem:v32+s20+$0x0], $0xffff;
	v28 =	vadd.f32 v29, v28  }
0x1fe: {  	v55 =	vld [tilespmem:s15+$0x20];
	v42 =	vadd.f32 v48, v42;
	v54 =	vmul.f32 v51, v51;
	v36 =	vadd.f32 v52, v36  }
0x1ff: {  	v30 =	vld.idx.msk [tilespmem:v30+s20+$0x0], $0xffff;
	v28 =	vadd.f32 v51, v28  }
0x200: {  	[tilespmem:s11+$0x10] =	vst v37;
	v58 =	vld [tilespmem:s15+$0x30];
	v57 =	vmul.f32 v42, v42;
	v33 =	vadd.f32 v50, v35;
	v56 =	vadd.f32 v54, v36  }
0x201: {  	[tilespmem:s11+$0x20] =	vst v34;
	v31 =	vld.idx.msk [tilespmem:v31+s20+$0x0], $0xffff;
	v28 =	vadd.f32 v42, v28  }
0x202: {  	[tilespmem:s11+$0x30] =	vst v40;
	v32 =	vadd.f32 v53, v32;
	v59 =	vmul.f32 v33, v33;
	v35 =	vadd.f32 v57, v56  }
0x203: {  	[tilespmem:s15+$0xFFFFFFC0] =	vst v41;
	v28 =	vadd.f32 v33, v28  }
0x204: {  	[tilespmem:s15+$0xFFFFFFD0] =	vst v29;
	v29 =	vadd.f32 v55, v30;
	v61 =	vmul.f32 v32, v32;
	v60 =	vadd.f32 v59, v35  }
0x205: {  	[tilespmem:s15+$0xFFFFFFE0] =	vst v51;
	v28 =	vadd.f32 v32, v28  }
0x206: {  	s0 =	sshll.u32 s26, $0x4;
	s26 =	sadd.s32 $0x1, s26;
	[tilespmem:s15+$0xFFFFFFF0] =	vst v42;
	v31 =	vadd.f32 v58, v31;
	v62 =	vmul.f32 v29, v29;
	v30 =	vadd.f32 v61, v60  }
0x207: {  	p0 =	sne.s32 s26, $0x10;
	[tilespmem:s15+$0x0] =	vst v33;
	v28 =	vadd.f32 v29, v28  }
.Ltmp8:
0x208: {  	[tilespmem:s15+$0x10] =	vst v32;
	v63 =	vmul.f32 v31, v31;
	v30 =	vadd.f32 v62, v30;
	(pc) =	sbr.rel @p0 .LBB2_13-.Ltmp8, $4  }
0x209: {  	[tilespmem:s15+$0x30] =	vst v31;
	v28 =	vadd.f32 v31, v28  }
0x20a: {  	[tilespmem:s15+$0x20] =	vst v29;
	v29 =	vadd.f32 v63, v30  }
0x20b: {  	[tilespmem:s0+$0x16C00] =	vst v28  }
0x20c: {  	s25 =	sadd.s32 $0x1, s25;
	[tilespmem:s0+$0x16D00] =	vst v29  }
0x20d: {  	_ =	sdelay $0x2  }
0x20e: {  	s0 =	simm.s32 $0x16C00  }
0x20f: {  	s1 =	simm.s32 $0x16D00;
	v27 =	vld.idx.msk [tilespmem:v8+s0+$0x0], $0xffff  }
0x210: {  	v28 =	vld.idx.msk [tilespmem:v8+s1+$0x0], $0xffff  }
0x211: {  	v29 =	vld.idx.msk [tilespmem:v12+s0+$0x0], $0xffff  }
0x212: {  	v30 =	vld.idx.msk [tilespmem:v12+s1+$0x0], $0xffff  }
0x213: {  	v31 =	vld.idx.msk [tilespmem:v13+s0+$0x0], $0xffff  }
0x214: {  	v32 =	vld.idx.msk [tilespmem:v13+s1+$0x0], $0xffff;
	v27 =	vadd.f32 $0.0e+00, v27  }
0x215: {  	v33 =	vld.idx.msk [tilespmem:v14+s0+$0x0], $0xffff  }
0x216: {  	v37 =	vld.idx.msk [tilespmem:v14+s1+$0x0], $0xffff;
	v28 =	vadd.f32 $0.0e+00, v28;
	v27 =	vadd.f32 v29, v27  }
0x217: {  	v34 =	vld.idx.msk [tilespmem:v15+s0+$0x0], $0xffff  }
0x218: {  	v38 =	vld.idx.msk [tilespmem:v15+s1+$0x0], $0xffff;
	v28 =	vadd.f32 v30, v28;
	v27 =	vadd.f32 v31, v27  }
0x219: {  	v39 =	vld.idx.msk [tilespmem:v16+s0+$0x0], $0xffff  }
0x21a: {  	v40 =	vld.idx.msk [tilespmem:v16+s1+$0x0], $0xffff;
	v28 =	vadd.f32 v32, v28;
	v27 =	vadd.f32 v33, v27  }
0x21b: {  	v41 =	vld.idx.msk [tilespmem:v17+s0+$0x0], $0xffff  }
0x21c: {  	v42 =	vld.idx.msk [tilespmem:v17+s1+$0x0], $0xffff;
	v28 =	vadd.f32 v37, v28;
	v27 =	vadd.f32 v34, v27  }
0x21d: {  	v43 =	vld.idx.msk [tilespmem:v18+s0+$0x0], $0xffff  }
0x21e: {  	v44 =	vld.idx.msk [tilespmem:v18+s1+$0x0], $0xffff;
	v28 =	vadd.f32 v38, v28;
	v27 =	vadd.f32 v39, v27  }
0x21f: {  	v45 =	vld.idx.msk [tilespmem:v19+s0+$0x0], $0xffff  }
0x220: {  	v46 =	vld.idx.msk [tilespmem:v19+s1+$0x0], $0xffff;
	v28 =	vadd.f32 v40, v28;
	v27 =	vadd.f32 v41, v27  }
0x221: {  	v47 =	vld.idx.msk [tilespmem:v20+s0+$0x0], $0xffff  }
0x222: {  	v48 =	vld.idx.msk [tilespmem:v20+s1+$0x0], $0xffff;
	v28 =	vadd.f32 v42, v28;
	v27 =	vadd.f32 v43, v27  }
0x223: {  	v49 =	vld.idx.msk [tilespmem:v21+s0+$0x0], $0xffff  }
0x224: {  	v50 =	vld.idx.msk [tilespmem:v21+s1+$0x0], $0xffff;
	v28 =	vadd.f32 v44, v28;
	v27 =	vadd.f32 v45, v27  }
0x225: {  	v51 =	vld.idx.msk [tilespmem:v22+s0+$0x0], $0xffff  }
0x226: {  	v52 =	vld.idx.msk [tilespmem:v22+s1+$0x0], $0xffff;
	v28 =	vadd.f32 v46, v28;
	v27 =	vadd.f32 v47, v27  }
0x227: {  	v53 =	vld.idx.msk [tilespmem:v23+s0+$0x0], $0xffff  }
0x228: {  	v54 =	vld.idx.msk [tilespmem:v23+s1+$0x0], $0xffff;
	v28 =	vadd.f32 v48, v28;
	v27 =	vadd.f32 v49, v27  }
0x229: {  	v55 =	vld.idx.msk [tilespmem:v24+s0+$0x0], $0xffff  }
0x22a: {  	v56 =	vld.idx.msk [tilespmem:v24+s1+$0x0], $0xffff;
	v28 =	vadd.f32 v50, v28;
	v27 =	vadd.f32 v51, v27  }
0x22b: {  	v57 =	vld.idx.msk [tilespmem:v25+s0+$0x0], $0xffff  }
0x22c: {  	v58 =	vld.idx.msk [tilespmem:v25+s1+$0x0], $0xffff;
	v28 =	vadd.f32 v52, v28;
	v27 =	vadd.f32 v53, v27  }
0x22d: {  	v59 =	vld.idx.msk [tilespmem:v26+s0+$0x0], $0xffff  }
0x22e: {  	v28 =	vadd.f32 v54, v28;
	v27 =	vadd.f32 v55, v27  }
0x22f: {  	v60 =	vld.idx.msk [tilespmem:v26+s1+$0x0], $0xffff  }
0x230: {  	v28 =	vadd.f32 v56, v28;
	v27 =	vadd.f32 v57, v27;
	_ =	sdelay $0x1  }
0x231: {  	v28 =	vadd.f32 v58, v28;
	v27 =	vadd.f32 v59, v27;
	_ =	sdelay $0x1  }
0x232: {  	v28 =	vadd.f32 v60, v28;
	v27 =	vmul.f32 $1.302083370e-03, v27;
	_ =	sdelay $0x1  }
0x233: {  	v28 =	vmul.f32 $1.302083370e-03, v28;
	v61 =	vmul.f32 v27, v27;
	_ =	sdelay $0x1  }
0x234: {  	v28 =	vsub.f32 v28, v61;
	_ =	sdelay $0x1  }
0x235: {  	v28 =	vadd.f32 $9.999999960e-13, v28;
	_ =	sdelay $0x1  }
0x236: {  	v62 =	vshrl.u32 v28, $0x1;
	v28 =	vmul.f32 $5.000000000e-01, v28  }
0x237: {  	v29 =	vsub.s32 $0x5F3759DF, v62  }
0x238: {  	v63 =	vmul.f32 v29, v28;
	_ =	sdelay $0x1  }
0x239: {  	v30 =	vmul.f32 v29, v63;
	_ =	sdelay $0x1  }
0x23a: {  	v30 =	vsub.f32 $1.500000000e+00, v30;
	_ =	sdelay $0x1  }
0x23b: {  	v29 =	vmul.f32 v29, v30;
	_ =	sdelay $0x1  }
0x23c: {  	v30 =	vmul.f32 v29, v28;
	_ =	sdelay $0x1  }
0x23d: {  	v30 =	vmul.f32 v30, v29;
	_ =	sdelay $0x1  }
0x23e: {  	v30 =	vsub.f32 $1.500000000e+00, v30;
	_ =	sdelay $0x1  }
0x23f: {  	v29 =	vmul.f32 v30, v29;
	_ =	sdelay $0x1  }
0x240: {  	v28 =	vmul.f32 v29, v28;
	_ =	sdelay $0x1  }
0x241: {  	v28 =	vmul.f32 v28, v29;
	_ =	sdelay $0x1  }
0x242: {  	v28 =	vsub.f32 $1.500000000e+00, v28;
	_ =	sdelay $0x1  }
0x243: {  	v28 =	vmul.f32 v28, v29;
	_ =	sdelay $0x1  }
0x244: {  	v27 =	vmul.f32 v28, v27  }
0x245: {  	[tilespmem:$0x16E00] =	vst v28  }
0x246: {  	s14 =	simm.s32 $0x0;
	p2 =	por $0x1, $0x1;
	s1 =	simm.s32 $0x0;
	[tilespmem:$0x16E80] =	vst v27  }
.LBB2_17:
0x247: {  	s0 =	sshll.u32 s1, $0x3  }
0x248: {  	v27 =	vmov s0  }
0x249: {  	s2 =	sor.u32 $0x1, s0;
	v27 =	vbroadcast v27, $0x0  }
0x24a: {  	v28 =	vmov s2  }
0x24b: {  	s3 =	sor.u32 $0x5, s0;
	v29 =	vbroadcast v28, $0x0  }
0x24c: {  	s28 =	simm.s32 $0x16600;
	s21 =	sor.u32 $0x2, s0;
	v32 =	vmov s3  }
0x24d: {  	s25 =	sor.u32 $0x3, s0;
	s26 =	sor.u32 $0x4, s0;
	s0 =	sor.u32 $0x6, s0;
	v34 =	vbroadcast v32, $0x0  }
0x24e: {  	v43 =	vld [tilespmem:s28+$0x0];
	v63 =	vmov s0;
	v28 =	vmov s21  }
0x24f: {  	v35 =	vbroadcast v63, $0x0;
	v30 =	vbroadcast v28, $0x0;
	v28 =	vmov s25;
	v36 =	vld.idx.msk [tilespmem:v27+s18+$0x0], $0xffff  }
0x250: {  	v31 =	vbroadcast v28, $0x0;
	v28 =	vld.idx.msk [tilespmem:v27+s19+$0x0], $0xffff  }
0x251: {  	v38 =	vld.idx.msk [tilespmem:v29+s18+$0x0], $0xffff  }
0x252: {  	v29 =	vld.idx.msk [tilespmem:v29+s19+$0x0], $0xffff  }
0x253: {  	v41 =	vld.idx.msk [tilespmem:v34+s18+$0x0], $0xffff  }
0x254: {  	v34 =	vld.idx.msk [tilespmem:v34+s19+$0x0], $0xffff  }
0x255: {  	v42 =	vld.idx.msk [tilespmem:v35+s18+$0x0], $0xffff  }
0x256: {  	v35 =	vld.idx.msk [tilespmem:v35+s19+$0x0], $0xffff  }
0x257: {  	v27 =	vmov s26;
	s26 =	smul.u32 $0x1800, s1;
	v37 =	vld.idx.msk [tilespmem:v30+s18+$0x0], $0xffff  }
0x258: {  	s5 =	sand.u32 $0x1C00, s14;
	v30 =	vld.idx.msk [tilespmem:v30+s19+$0x0], $0xffff  }
0x259: {  	s6 =	sand.u32 $0x60, s14;
	s15 =	sadd.s32 s26, s5;
	v39 =	vld.idx.msk [tilespmem:v31+s18+$0x0], $0xffff  }
0x25a: {  	v32 =	vld.idx.msk [tilespmem:v31+s19+$0x0], $0xffff;
	s11 =	sor.u32 s6, s15  }
0x25b: {  	v44 =	vld [tilespmem:s11+$0x7000]  }
0x25c: {  	v45 =	vld [tilespmem:s11+$0x7080]  }
0x25d: {  	v46 =	vld [tilespmem:s11+$0x7100]  }
0x25e: {  	v27 =	vbroadcast v27, $0x0;
	v47 =	vld [tilespmem:s11+$0x7180]  }
0x25f: {  	v48 =	vld [tilespmem:s11+$0x7200]  }
0x260: {  	s7 =	sor.u32 $0x10, s6;
	v49 =	vld [tilespmem:s11+$0x7280]  }
0x261: {  	s25 =	sor.u32 s7, s15;
	v51 =	vld [tilespmem:s11+$0x7300]  }
0x262: {  	v52 =	vld [tilespmem:s25+$0x7000]  }
0x263: {  	v53 =	vld [tilespmem:s25+$0x7080]  }
0x264: {  	v40 =	vld.idx.msk [tilespmem:v27+s18+$0x0], $0xffff  }
0x265: {  	s4 =	sshllo.u32 s1, $0x3;
	s30 =	simm.s32 $0x16900;
	v33 =	vld.idx.msk [tilespmem:v27+s19+$0x0], $0xffff;
	v50 =	vmul.f32 v44, v36;
	v46 =	vmul.f32 v46, v37  }
0x266: {  	v27 =	vmov s4;
	v44 =	vld [tilespmem:s30+$0x0];
	v45 =	vmul.f32 v45, v38;
	v47 =	vmul.f32 v47, v39  }
0x267: {  	v49 =	vmul.f32 v49, v41;
	v50 =	vsub.f32 v50, v28;
	v54 =	vsub.f32 v46, v30;
	v46 =	vld [tilespmem:s25+$0x7100]  }
0x268: {  	v51 =	vmul.f32 v51, v42;
	v45 =	vsub.f32 v45, v29;
	v55 =	vsub.f32 v47, v32;
	v47 =	vld [tilespmem:s25+$0x7180]  }
0x269: {  	v57 =	vsub.f32 v49, v34;
	v49 =	vld [tilespmem:s25+$0x7280];
	v48 =	vmul.f32 v48, v40;
	v50 =	vmul.f32 v50, v43  }
0x26a: {  	v59 =	vsub.f32 v51, v35;
	v51 =	vld [tilespmem:s25+$0x7300];
	v45 =	vmul.f32 v45, v43  }
0x26b: {  	v31 =	vld.idx.msk [tilespmem:v27+s18+$0x0], $0xffff;
	v54 =	vmul.f32 v54, v43;
	v56 =	vsub.f32 v48, v33;
	v50 =	vadd.f32 v50, v44  }
0x26c: {  	v55 =	vmul.f32 v55, v43;
	v48 =	vld [tilespmem:s25+$0x7200];
	v45 =	vadd.f32 v45, v44  }
0x26d: {  	s21 =	sand.u32 $0x380, s14;
	v27 =	vld.idx.msk [tilespmem:v27+s19+$0x0], $0xffff;
	v58 =	vadd.f32 v54, v44;
	v56 =	vmul.f32 v56, v43;
	[tilespmem:s11+$0xD000] =	vst v50  }
0x26e: {  	s31 =	simm.s32 $0x0;
	p0 =	por p2, p2;
	s1 =	sor.u32 s21, s7;
	v52 =	vmul.f32 v52, v36;
	v54 =	vadd.f32 v55, v44;
	v55 =	vmul.f32 v57, v43;
	[tilespmem:s11+$0xD080] =	vst v45;
	v50 =	vld [tilespmem:s25+$0x7380]  }
0x26f: {  	s2 =	simm.s32 $0x0;
	s3 =	simm.s32 $0x0;
	s4 =	simm.s32 $0x100;
	v53 =	vmul.f32 v53, v38;
	v57 =	vmul.f32 v59, v43;
	[tilespmem:s11+$0xD100] =	vst v58;
	v45 =	vld [tilespmem:s1+$0x16600];
	v56 =	vadd.f32 v56, v44  }
.LBB2_18:
0x270: {  	s0 =	sand.u32 $0x1C00, s4;
	[tilespmem:s11+$0xD180] =	vst v54;
	v54 =	vadd.f32 v55, v44;
	v55 =	vld [tilespmem:s1+$0x16900];
	v46 =	vmul.f32 v46, v37;
	v47 =	vmul.f32 v47, v39;
	s2 =	sadd.s32 $0x20, s2  }
0x271: {  	v48 =	vmul.f32 v48, v40;
	s1 =	sand.u32 $0x60, s2;
	s0 =	sadd.s32 s26, s0;
	s5 =	sand.u32 $0x380, s2;
	[tilespmem:s11+$0xD200] =	vst v56;
	v56 =	vadd.f32 v57, v44;
	v49 =	vmul.f32 v49, v41  }
0x272: {  	s3 =	sor.u32 s15, s3;
	v52 =	vsub.f32 v52, v28;
	v53 =	vsub.f32 v53, v29;
	s7 =	sor.u32 s1, s0;
	s6 =	sor.u32 $0x10, s1;
	[tilespmem:s11+$0xD280] =	vst v54;
	v51 =	vmul.f32 v51, v42  }
0x273: {  	v46 =	vsub.f32 v46, v30;
	v47 =	vsub.f32 v47, v32;
	v54 =	vld [tilespmem:s7+$0x7000];
	s1 =	sor.u32 s5, s6;
	s21 =	sor.u32 s6, s0;
	[tilespmem:s11+$0xD300] =	vst v56;
	s6 =	sor.u32 $0x380, s3;
	v50 =	vmul.f32 v50, v31  }
0x274: {  	v48 =	vsub.f32 v48, v33;
	s15 =	smov.u32 s0;
	v49 =	vsub.f32 v49, v34;
	s3 =	smov.u32 s2;
	s11 =	smov.u32 s7;
	v56 =	vld [tilespmem:s6+$0x7000];
	v52 =	vmul.f32 v52, v45  }
0x275: {  	v53 =	vmul.f32 v53, v45;
	v51 =	vsub.f32 v51, v35;
	v57 =	vld [tilespmem:s11+$0x7080];
	v50 =	vsub.f32 v50, v27  }
0x276: {  	v46 =	vmul.f32 v46, v45;
	v47 =	vmul.f32 v47, v45;
	v58 =	vld [tilespmem:s11+$0x7100];
	v52 =	vadd.f32 v52, v55  }
0x277: {  	v48 =	vmul.f32 v48, v45;
	v49 =	vmul.f32 v49, v45;
	v53 =	vadd.f32 v53, v55;
	v59 =	vld [tilespmem:s11+$0x7180]  }
0x278: {  	v46 =	vadd.f32 v46, v55;
	v51 =	vmul.f32 v51, v45;
	v45 =	vmul.f32 v50, v45;
	v60 =	vld [tilespmem:s11+$0x7200];
	[tilespmem:s25+$0xD000] =	vst v52  }
0x279: {  	s31 =	sadd.s32 $0x2, s31;
	s28 =	sadd.s32 $0x20, s28;
	v47 =	vadd.f32 v47, v55;
	v48 =	vadd.f32 v48, v55;
	v50 =	vld [tilespmem:s11+$0x7280];
	v52 =	vmul.f32 v56, v31;
	[tilespmem:s25+$0xD080] =	vst v53  }
0x27a: {  	p2 =	slt.u32 s31, $0x2E;
	v53 =	vld [tilespmem:s28+$0x0];
	[tilespmem:s25+$0xD100] =	vst v46;
	v46 =	vadd.f32 v49, v55;
	v49 =	vadd.f32 v51, v55  }
0x27b: {  	s30 =	sadd.s32 $0x20, s30;
	v45 =	vadd.f32 v45, v55;
	v51 =	vmul.f32 v54, v36;
	v54 =	vld [tilespmem:s11+$0x7300];
	v52 =	vsub.f32 v52, v27;
	[tilespmem:s25+$0xD180] =	vst v47  }
0x27c: {  	v47 =	vmul.f32 v57, v38;
	v56 =	vmul.f32 v58, v37;
	v55 =	vld [tilespmem:s30+$0x0];
	[tilespmem:s25+$0xD200] =	vst v48  }
0x27d: {  	v48 =	vsub.f32 v51, v28;
	v51 =	vmul.f32 v59, v39;
	v57 =	vld [tilespmem:s21+$0x7000];
	v59 =	vmul.f32 v52, v43;
	[tilespmem:s25+$0xD280] =	vst v46  }
0x27e: {  	v47 =	vsub.f32 v47, v29;
	v52 =	vmul.f32 v60, v40;
	v50 =	vmul.f32 v50, v41;
	v58 =	vld [tilespmem:s21+$0x7080];
	[tilespmem:s25+$0xD300] =	vst v49  }
0x27f: {  	v49 =	vsub.f32 v56, v30;
	v48 =	vmul.f32 v48, v53;
	v46 =	vld [tilespmem:s21+$0x7100];
	v60 =	vadd.f32 v59, v44;
	[tilespmem:s25+$0xD380] =	vst v45;
	s25 =	smov.u32 s21  }
0x280: {  	v51 =	vsub.f32 v51, v32;
	v45 =	vmul.f32 v47, v53;
	v43 =	vmovc v53;
	v54 =	vmul.f32 v54, v42;
	v47 =	vld [tilespmem:s25+$0x7180]  }
.Ltmp9:
0x281: {  	v52 =	vsub.f32 v52, v33;
	v56 =	vmul.f32 v49, v43;
	v53 =	vadd.f32 v48, v55;
	v48 =	vld [tilespmem:s25+$0x7200];
	[tilespmem:s6+$0xD000] =	vst v60;
	(pc) =	sbr.rel @p2 .LBB2_18-.Ltmp9, $4  }
0x282: {  	v59 =	vmul.f32 v51, v43;
	v50 =	vsub.f32 v50, v34;
	v45 =	vadd.f32 v45, v55;
	v44 =	vmovc v55;
	v49 =	vld [tilespmem:s25+$0x7280]  }
0x283: {  	v60 =	vsub.f32 v54, v35;
	[tilespmem:s11+$0xD000] =	vst v53;
	v53 =	vadd.f32 v56, v44;
	v56 =	vmul.f32 v52, v43;
	v51 =	vld [tilespmem:s25+$0x7300]  }
0x284: {  	v54 =	vadd.f32 v59, v44;
	v55 =	vmul.f32 v50, v43;
	v52 =	vmul.f32 v57, v36;
	[tilespmem:s11+$0xD080] =	vst v45;
	v50 =	vld [tilespmem:s25+$0x7380]  }
0x285: {  	s4 =	sadd.s32 $0x100, s4;
	v57 =	vmul.f32 v60, v43;
	[tilespmem:s11+$0xD100] =	vst v53;
	v56 =	vadd.f32 v56, v44;
	v45 =	vld [tilespmem:s1+$0x16600];
	v53 =	vmul.f32 v58, v38  }
0x286: {  	[tilespmem:s11+$0xD180] =	vst v54;
	v36 =	vadd.f32 v55, v44  }
0x287: {  	[tilespmem:s11+$0xD200] =	vst v56;
	v38 =	vadd.f32 v57, v44  }
0x288: {  	v54 =	vld [tilespmem:s1+$0x16900];
	v37 =	vmul.f32 v46, v37;
	s0 =	sor.u32 s15, s3;
	[tilespmem:s11+$0xD280] =	vst v36  }
0x289: {  	v47 =	vmul.f32 v47, v39;
	v48 =	vmul.f32 v48, v40;
	v28 =	vsub.f32 v52, v28;
	s0 =	sor.u32 $0x380, s0;
	[tilespmem:s11+$0xD300] =	vst v38  }
0x28a: {  	v49 =	vmul.f32 v49, v41;
	v29 =	vsub.f32 v53, v29;
	v52 =	vmul.f32 v51, v42;
	v53 =	vld [tilespmem:s0+$0x7000]  }
0x28b: {  	v30 =	vsub.f32 v37, v30;
	v32 =	vsub.f32 v47, v32;
	v28 =	vmul.f32 v28, v45  }
0x28c: {  	v33 =	vsub.f32 v48, v33;
	v55 =	vmul.f32 v50, v31;
	v29 =	vmul.f32 v29, v45  }
0x28d: {  	v34 =	vsub.f32 v49, v34;
	v30 =	vmul.f32 v30, v45;
	v28 =	vadd.f32 v28, v54  }
0x28e: {  	v35 =	vsub.f32 v52, v35;
	v32 =	vmul.f32 v32, v45;
	v29 =	vadd.f32 v29, v54  }
0x28f: {  	v33 =	vmul.f32 v33, v45;
	v56 =	vadd.f32 v30, v54;
	[tilespmem:s25+$0xD000] =	vst v28;
	v57 =	vmul.f32 v53, v31  }
0x290: {  	v58 =	vsub.f32 v55, v27;
	v34 =	vmul.f32 v34, v45;
	v59 =	vadd.f32 v32, v54;
	[tilespmem:s25+$0xD080] =	vst v29  }
0x291: {  	v60 =	vmul.f32 v35, v45;
	v33 =	vadd.f32 v33, v54;
	[tilespmem:s25+$0xD100] =	vst v56;
	v27 =	vsub.f32 v57, v27  }
0x292: {  	v61 =	vmul.f32 v58, v45;
	v62 =	vadd.f32 v34, v54;
	[tilespmem:s25+$0xD180] =	vst v59  }
.Ltmp10:
0x293: {  	v63 =	vadd.f32 v60, v54;
	[tilespmem:s25+$0xD200] =	vst v33;
	v27 =	vmul.f32 v27, v43;
	(pc) =	sbr.rel @p0 .LBB2_17-.Ltmp10, $4  }
0x294: {  	v28 =	vadd.f32 v61, v54;
	[tilespmem:s25+$0xD280] =	vst v62  }
0x295: {  	[tilespmem:s25+$0xD300] =	vst v63;
	v27 =	vadd.f32 v27, v44  }
0x296: {  	[tilespmem:s25+$0xD380] =	vst v28  }
0x297: {  	s1 =	simm.s32 $0x1;
	p2 =	por $0x0, $0x0;
	[tilespmem:s0+$0xD000] =	vst v27  }
0x298: {  	s0 =	sshll.u32 s9, $0x9  }
0x299: {  	s0 =	sor.u32 s17, s0  }
.Ltmp11:
0x29a: {  	s0 =	sshrl.u32 s0, $0x3;
	(pc) =	sbr.rel @p1 .LBB2_22-.Ltmp11, $3  }
0x29b: {  	s0 =	smul.u32 $0x300, s0;
	_ =	sdelay $0x1  }
0x29c: {  	s1 =	simm.s32 $0xD000;
	s0 =	sadd.s32 s12, s0  }
0x29d: {  	[hbm4b:s0+s13] =	stream.linear.scatter [tilespmem:s1], [sflag:$0x4], $0x3000, $0x38;
	[tilespmem:$0x16F00] =	vst v63  }
0x29e: {  	s0 =	sshrl.u32 s8, $0x2  }
0x29f: {  	v27 =	vld [tilespmem:s0+$0x180];
	_ =	sdelay $0x4  }
0x2a0: {  	v28 =	vshrl.u32 v27, $0x3  }
0x2a1: {  	v28 =	vmul.u32 $0x30, v28  }
0x2a2: {  	v27 =	vand.u32 $0x7, v27  }
0x2a3: {  	v27 =	vor.u32 v27, v28  }
0x2a4: {  	v28 =	vperm.xlane v27, v1;
	_ =	sdelay $0x1  }
0x2a5: {  	v28 =	vadd.s32 v2, v28;
	_ =	sdelay $0x3  }
0x2a6: {  	s21 =	simm.s32 $0x7000;
	v27 =	vperm.xlane v27, v3  }
0x2a7: {  	[tilespmem:s21], [sflag:$0x2] =	stream.indirect_vreg.gather [hbm4b:s10+s13], $0x80, v28, vm0, $0xb8;
	[tilespmem:$0x16F00] =	vst v63  }
0x2a8: {  	s25 =	simm.s32 $0x7800;
	v27 =	vadd.s32 v2, v27  }
0x2a9: {  	[tilespmem:s25], [sflag:$0x2] =	stream.indirect_vreg.gather [hbm4b:s22+s13], $0x80, v28, vm0, $0xb8;
	[tilespmem:$0x16F00] =	vst v63  }
0x2aa: {  	s26 =	simm.s32 $0x8000  }
0x2ab: {  	[tilespmem:s26], [sflag:$0x2] =	stream.indirect_vreg.gather [hbm4b:s23+s13], $0x80, v28, vm0, $0xb8;
	[tilespmem:$0x16F00] =	vst v63  }
0x2ac: {  	s28 =	simm.s32 $0x8800  }
0x2ad: {  	[tilespmem:s28], [sflag:$0x2] =	stream.indirect_vreg.gather [hbm4b:s10+s13], $0x80, v27, vm0, $0xb8;
	[tilespmem:$0x16F00] =	vst v63  }
.Ltmp12:
0x2ae: {  	_ = 	snop;
	(pc) =	sbr.rel .LBB2_4-.Ltmp12, $4  }
0x2af: {  	s30 =	simm.s32 $0x9000  }
0x2b0: {  	[tilespmem:s30], [sflag:$0x2] =	stream.indirect_vreg.gather [hbm4b:s22+s13], $0x80, v27, vm0, $0xb8;
	[tilespmem:$0x16F00] =	vst v63  }
0x2b1: {  	s31 =	simm.s32 $0x9800;
	s29 =	sadd.s32 $0x1, s29  }
0x2b2: {  	[tilespmem:s31], [sflag:$0x2] =	stream.indirect_vreg.gather [hbm4b:s23+s13], $0x80, v27, vm0, $0xb8;
	[tilespmem:$0x16F00] =	vst v63  }
.LBB2_23:
0x2b3: {  	_ =	sfence.sel $0x180000  }
0x2b4: {  	[bflag:$0x0] =	sbarrier.arrive $0xFFFF  }
0x2b5: {  	_ =	strace $0x90000047  }
0x2b6: {  	s0 =	stileid.u32;
	[bflag:$0x2] =	sbarrier.arrive $0xFFFF  }
0x2b7: {  	p0 =	sne.s32 s0, $0x0;
	s0 =	rddreg [dreg:$0x7]  }
0x2b8: {  	s0 =	sadd.s32 @!p0 $0x100000, s0  }
0x2b9: {  	[sflag:s0] =	ssyncadd.tile.s32 @!p0 $0x1;
	_ =	shalt  }
.Lfunc_end2:
_tile_overlayer_lowered:
.L_overlay_start_2:
0x2ba: {  	(tag) =	ssettag $0x2  }
0x2bb: {  	s0 =	rddreg [dreg:$0x0];
	s2 =	stileid.u32  }
0x2bc: {  	s1 =	rddreg [dreg:$0x1];
	p0 =	sne.s32 s2, $0x0  }
0x2bd: {  	s3 =	rddreg [dreg:$0x2];
	[bflag:$0x3] =	sbarrier.arrive $0xFFFF;
	s2 =	simm.s32 @!p0 $0x1C05  }
0x2be: {  	[timem:s3], [sflag:s2] =	dma.local @!p0 [hbm:s0], s1  }
0x2bf: {  	s0 =	simm.s32 @!p0 $0x5  }
0x2c0: {  	_ =	swait.ge @!p0 [sflag:s0], s1  }
0x2c1: {  	s1 =	ssub.s32 @!p0 $0x0, s1;
	[sflag:s0] =	ssyncset.done @!p0 $0x0  }
0x2c2: {  	[sflag:s0] =	ssyncadd.s32 @!p0 s1  }
0x2c3: {  	[bflag:$0x3] =	sbarrier.arrive $0xFFFF  }
0x2c4: {  	_ =	shalt  }

</sc_bundles>
